<compile_context>
chip_gen: v7x
topology: tpu7x:2x2x1
jax: 0.10.2.dev20260603
libtpu: 0.0.44.dev20260713+nightly
codegen_flags: <defaults>
</compile_context>

<pallas_src>
import functools

import jax
import jax.numpy as jnp
from jax import lax
from jax.experimental import pallas as pl
from jax.experimental.pallas import tpu as pltpu
from jax.experimental.pallas import tpu_sc as plsc

NC = 2
NS = 16
NW = NC * NS
L = 16
CHUNK = 128
NDUMMY = 64


def _mesh():
    return plsc.VectorSubcoreMesh(core_axis_name="c", subcore_axis_name="s")


def _chunk_loop(n_chunks, wid, nworkers, step):
    full_t = n_chunks // nworkers
    rem = n_chunks % nworkers

    def body(t, _):
        step(t * nworkers + wid)
        return 0

    lax.fori_loop(0, full_t, body, 0)
    if rem:
        @pl.when(wid < rem)
        def _():
            step(full_t * nworkers + wid)


def _block_loop(n_rows, s, fn):
    nblk = -(-n_rows // CHUNK)
    lastbase = n_rows - CHUNK

    def run(blk):
        fn(jnp.minimum(blk * CHUNK, lastbase))

    _chunk_loop(nblk, s, NS, run)


def _sp_zero(iota_hbm, zeros_v, ids_v, acc_sh, s, n_rows):
    def z(base):
        pltpu.sync_copy(iota_hbm.at[pl.ds(base, CHUNK)], ids_v)
        pltpu.sync_copy(zeros_v, acc_sh.at[ids_v])

    _block_loop(n_rows, s, z)


def _sp_writeout(iota_hbm, rows_v, ids_v, acc_sh, out_hbm, c, s, n_rows,
                 sem):
    def w(base):
        pltpu.sync_copy(iota_hbm.at[pl.ds(base, CHUNK)], ids_v)
        pltpu.async_copy(acc_sh.at[ids_v], rows_v, sem).wait()
        pltpu.sync_copy(rows_v, out_hbm.at[c, pl.ds(base, CHUNK)])

    _block_loop(n_rows, s, w)


def _sp_stage_in(iota_hbm, rows_v, ids_v, tab_hbm, tab_sh, s, n_rows):
    def w(base):
        pltpu.sync_copy(iota_hbm.at[pl.ds(base, CHUNK)], ids_v)
        pltpu.sync_copy(tab_hbm.at[pl.ds(base, CHUNK)], rows_v)
        pltpu.sync_copy(rows_v, tab_sh.at[ids_v])

    _block_loop(n_rows, s, w)


def _make_deg(n_nodes, n_edges):
    nch = n_edges // CHUNK

    @functools.partial(
        pl.kernel,
        out_type=jax.ShapeDtypeStruct((NC, n_nodes, L), jnp.float32),
        mesh=_mesh(),
        scratch_types=[
            pltpu.VMEM((CHUNK,), jnp.int32),
            pltpu.VMEM((CHUNK,), jnp.int32),
            pltpu.VMEM((CHUNK, L), jnp.float32),
            pltpu.VMEM((CHUNK, L), jnp.float32),
            pltpu.VMEM((CHUNK, L), jnp.float32),
            pltpu.VMEM_SHARED((n_nodes, L), jnp.float32),
            pltpu.SemaphoreType.DMA,
        ],
    )
    def deg_k(dst_hbm, iota_hbm, ones_hbm, zeros_hbm, out_hbm,
              idx_v, ids_v, ones_v, zeros_v, rows_v, acc_sh, sem):
        c = lax.axis_index("c")
        s = lax.axis_index("s")
        wid = s * NC + c

        pltpu.sync_copy(ones_hbm, ones_v)
        pltpu.sync_copy(zeros_hbm, zeros_v)
        _sp_zero(iota_hbm, zeros_v, ids_v, acc_sh, s, n_nodes)
        plsc.subcore_barrier()

        def step(ch):
            base = ch * CHUNK
            pltpu.sync_copy(dst_hbm.at[pl.ds(base, CHUNK)], idx_v)
            pltpu.sync_copy(ones_v, acc_sh.at[idx_v], add=True)

        _chunk_loop(nch, wid, NW, step)

        plsc.subcore_barrier()
        _sp_writeout(iota_hbm, rows_v, ids_v, acc_sh, out_hbm, c, s,
                     n_nodes, sem)

    return deg_k


def _make_prop(n_nodes, n_edges, width):
    nch = n_edges // CHUNK
    hn = n_nodes // NC
    acc_rows = hn + NDUMMY

    @functools.partial(
        pl.kernel,
        out_type=jax.ShapeDtypeStruct((NC, acc_rows, width), jnp.float32),
        mesh=_mesh(),
        scratch_types=[
            pltpu.VMEM((CHUNK,), jnp.int32),
            pltpu.VMEM((CHUNK,), jnp.int32),
            pltpu.VMEM((CHUNK,), jnp.int32),
            pltpu.VMEM((CHUNK, width), jnp.float32),
            pltpu.VMEM((CHUNK, width), jnp.float32),
            pltpu.VMEM_SHARED((acc_rows, width), jnp.float32),
            pltpu.SemaphoreType.DMA,
        ],
    )
    def prop_k(table_hbm, src_hbm, dstloc_hbm, iota_hbm, zeros_hbm,
               out_hbm, sidx_v, didx_v, ids_v, rows_v, zeros_v, acc_sh,
               sem):
        c = lax.axis_index("c")
        s = lax.axis_index("s")

        pltpu.sync_copy(zeros_hbm, zeros_v)
        _sp_zero(iota_hbm, zeros_v, ids_v, acc_sh, s, acc_rows)
        plsc.subcore_barrier()

        def step(ch):
            base = ch * CHUNK
            pltpu.sync_copy(src_hbm.at[pl.ds(base, CHUNK)], sidx_v)
            pltpu.sync_copy(dstloc_hbm.at[c, pl.ds(base, CHUNK)], didx_v)
            pltpu.async_copy(table_hbm.at[sidx_v], rows_v, sem).wait()
            pltpu.sync_copy(rows_v, acc_sh.at[didx_v], add=True)

        _chunk_loop(nch, s, NS, step)

        plsc.subcore_barrier()
        _sp_writeout(iota_hbm, rows_v, ids_v, acc_sh, out_hbm, c, s,
                     acc_rows, sem)

    return prop_k


def _make_deg128(n_nodes, n_edges, width):
    nch = n_edges // CHUNK
    hn = n_nodes // NC
    acc_rows = hn + NDUMMY

    @functools.partial(
        pl.kernel,
        out_type=jax.ShapeDtypeStruct((NC, acc_rows, width), jnp.float32),
        mesh=_mesh(),
        scratch_types=[
            pltpu.VMEM((CHUNK,), jnp.int32),
            pltpu.VMEM((CHUNK,), jnp.int32),
            pltpu.VMEM((CHUNK, width), jnp.float32),
            pltpu.VMEM((CHUNK, width), jnp.float32),
            pltpu.VMEM((CHUNK, width), jnp.float32),
            pltpu.VMEM_SHARED((acc_rows, width), jnp.float32),
            pltpu.SemaphoreType.DMA,
        ],
    )
    def deg_k(dstloc_hbm, iota_hbm, zeros_hbm, ones_hbm, out_hbm,
              didx_v, ids_v, rows_v, zeros_v, ones_v, acc_sh, sem):
        c = lax.axis_index("c")
        s = lax.axis_index("s")

        pltpu.sync_copy(zeros_hbm, zeros_v)
        pltpu.sync_copy(ones_hbm, ones_v)
        _sp_zero(iota_hbm, zeros_v, ids_v, acc_sh, s, acc_rows)
        plsc.subcore_barrier()

        def step(ch):
            base = ch * CHUNK
            pltpu.sync_copy(dstloc_hbm.at[c, pl.ds(base, CHUNK)], didx_v)
            pltpu.sync_copy(ones_v, acc_sh.at[didx_v], add=True)

        _chunk_loop(nch, s, NS, step)

        plsc.subcore_barrier()
        _sp_writeout(iota_hbm, rows_v, ids_v, acc_sh, out_hbm, c, s,
                     acc_rows, sem)

    return deg_k


def _make_gather4(n_nodes, n_edges, width):
    nch = n_edges // CHUNK
    out = jax.ShapeDtypeStruct((n_edges, width), jnp.float32)

    @functools.partial(
        pl.kernel,
        out_type=(out, out),
        mesh=_mesh(),
        scratch_types=[
            pltpu.VMEM((CHUNK,), jnp.int32),
            pltpu.VMEM((CHUNK, width), jnp.float32),
            pltpu.VMEM((CHUNK, width), jnp.float32),
            pltpu.SemaphoreType.DMA,
            pltpu.SemaphoreType.DMA,
        ],
    )
    def gat_k(tA, tB, src_hbm, oA, oB, idx_v, rA, rB, sA, sB):
        c = lax.axis_index("c")
        s = lax.axis_index("s")
        wid = s * NC + c

        def step(ch):
            base = ch * CHUNK
            pltpu.sync_copy(src_hbm.at[pl.ds(base, CHUNK)], idx_v)
            dA = pltpu.async_copy(tA.at[idx_v], rA, sA)
            dB = pltpu.async_copy(tB.at[idx_v], rB, sB)
            dA.wait()
            pltpu.sync_copy(rA, oA.at[pl.ds(base, CHUNK)])
            dB.wait()
            pltpu.sync_copy(rB, oB.at[pl.ds(base, CHUNK)])

        _chunk_loop(nch, wid, NW, step)

    return gat_k


def _norm_from_parts(degp_ref, hn):
    deg = jnp.concatenate(
        [degp_ref[0, :hn, 0:1], degp_ref[1, :hn, 0:1]], axis=0)
    return 1.0 / jnp.sqrt(jnp.where(deg > 0.0, deg, 1.0))


def _elu(x):
    return jnp.where(x > 0.0, x, jnp.exp(jnp.where(x > 0.0, 0.0, x)) - 1.0)


def _merge_acc(ap, hn):
    return jnp.concatenate([ap[0, :hn], ap[1, :hn]], axis=0)


def _localize_dst(dst, n_nodes):
    e = dst.shape[0]
    hn = n_nodes // NC

    def body(d_ref, out_ref):
        dd = d_ref[...]
        ii = lax.broadcasted_iota(jnp.int32, (1, e), 1)
        sink = hn + (ii & (NDUMMY - 1))
        for c in range(NC):
            dl = dd - c * hn
            ok = (dl >= 0) & (dl < hn)
            out_ref[c:c + 1, :] = jnp.where(ok, dl, sink)

    return pl.pallas_call(
        body, out_shape=jax.ShapeDtypeStruct((NC, e), jnp.int32),
    )(dst.reshape(1, e))


def _stage_a(x_F, x_S, degp, W_F1, b_F1, W_S1, b_S1):
    n = x_F.shape[0]
    hn = n // NC
    h = W_F1.shape[1]

    def body(xf, xs, dp, wf, bf, ws, bs, out):
        norm = _norm_from_parts(dp, hn)
        hf = (jnp.dot(xf[...], wf[...], preferred_element_type=jnp.float32)
              + bf[...]) * norm
        hs = (jnp.dot(xs[...], ws[...], preferred_element_type=jnp.float32)
              + bs[...]) * norm
        out[...] = jnp.concatenate([hf, hs], axis=1)

    return pl.pallas_call(
        body, out_shape=jax.ShapeDtypeStruct((n, 2 * h), jnp.float32),
    )(x_F, x_S, degp, W_F1, b_F1.reshape(1, -1), W_S1, b_S1.reshape(1, -1))


def _stage_b(acc1p, degp, W_F2, b_F2, W_S2, b_S2):
    n = NC * (degp.shape[1] - NDUMMY)
    hn = n // NC
    h = W_F2.shape[1]

    def body(ap, dp, wf, bf, ws, bs, out):
        norm = _norm_from_parts(dp, hn)
        a1 = _merge_acc(ap, hn) * norm
        hh = jnp.maximum(a1, 0.0)
        tf = (jnp.dot(hh[:, :h], wf[...], preferred_element_type=jnp.float32)
              + bf[...]) * norm
        ts = (jnp.dot(hh[:, h:], ws[...], preferred_element_type=jnp.float32)
              + bs[...]) * norm
        out[...] = jnp.concatenate([tf, ts], axis=1)

    return pl.pallas_call(
        body, out_shape=jax.ShapeDtypeStruct((n, 2 * h), jnp.float32),
    )(acc1p, degp, W_F2, b_F2.reshape(1, -1), W_S2, b_S2.reshape(1, -1))


def _stage_c(acc2p, degp, W_fs1, b_fs1, W_fs2, b_fs2,
             W_sf1, b_sf1, W_sf2, b_sf2):
    n = NC * (degp.shape[1] - NDUMMY)
    hn = n // NC
    h = W_fs1.shape[0]

    def body(ap, dp, wfs1, bfs1, wfs2, bfs2, wsf1, bsf1, wsf2, bsf2,
             tab_z, tab_d):
        norm = _norm_from_parts(dp, hn)
        z = _merge_acc(ap, hn) * norm
        zff = z[:, :h]
        zss = z[:, h:]
        tab_z[...] = z

        def dec(zz, w1, b1, w2, b2):
            t = _elu(jnp.dot(zz, w1[...], preferred_element_type=jnp.float32)
                     + b1[...])
            return jnp.dot(t, w2[...], preferred_element_type=jnp.float32) + b2[...]

        df = dec(zff, wfs1, bfs1, wfs2, bfs2)
        ds_ = dec(zss, wsf1, bsf1, wsf2, bsf2)
        tab_d[...] = jnp.concatenate([df, ds_], axis=1)

    sh = jax.ShapeDtypeStruct((n, 2 * h), jnp.float32)
    return pl.pallas_call(
        body, out_shape=(sh, sh),
    )(acc2p, degp, W_fs1, b_fs1.reshape(1, -1), W_fs2, b_fs2.reshape(1, -1),
      W_sf1, b_sf1.reshape(1, -1), W_sf2, b_sf2.reshape(1, -1))


def kernel(x_F, x_S, edge_index, W_F1, b_F1, W_F2, b_F2, W_S1, b_S1,
           W_S2, b_S2, W_fs1, b_fs1, W_fs2, b_fs2, W_sf1, b_sf1,
           W_sf2, b_sf2):
    n = x_F.shape[0]
    e = edge_index.shape[1]
    h = W_F1.shape[1]
    assert e % CHUNK == 0 and n % NC == 0

    src = edge_index[0]
    dst = edge_index[1]

    iota_n = jnp.arange(n, dtype=jnp.int32)
    zeros128 = jnp.zeros((CHUNK, 2 * h), jnp.float32)
    ones128 = jnp.ones((CHUNK, 2 * h), jnp.float32)

    dstloc = _localize_dst(dst, n)

    prop = _make_prop(n, e, 2 * h)
    degp = _make_deg128(n, e, 2 * h)(dstloc, iota_n, zeros128, ones128)
    table1 = _stage_a(x_F, x_S, degp, W_F1, b_F1, W_S1, b_S1)
    acc1p = prop(table1, src, dstloc, iota_n, zeros128)
    table2 = _stage_b(acc1p, degp, W_F2, b_F2, W_S2, b_S2)
    acc2p = prop(table2, src, dstloc, iota_n, zeros128)
    tab_z, tab_d = _stage_c(
        acc2p, degp, W_fs1, b_fs1, W_fs2, b_fs2, W_sf1, b_sf1, W_sf2, b_sf2)
    oz, od = _make_gather4(n, e, 2 * h)(tab_z, tab_d, src)
    return (oz[:, :h], oz[:, h:], od[:, :h], od[:, h:])

# --- scband reference (transcript-rebuilt; emitter-appended) ---
"""Pipeline reference for scband-gsr-pretrain-2817498546217 (READ-ONLY COPY).

The authoritative reference and input builder live on the scoring server;
editing this copy changes nothing except your own understanding.
"""

import jax, jax.numpy as jnp
import numpy as np

N = 10000
E = 320000
D_F = 128
D_S = 64
H = 64
DH = 48


def _winit(key, fan_in, fan_out):
    return jax.random.normal(key, (fan_in, fan_out), jnp.float32) * (1.0 / np.sqrt(fan_in))


def setup_inputs(seed: int = 0) -> dict:
    key = jax.random.key(seed)
    ks = jax.random.split(key, 20)
    x_F = jax.random.normal(ks[0], (N, D_F), jnp.float32)
    x_S = jax.random.normal(ks[1], (N, D_S), jnp.float32)
    edge_index = jax.random.randint(ks[2], (2, E), 0, N, dtype=jnp.int32)
    params = {
        # GCN encoder for F view (2 layers, relu between, no activation last)
        'W_F1': _winit(ks[3], D_F, H), 'b_F1': jnp.zeros((H,), jnp.float32),
        'W_F2': _winit(ks[4], H, H), 'b_F2': jnp.zeros((H,), jnp.float32),
        # GCN encoder for S view
        'W_S1': _winit(ks[5], D_S, H), 'b_S1': jnp.zeros((H,), jnp.float32),
        'W_S2': _winit(ks[6], H, H), 'b_S2': jnp.zeros((H,), jnp.float32),
        # Decoder MLP F->S (2 layers, ELU)
        'W_fs1': _winit(ks[7], H, DH), 'b_fs1': jnp.zeros((DH,), jnp.float32),
        'W_fs2': _winit(ks[8], DH, H), 'b_fs2': jnp.zeros((H,), jnp.float32),
        # Decoder MLP S->F
        'W_sf1': _winit(ks[9], H, DH), 'b_sf1': jnp.zeros((DH,), jnp.float32),
        'W_sf2': _winit(ks[10], DH, H), 'b_sf2': jnp.zeros((H,), jnp.float32),
    }
    return {'x_F': x_F, 'x_S': x_S, 'edge_index': edge_index, **params}


def _gcn2(x, src, dst, norm, W1, b1, W2, b2):
    # layer 1: h = D^-1/2 A D^-1/2 (X W) ; ReLU
    h = x @ W1 + b1
    m = h[src] * norm[src][:, None]
    a = jax.ops.segment_sum(m, dst, num_segments=N) * norm[:, None]
    h = jax.nn.relu(a)
    # layer 2: no activation last
    h = h @ W2 + b2
    m = h[src] * norm[src][:, None]
    a = jax.ops.segment_sum(m, dst, num_segments=N) * norm[:, None]
    return a


def reference(x_F, x_S, edge_index, W_F1, b_F1, W_F2, b_F2, W_S1, b_S1, W_S2, b_S2,
              W_fs1, b_fs1, W_fs2, b_fs2, W_sf1, b_sf1, W_sf2, b_sf2):
    src = edge_index[0]
    dst = edge_index[1]
    deg = jax.ops.segment_sum(jnp.ones((src.shape[0],), jnp.float32), dst, num_segments=N)
    norm = jnp.where(deg > 0, deg, 1.0) ** -0.5
    Z_F = _gcn2(x_F, src, dst, norm, W_F1, b_F1, W_F2, b_F2)
    Z_S = _gcn2(x_S, src, dst, norm, W_S1, b_S1, W_S2, b_S2)
    # mode='q': gather embeddings at the query (src) endpoint of every edge
    q = src
    zF = Z_F[q]
    zS = Z_S[q]
    # cross-view decoders (MLP with ELU)
    z_fs = jax.nn.elu(zF @ W_fs1 + b_fs1) @ W_fs2 + b_fs2  # 'F->S'
    z_sf = jax.nn.elu(zS @ W_sf1 + b_sf1) @ W_sf2 + b_sf2  # 'S->F'
    return (zF, zS, z_fs, z_sf)

if __name__ == "__main__":
    import jax
    _d = setup_inputs()
    print(jax.jit(kernel)(*tuple(_d.values())))

</pallas_src>

<mosaic_0001>
#map = affine_map<(d0, d1) -> (0, 0)>
#map1 = affine_map<(d0, d1) -> (0)>
#map2 = affine_map<(d0, d1) -> (0, 0, 0)>
module attributes {stable_mosaic.version = 14 : i64} {
  func.func @deg_k(%arg0: i32, %arg1: i32, %arg2: memref<2x320000xi32, #tpu.memory_space<hbm>>, %arg3: memref<10000xi32, #tpu.memory_space<hbm>>, %arg4: memref<128x128xf32, #tpu.memory_space<hbm>>, %arg5: memref<128x128xf32, #tpu.memory_space<hbm>>, %arg6: memref<2x5064x128xf32, #tpu.memory_space<hbm>>, %arg7: memref<128xi32, #tpu.memory_space<vmem>>, %arg8: memref<128xi32, #tpu.memory_space<vmem>>, %arg9: memref<128x128xf32, #tpu.memory_space<vmem>>, %arg10: memref<128x128xf32, #tpu.memory_space<vmem>>, %arg11: memref<128x128xf32, #tpu.memory_space<vmem>>, %arg12: memref<5064x128xf32, #tpu.memory_space<vmem_shared>>, %arg13: memref<!tpu.dma_semaphore, #tpu.memory_space<semaphore_mem>>) attributes {dimension_semantics = [#tpu.dimension_semantics<core_parallel>, #tpu.dimension_semantics<subcore_parallel>], iteration_bounds = array<i64: 2, 16>, scalar_prefetch = 0 : i64, scratch_operands = 7 : i64, tpu.core_type = #tpu.core_type<sc_vector_subcore>, window_params = [{transform_indices = #map}, {transform_indices = #map1}, {transform_indices = #map}, {transform_indices = #map}, {transform_indices = #map2}]} {
    "tpu.region"() ({
      %run_scoped3A = tpu.sem_alloc : memref<!tpu.dma_semaphore, #tpu.memory_space<semaphore_mem>>
      tpu.enqueue_dma source(%arg4 : memref<128x128xf32, #tpu.memory_space<hbm>>) target(%arg10 : memref<128x128xf32, #tpu.memory_space<vmem>>) target_semaphore(%run_scoped3A : memref<!tpu.dma_semaphore, #tpu.memory_space<semaphore_mem>>)
      tpu.wait_dma2 semaphore(%run_scoped3A : memref<!tpu.dma_semaphore, #tpu.memory_space<semaphore_mem>>) src(%arg4 : memref<128x128xf32, #tpu.memory_space<hbm>>) dst(%arg10 : memref<128x128xf32, #tpu.memory_space<vmem>>)
      tpu.yield
    }) : () -> ()
    "tpu.region"() ({
      %run_scoped3A = tpu.sem_alloc : memref<!tpu.dma_semaphore, #tpu.memory_space<semaphore_mem>>
      tpu.enqueue_dma source(%arg5 : memref<128x128xf32, #tpu.memory_space<hbm>>) target(%arg11 : memref<128x128xf32, #tpu.memory_space<vmem>>) target_semaphore(%run_scoped3A : memref<!tpu.dma_semaphore, #tpu.memory_space<semaphore_mem>>)
      tpu.wait_dma2 semaphore(%run_scoped3A : memref<!tpu.dma_semaphore, #tpu.memory_space<semaphore_mem>>) src(%arg5 : memref<128x128xf32, #tpu.memory_space<hbm>>) dst(%arg11 : memref<128x128xf32, #tpu.memory_space<vmem>>)
      tpu.yield
    }) : () -> ()
    %scan3A = arith.constant 0 : i32
    %scan3A_0 = arith.constant 0 : i32
    %scan3A_1 = arith.constant 2 : i32
    %scan3A_2 = arith.addi %scan3A_0, %scan3A_1 : i32
    %scan3A_3 = arith.constant 1 : i32
    %scan3A_4 = scf.for %scan3A_33 = %scan3A_0 to %scan3A_2 step %scan3A_3 iter_args(%scan3A_34 = %scan3A) -> (i32)  : i32 {
      %mul3A = arith.constant 16 : i32
      %mul3A_35 = arith.muli %scan3A_33, %mul3A : i32
      %add3A = arith.addi %mul3A_35, %arg1 : i32
      %mul3A_36 = arith.constant 128 : i32
      %mul3A_37 = arith.muli %add3A, %mul3A_36 : i32
      %min3A = arith.constant 4936 : i32
      %min3A_38 = arith.minsi %mul3A_37, %min3A : i32
      "tpu.region"() ({
        %run_scoped3A = tpu.sem_alloc : memref<!tpu.dma_semaphore, #tpu.memory_space<semaphore_mem>>
        %dma_start3A = tpu.memref_slice %arg3[%min3A_38] : memref<10000xi32, #tpu.memory_space<hbm>> -> memref<128xi32, #tpu.memory_space<hbm>>
        %dma_start3A_40 = tpu.memref_slice %arg3[%min3A_38] : memref<10000xi32, #tpu.memory_space<hbm>> -> memref<128xi32, #tpu.memory_space<hbm>>
        tpu.enqueue_dma source(%dma_start3A_40 : memref<128xi32, #tpu.memory_space<hbm>>) target(%arg8 : memref<128xi32, #tpu.memory_space<vmem>>) target_semaphore(%run_scoped3A : memref<!tpu.dma_semaphore, #tpu.memory_space<semaphore_mem>>)
        %dma_wait3A = tpu.memref_slice %arg3[%min3A_38] : memref<10000xi32, #tpu.memory_space<hbm>> -> memref<128xi32, #tpu.memory_space<hbm>>
        %dma_wait3A_41 = tpu.memref_slice %arg3[%min3A_38] : memref<10000xi32, #tpu.memory_space<hbm>> -> memref<128xi32, #tpu.memory_space<hbm>>
        tpu.wait_dma2 semaphore(%run_scoped3A : memref<!tpu.dma_semaphore, #tpu.memory_space<semaphore_mem>>) src(%dma_wait3A_41 : memref<128xi32, #tpu.memory_space<hbm>>) dst(%arg8 : memref<128xi32, #tpu.memory_space<vmem>>)
        tpu.yield
      }) : () -> ()
      "tpu.region"() ({
        %run_scoped3A = tpu.sem_alloc : memref<!tpu.dma_semaphore, #tpu.memory_space<semaphore_mem>>
        %dma_start3A = arith.constant 0 : i32
        %dma_start3A_40 = arith.constant 0 : i32
        %dma_start3A_41 = tpu.memref_slice %arg12[%dma_start3A, %dma_start3A_40] : memref<5064x128xf32, #tpu.memory_space<vmem_shared>> -> memref<5064x128xf32, #tpu.memory_space<vmem_shared>>
        tpu.enqueue_indirect_dma source(%arg10 : memref<128x128xf32, #tpu.memory_space<vmem>>) target(%dma_start3A_41 : memref<5064x128xf32, #tpu.memory_space<vmem_shared>>) offsets(%arg8 : memref<128xi32, #tpu.memory_space<vmem>>) semaphore(%run_scoped3A : memref<!tpu.dma_semaphore, #tpu.memory_space<semaphore_mem>>)
        %dma_wait3A = arith.constant 0 : i32
        %dma_wait3A_42 = arith.constant 0 : i32
        %dma_wait3A_43 = tpu.memref_slice %arg12[%dma_wait3A, %dma_wait3A_42] : memref<5064x128xf32, #tpu.memory_space<vmem_shared>> -> memref<5064x128xf32, #tpu.memory_space<vmem_shared>>
        tpu.wait_indirect_dma semaphore(%run_scoped3A : memref<!tpu.dma_semaphore, #tpu.memory_space<semaphore_mem>>) src(%arg10 : memref<128x128xf32, #tpu.memory_space<vmem>>) dst(%dma_wait3A_43 : memref<5064x128xf32, #tpu.memory_space<vmem_shared>>)
        tpu.yield
      }) : () -> ()
      %scan3A_39 = arith.constant 0 : i32
      scf.yield %scan3A_39 : i32
    }
    %scan3A_5 = arith.constant 2 : i32
    %lt3A = arith.constant 8 : i32
    %lt3A_6 = arith.cmpi slt, %arg1, %lt3A : i32
    %convert_element_type3A = arith.extui %lt3A_6 : i1 to i32
    %cond3A = arith.constant 0 : i32
    %cond3A_7 = arith.cmpi ne, %convert_element_type3A, %cond3A : i32
    scf.if %cond3A_7 {
      %add3A = arith.constant 32 : i32
      %add3A_33 = arith.addi %add3A, %arg1 : i32
      %mul3A = arith.constant 128 : i32
      %mul3A_34 = arith.muli %add3A_33, %mul3A : i32
      %min3A = arith.constant 4936 : i32
      %min3A_35 = arith.minsi %mul3A_34, %min3A : i32
      "tpu.region"() ({
        %run_scoped3A = tpu.sem_alloc : memref<!tpu.dma_semaphore, #tpu.memory_space<semaphore_mem>>
        %dma_start3A = tpu.memref_slice %arg3[%min3A_35] : memref<10000xi32, #tpu.memory_space<hbm>> -> memref<128xi32, #tpu.memory_space<hbm>>
        %dma_start3A_36 = tpu.memref_slice %arg3[%min3A_35] : memref<10000xi32, #tpu.memory_space<hbm>> -> memref<128xi32, #tpu.memory_space<hbm>>
        tpu.enqueue_dma source(%dma_start3A_36 : memref<128xi32, #tpu.memory_space<hbm>>) target(%arg8 : memref<128xi32, #tpu.memory_space<vmem>>) target_semaphore(%run_scoped3A : memref<!tpu.dma_semaphore, #tpu.memory_space<semaphore_mem>>)
        %dma_wait3A = tpu.memref_slice %arg3[%min3A_35] : memref<10000xi32, #tpu.memory_space<hbm>> -> memref<128xi32, #tpu.memory_space<hbm>>
        %dma_wait3A_37 = tpu.memref_slice %arg3[%min3A_35] : memref<10000xi32, #tpu.memory_space<hbm>> -> memref<128xi32, #tpu.memory_space<hbm>>
        tpu.wait_dma2 semaphore(%run_scoped3A : memref<!tpu.dma_semaphore, #tpu.memory_space<semaphore_mem>>) src(%dma_wait3A_37 : memref<128xi32, #tpu.memory_space<hbm>>) dst(%arg8 : memref<128xi32, #tpu.memory_space<vmem>>)
        tpu.yield
      }) : () -> ()
      "tpu.region"() ({
        %run_scoped3A = tpu.sem_alloc : memref<!tpu.dma_semaphore, #tpu.memory_space<semaphore_mem>>
        %dma_start3A = arith.constant 0 : i32
        %dma_start3A_36 = arith.constant 0 : i32
        %dma_start3A_37 = tpu.memref_slice %arg12[%dma_start3A, %dma_start3A_36] : memref<5064x128xf32, #tpu.memory_space<vmem_shared>> -> memref<5064x128xf32, #tpu.memory_space<vmem_shared>>
        tpu.enqueue_indirect_dma source(%arg10 : memref<128x128xf32, #tpu.memory_space<vmem>>) target(%dma_start3A_37 : memref<5064x128xf32, #tpu.memory_space<vmem_shared>>) offsets(%arg8 : memref<128xi32, #tpu.memory_space<vmem>>) semaphore(%run_scoped3A : memref<!tpu.dma_semaphore, #tpu.memory_space<semaphore_mem>>)
        %dma_wait3A = arith.constant 0 : i32
        %dma_wait3A_38 = arith.constant 0 : i32
        %dma_wait3A_39 = tpu.memref_slice %arg12[%dma_wait3A, %dma_wait3A_38] : memref<5064x128xf32, #tpu.memory_space<vmem_shared>> -> memref<5064x128xf32, #tpu.memory_space<vmem_shared>>
        tpu.wait_indirect_dma semaphore(%run_scoped3A : memref<!tpu.dma_semaphore, #tpu.memory_space<semaphore_mem>>) src(%arg10 : memref<128x128xf32, #tpu.memory_space<vmem>>) dst(%dma_wait3A_39 : memref<5064x128xf32, #tpu.memory_space<vmem_shared>>)
        tpu.yield
      }) : () -> ()
    } else {
    }
    %barrier3A = arith.constant 0 : index
    tpu.barrier barrier_id(%barrier3A)
    %scan3A_8 = arith.constant 0 : i32
    %scan3A_9 = arith.constant 0 : i32
    %scan3A_10 = arith.constant 156 : i32
    %scan3A_11 = arith.addi %scan3A_9, %scan3A_10 : i32
    %scan3A_12 = arith.constant 1 : i32
    %scan3A_13 = scf.for %scan3A_33 = %scan3A_9 to %scan3A_11 step %scan3A_12 iter_args(%scan3A_34 = %scan3A_8) -> (i32)  : i32 {
      %mul3A = arith.constant 16 : i32
      %mul3A_35 = arith.muli %scan3A_33, %mul3A : i32
      %add3A = arith.addi %mul3A_35, %arg1 : i32
      %mul3A_36 = arith.constant 128 : i32
      %mul3A_37 = arith.muli %add3A, %mul3A_36 : i32
      "tpu.region"() ({
        %run_scoped3A = tpu.sem_alloc : memref<!tpu.dma_semaphore, #tpu.memory_space<semaphore_mem>>
        %dma_start3A = tpu.memref_slice %arg2[%arg0, %mul3A_37] : memref<2x320000xi32, #tpu.memory_space<hbm>> -> memref<1x128xi32, #tpu.memory_space<hbm>>
        %dma_start3A_39 = tpu.memref_squeeze %dma_start3A : memref<1x128xi32, #tpu.memory_space<hbm>> -> memref<128xi32, #tpu.memory_space<hbm>>
        %dma_start3A_40 = tpu.memref_slice %arg2[%arg0, %mul3A_37] : memref<2x320000xi32, #tpu.memory_space<hbm>> -> memref<1x128xi32, #tpu.memory_space<hbm>>
        %dma_start3A_41 = tpu.memref_squeeze %dma_start3A_40 : memref<1x128xi32, #tpu.memory_space<hbm>> -> memref<128xi32, #tpu.memory_space<hbm>>
        tpu.enqueue_dma source(%dma_start3A_41 : memref<128xi32, #tpu.memory_space<hbm>>) target(%arg7 : memref<128xi32, #tpu.memory_space<vmem>>) target_semaphore(%run_scoped3A : memref<!tpu.dma_semaphore, #tpu.memory_space<semaphore_mem>>)
        %dma_wait3A = tpu.memref_slice %arg2[%arg0, %mul3A_37] : memref<2x320000xi32, #tpu.memory_space<hbm>> -> memref<1x128xi32, #tpu.memory_space<hbm>>
        %dma_wait3A_42 = tpu.memref_squeeze %dma_wait3A : memref<1x128xi32, #tpu.memory_space<hbm>> -> memref<128xi32, #tpu.memory_space<hbm>>
        %dma_wait3A_43 = tpu.memref_slice %arg2[%arg0, %mul3A_37] : memref<2x320000xi32, #tpu.memory_space<hbm>> -> memref<1x128xi32, #tpu.memory_space<hbm>>
        %dma_wait3A_44 = tpu.memref_squeeze %dma_wait3A_43 : memref<1x128xi32, #tpu.memory_space<hbm>> -> memref<128xi32, #tpu.memory_space<hbm>>
        tpu.wait_dma2 semaphore(%run_scoped3A : memref<!tpu.dma_semaphore, #tpu.memory_space<semaphore_mem>>) src(%dma_wait3A_44 : memref<128xi32, #tpu.memory_space<hbm>>) dst(%arg7 : memref<128xi32, #tpu.memory_space<vmem>>)
        tpu.yield
      }) : () -> ()
      "tpu.region"() ({
        %run_scoped3A = tpu.sem_alloc : memref<!tpu.dma_semaphore, #tpu.memory_space<semaphore_mem>>
        %dma_start3A = arith.constant 0 : i32
        %dma_start3A_39 = arith.constant 0 : i32
        %dma_start3A_40 = tpu.memref_slice %arg12[%dma_start3A, %dma_start3A_39] : memref<5064x128xf32, #tpu.memory_space<vmem_shared>> -> memref<5064x128xf32, #tpu.memory_space<vmem_shared>>
        tpu.enqueue_indirect_dma source(%arg11 : memref<128x128xf32, #tpu.memory_space<vmem>>) target(%dma_start3A_40 : memref<5064x128xf32, #tpu.memory_space<vmem_shared>>) offsets(%arg7 : memref<128xi32, #tpu.memory_space<vmem>>) semaphore(%run_scoped3A : memref<!tpu.dma_semaphore, #tpu.memory_space<semaphore_mem>>) {add = true}
        %dma_wait3A = arith.constant 0 : i32
        %dma_wait3A_41 = arith.constant 0 : i32
        %dma_wait3A_42 = tpu.memref_slice %arg12[%dma_wait3A, %dma_wait3A_41] : memref<5064x128xf32, #tpu.memory_space<vmem_shared>> -> memref<5064x128xf32, #tpu.memory_space<vmem_shared>>
        tpu.wait_indirect_dma semaphore(%run_scoped3A : memref<!tpu.dma_semaphore, #tpu.memory_space<semaphore_mem>>) src(%arg11 : memref<128x128xf32, #tpu.memory_space<vmem>>) dst(%dma_wait3A_42 : memref<5064x128xf32, #tpu.memory_space<vmem_shared>>)
        tpu.yield
      }) : () -> ()
      %scan3A_38 = arith.constant 0 : i32
      scf.yield %scan3A_38 : i32
    }
    %scan3A_14 = arith.constant 156 : i32
    %lt3A_15 = arith.constant 4 : i32
    %lt3A_16 = arith.cmpi slt, %arg1, %lt3A_15 : i32
    %convert_element_type3A_17 = arith.extui %lt3A_16 : i1 to i32
    %cond3A_18 = arith.constant 0 : i32
    %cond3A_19 = arith.cmpi ne, %convert_element_type3A_17, %cond3A_18 : i32
    scf.if %cond3A_19 {
      %add3A = arith.constant 2496 : i32
      %add3A_33 = arith.addi %add3A, %arg1 : i32
      %mul3A = arith.constant 128 : i32
      %mul3A_34 = arith.muli %add3A_33, %mul3A : i32
      "tpu.region"() ({
        %run_scoped3A = tpu.sem_alloc : memref<!tpu.dma_semaphore, #tpu.memory_space<semaphore_mem>>
        %dma_start3A = tpu.memref_slice %arg2[%arg0, %mul3A_34] : memref<2x320000xi32, #tpu.memory_space<hbm>> -> memref<1x128xi32, #tpu.memory_space<hbm>>
        %dma_start3A_35 = tpu.memref_squeeze %dma_start3A : memref<1x128xi32, #tpu.memory_space<hbm>> -> memref<128xi32, #tpu.memory_space<hbm>>
        %dma_start3A_36 = tpu.memref_slice %arg2[%arg0, %mul3A_34] : memref<2x320000xi32, #tpu.memory_space<hbm>> -> memref<1x128xi32, #tpu.memory_space<hbm>>
        %dma_start3A_37 = tpu.memref_squeeze %dma_start3A_36 : memref<1x128xi32, #tpu.memory_space<hbm>> -> memref<128xi32, #tpu.memory_space<hbm>>
        tpu.enqueue_dma source(%dma_start3A_37 : memref<128xi32, #tpu.memory_space<hbm>>) target(%arg7 : memref<128xi32, #tpu.memory_space<vmem>>) target_semaphore(%run_scoped3A : memref<!tpu.dma_semaphore, #tpu.memory_space<semaphore_mem>>)
        %dma_wait3A = tpu.memref_slice %arg2[%arg0, %mul3A_34] : memref<2x320000xi32, #tpu.memory_space<hbm>> -> memref<1x128xi32, #tpu.memory_space<hbm>>
        %dma_wait3A_38 = tpu.memref_squeeze %dma_wait3A : memref<1x128xi32, #tpu.memory_space<hbm>> -> memref<128xi32, #tpu.memory_space<hbm>>
        %dma_wait3A_39 = tpu.memref_slice %arg2[%arg0, %mul3A_34] : memref<2x320000xi32, #tpu.memory_space<hbm>> -> memref<1x128xi32, #tpu.memory_space<hbm>>
        %dma_wait3A_40 = tpu.memref_squeeze %dma_wait3A_39 : memref<1x128xi32, #tpu.memory_space<hbm>> -> memref<128xi32, #tpu.memory_space<hbm>>
        tpu.wait_dma2 semaphore(%run_scoped3A : memref<!tpu.dma_semaphore, #tpu.memory_space<semaphore_mem>>) src(%dma_wait3A_40 : memref<128xi32, #tpu.memory_space<hbm>>) dst(%arg7 : memref<128xi32, #tpu.memory_space<vmem>>)
        tpu.yield
      }) : () -> ()
      "tpu.region"() ({
        %run_scoped3A = tpu.sem_alloc : memref<!tpu.dma_semaphore, #tpu.memory_space<semaphore_mem>>
        %dma_start3A = arith.constant 0 : i32
        %dma_start3A_35 = arith.constant 0 : i32
        %dma_start3A_36 = tpu.memref_slice %arg12[%dma_start3A, %dma_start3A_35] : memref<5064x128xf32, #tpu.memory_space<vmem_shared>> -> memref<5064x128xf32, #tpu.memory_space<vmem_shared>>
        tpu.enqueue_indirect_dma source(%arg11 : memref<128x128xf32, #tpu.memory_space<vmem>>) target(%dma_start3A_36 : memref<5064x128xf32, #tpu.memory_space<vmem_shared>>) offsets(%arg7 : memref<128xi32, #tpu.memory_space<vmem>>) semaphore(%run_scoped3A : memref<!tpu.dma_semaphore, #tpu.memory_space<semaphore_mem>>) {add = true}
        %dma_wait3A = arith.constant 0 : i32
        %dma_wait3A_37 = arith.constant 0 : i32
        %dma_wait3A_38 = tpu.memref_slice %arg12[%dma_wait3A, %dma_wait3A_37] : memref<5064x128xf32, #tpu.memory_space<vmem_shared>> -> memref<5064x128xf32, #tpu.memory_space<vmem_shared>>
        tpu.wait_indirect_dma semaphore(%run_scoped3A : memref<!tpu.dma_semaphore, #tpu.memory_space<semaphore_mem>>) src(%arg11 : memref<128x128xf32, #tpu.memory_space<vmem>>) dst(%dma_wait3A_38 : memref<5064x128xf32, #tpu.memory_space<vmem_shared>>)
        tpu.yield
      }) : () -> ()
    } else {
    }
    %barrier3A_20 = arith.constant 0 : index
    tpu.barrier barrier_id(%barrier3A_20)
    %scan3A_21 = arith.constant 0 : i32
    %scan3A_22 = arith.constant 0 : i32
    %scan3A_23 = arith.constant 2 : i32
    %scan3A_24 = arith.addi %scan3A_22, %scan3A_23 : i32
    %scan3A_25 = arith.constant 1 : i32
    %scan3A_26 = scf.for %scan3A_33 = %scan3A_22 to %scan3A_24 step %scan3A_25 iter_args(%scan3A_34 = %scan3A_21) -> (i32)  : i32 {
      %mul3A = arith.constant 16 : i32
      %mul3A_35 = arith.muli %scan3A_33, %mul3A : i32
      %add3A = arith.addi %mul3A_35, %arg1 : i32
      %mul3A_36 = arith.constant 128 : i32
      %mul3A_37 = arith.muli %add3A, %mul3A_36 : i32
      %min3A = arith.constant 4936 : i32
      %min3A_38 = arith.minsi %mul3A_37, %min3A : i32
      "tpu.region"() ({
        %run_scoped3A = tpu.sem_alloc : memref<!tpu.dma_semaphore, #tpu.memory_space<semaphore_mem>>
        %dma_start3A_44 = tpu.memref_slice %arg3[%min3A_38] : memref<10000xi32, #tpu.memory_space<hbm>> -> memref<128xi32, #tpu.memory_space<hbm>>
        %dma_start3A_45 = tpu.memref_slice %arg3[%min3A_38] : memref<10000xi32, #tpu.memory_space<hbm>> -> memref<128xi32, #tpu.memory_space<hbm>>
        tpu.enqueue_dma source(%dma_start3A_45 : memref<128xi32, #tpu.memory_space<hbm>>) target(%arg8 : memref<128xi32, #tpu.memory_space<vmem>>) target_semaphore(%run_scoped3A : memref<!tpu.dma_semaphore, #tpu.memory_space<semaphore_mem>>)
        %dma_wait3A_46 = tpu.memref_slice %arg3[%min3A_38] : memref<10000xi32, #tpu.memory_space<hbm>> -> memref<128xi32, #tpu.memory_space<hbm>>
        %dma_wait3A_47 = tpu.memref_slice %arg3[%min3A_38] : memref<10000xi32, #tpu.memory_space<hbm>> -> memref<128xi32, #tpu.memory_space<hbm>>
        tpu.wait_dma2 semaphore(%run_scoped3A : memref<!tpu.dma_semaphore, #tpu.memory_space<semaphore_mem>>) src(%dma_wait3A_47 : memref<128xi32, #tpu.memory_space<hbm>>) dst(%arg8 : memref<128xi32, #tpu.memory_space<vmem>>)
        tpu.yield
      }) : () -> ()
      %dma_start3A = arith.constant 0 : i32
      %dma_start3A_39 = arith.constant 0 : i32
      %dma_start3A_40 = tpu.memref_slice %arg12[%dma_start3A, %dma_start3A_39] : memref<5064x128xf32, #tpu.memory_space<vmem_shared>> -> memref<5064x128xf32, #tpu.memory_space<vmem_shared>>
      tpu.enqueue_indirect_dma source(%dma_start3A_40 : memref<5064x128xf32, #tpu.memory_space<vmem_shared>>) target(%arg9 : memref<128x128xf32, #tpu.memory_space<vmem>>) offsets(%arg8 : memref<128xi32, #tpu.memory_space<vmem>>) semaphore(%arg13 : memref<!tpu.dma_semaphore, #tpu.memory_space<semaphore_mem>>)
      %dma_wait3A = arith.constant 0 : i32
      %dma_wait3A_41 = arith.constant 0 : i32
      %dma_wait3A_42 = tpu.memref_slice %arg12[%dma_wait3A, %dma_wait3A_41] : memref<5064x128xf32, #tpu.memory_space<vmem_shared>> -> memref<5064x128xf32, #tpu.memory_space<vmem_shared>>
      tpu.wait_indirect_dma semaphore(%arg13 : memref<!tpu.dma_semaphore, #tpu.memory_space<semaphore_mem>>) src(%dma_wait3A_42 : memref<5064x128xf32, #tpu.memory_space<vmem_shared>>) dst(%arg9 : memref<128x128xf32, #tpu.memory_space<vmem>>)
      "tpu.region"() ({
        %run_scoped3A = tpu.sem_alloc : memref<!tpu.dma_semaphore, #tpu.memory_space<semaphore_mem>>
        %dma_start3A_44 = arith.constant 0 : i32
        %dma_start3A_45 = tpu.memref_slice %arg6[%arg0, %min3A_38, %dma_start3A_44] : memref<2x5064x128xf32, #tpu.memory_space<hbm>> -> memref<1x128x128xf32, #tpu.memory_space<hbm>>
        %dma_start3A_46 = tpu.memref_squeeze %dma_start3A_45 : memref<1x128x128xf32, #tpu.memory_space<hbm>> -> memref<128x128xf32, #tpu.memory_space<hbm>>
        %dma_start3A_47 = arith.constant 0 : i32
        %dma_start3A_48 = tpu.memref_slice %arg6[%arg0, %min3A_38, %dma_start3A_47] : memref<2x5064x128xf32, #tpu.memory_space<hbm>> -> memref<1x128x128xf32, #tpu.memory_space<hbm>>
        %dma_start3A_49 = tpu.memref_squeeze %dma_start3A_48 : memref<1x128x128xf32, #tpu.memory_space<hbm>> -> memref<128x128xf32, #tpu.memory_space<hbm>>
        tpu.enqueue_dma source(%arg9 : memref<128x128xf32, #tpu.memory_space<vmem>>) target(%dma_start3A_49 : memref<128x128xf32, #tpu.memory_space<hbm>>) target_semaphore(%run_scoped3A : memref<!tpu.dma_semaphore, #tpu.memory_space<semaphore_mem>>)
        %dma_wait3A_50 = arith.constant 0 : i32
        %dma_wait3A_51 = tpu.memref_slice %arg6[%arg0, %min3A_38, %dma_wait3A_50] : memref<2x5064x128xf32, #tpu.memory_space<hbm>> -> memref<1x128x128xf32, #tpu.memory_space<hbm>>
        %dma_wait3A_52 = tpu.memref_squeeze %dma_wait3A_51 : memref<1x128x128xf32, #tpu.memory_space<hbm>> -> memref<128x128xf32, #tpu.memory_space<hbm>>
        %dma_wait3A_53 = arith.constant 0 : i32
        %dma_wait3A_54 = tpu.memref_slice %arg6[%arg0, %min3A_38, %dma_wait3A_53] : memref<2x5064x128xf32, #tpu.memory_space<hbm>> -> memref<1x128x128xf32, #tpu.memory_space<hbm>>
        %dma_wait3A_55 = tpu.memref_squeeze %dma_wait3A_54 : memref<1x128x128xf32, #tpu.memory_space<hbm>> -> memref<128x128xf32, #tpu.memory_space<hbm>>
        tpu.wait_dma2 semaphore(%run_scoped3A : memref<!tpu.dma_semaphore, #tpu.memory_space<semaphore_mem>>) src(%arg9 : memref<128x128xf32, #tpu.memory_space<vmem>>) dst(%dma_wait3A_55 : memref<128x128xf32, #tpu.memory_space<hbm>>)
        tpu.yield
      }) : () -> ()
      %scan3A_43 = arith.constant 0 : i32
      scf.yield %scan3A_43 : i32
    }
    %scan3A_27 = arith.constant 2 : i32
    %lt3A_28 = arith.constant 8 : i32
    %lt3A_29 = arith.cmpi slt, %arg1, %lt3A_28 : i32
    %convert_element_type3A_30 = arith.extui %lt3A_29 : i1 to i32
    %cond3A_31 = arith.constant 0 : i32
    %cond3A_32 = arith.cmpi ne, %convert_element_type3A_30, %cond3A_31 : i32
    scf.if %cond3A_32 {
      %add3A = arith.constant 32 : i32
      %add3A_33 = arith.addi %add3A, %arg1 : i32
      %mul3A = arith.constant 128 : i32
      %mul3A_34 = arith.muli %add3A_33, %mul3A : i32
      %min3A = arith.constant 4936 : i32
      %min3A_35 = arith.minsi %mul3A_34, %min3A : i32
      "tpu.region"() ({
        %run_scoped3A = tpu.sem_alloc : memref<!tpu.dma_semaphore, #tpu.memory_space<semaphore_mem>>
        %dma_start3A_40 = tpu.memref_slice %arg3[%min3A_35] : memref<10000xi32, #tpu.memory_space<hbm>> -> memref<128xi32, #tpu.memory_space<hbm>>
        %dma_start3A_41 = tpu.memref_slice %arg3[%min3A_35] : memref<10000xi32, #tpu.memory_space<hbm>> -> memref<128xi32, #tpu.memory_space<hbm>>
        tpu.enqueue_dma source(%dma_start3A_41 : memref<128xi32, #tpu.memory_space<hbm>>) target(%arg8 : memref<128xi32, #tpu.memory_space<vmem>>) target_semaphore(%run_scoped3A : memref<!tpu.dma_semaphore, #tpu.memory_space<semaphore_mem>>)
        %dma_wait3A_42 = tpu.memref_slice %arg3[%min3A_35] : memref<10000xi32, #tpu.memory_space<hbm>> -> memref<128xi32, #tpu.memory_space<hbm>>
        %dma_wait3A_43 = tpu.memref_slice %arg3[%min3A_35] : memref<10000xi32, #tpu.memory_space<hbm>> -> memref<128xi32, #tpu.memory_space<hbm>>
        tpu.wait_dma2 semaphore(%run_scoped3A : memref<!tpu.dma_semaphore, #tpu.memory_space<semaphore_mem>>) src(%dma_wait3A_43 : memref<128xi32, #tpu.memory_space<hbm>>) dst(%arg8 : memref<128xi32, #tpu.memory_space<vmem>>)
        tpu.yield
      }) : () -> ()
      %dma_start3A = arith.constant 0 : i32
      %dma_start3A_36 = arith.constant 0 : i32
      %dma_start3A_37 = tpu.memref_slice %arg12[%dma_start3A, %dma_start3A_36] : memref<5064x128xf32, #tpu.memory_space<vmem_shared>> -> memref<5064x128xf32, #tpu.memory_space<vmem_shared>>
      tpu.enqueue_indirect_dma source(%dma_start3A_37 : memref<5064x128xf32, #tpu.memory_space<vmem_shared>>) target(%arg9 : memref<128x128xf32, #tpu.memory_space<vmem>>) offsets(%arg8 : memref<128xi32, #tpu.memory_space<vmem>>) semaphore(%arg13 : memref<!tpu.dma_semaphore, #tpu.memory_space<semaphore_mem>>)
      %dma_wait3A = arith.constant 0 : i32
      %dma_wait3A_38 = arith.constant 0 : i32
      %dma_wait3A_39 = tpu.memref_slice %arg12[%dma_wait3A, %dma_wait3A_38] : memref<5064x128xf32, #tpu.memory_space<vmem_shared>> -> memref<5064x128xf32, #tpu.memory_space<vmem_shared>>
      tpu.wait_indirect_dma semaphore(%arg13 : memref<!tpu.dma_semaphore, #tpu.memory_space<semaphore_mem>>) src(%dma_wait3A_39 : memref<5064x128xf32, #tpu.memory_space<vmem_shared>>) dst(%arg9 : memref<128x128xf32, #tpu.memory_space<vmem>>)
      "tpu.region"() ({
        %run_scoped3A = tpu.sem_alloc : memref<!tpu.dma_semaphore, #tpu.memory_space<semaphore_mem>>
        %dma_start3A_40 = arith.constant 0 : i32
        %dma_start3A_41 = tpu.memref_slice %arg6[%arg0, %min3A_35, %dma_start3A_40] : memref<2x5064x128xf32, #tpu.memory_space<hbm>> -> memref<1x128x128xf32, #tpu.memory_space<hbm>>
        %dma_start3A_42 = tpu.memref_squeeze %dma_start3A_41 : memref<1x128x128xf32, #tpu.memory_space<hbm>> -> memref<128x128xf32, #tpu.memory_space<hbm>>
        %dma_start3A_43 = arith.constant 0 : i32
        %dma_start3A_44 = tpu.memref_slice %arg6[%arg0, %min3A_35, %dma_start3A_43] : memref<2x5064x128xf32, #tpu.memory_space<hbm>> -> memref<1x128x128xf32, #tpu.memory_space<hbm>>
        %dma_start3A_45 = tpu.memref_squeeze %dma_start3A_44 : memref<1x128x128xf32, #tpu.memory_space<hbm>> -> memref<128x128xf32, #tpu.memory_space<hbm>>
        tpu.enqueue_dma source(%arg9 : memref<128x128xf32, #tpu.memory_space<vmem>>) target(%dma_start3A_45 : memref<128x128xf32, #tpu.memory_space<hbm>>) target_semaphore(%run_scoped3A : memref<!tpu.dma_semaphore, #tpu.memory_space<semaphore_mem>>)
        %dma_wait3A_46 = arith.constant 0 : i32
        %dma_wait3A_47 = tpu.memref_slice %arg6[%arg0, %min3A_35, %dma_wait3A_46] : memref<2x5064x128xf32, #tpu.memory_space<hbm>> -> memref<1x128x128xf32, #tpu.memory_space<hbm>>
        %dma_wait3A_48 = tpu.memref_squeeze %dma_wait3A_47 : memref<1x128x128xf32, #tpu.memory_space<hbm>> -> memref<128x128xf32, #tpu.memory_space<hbm>>
        %dma_wait3A_49 = arith.constant 0 : i32
        %dma_wait3A_50 = tpu.memref_slice %arg6[%arg0, %min3A_35, %dma_wait3A_49] : memref<2x5064x128xf32, #tpu.memory_space<hbm>> -> memref<1x128x128xf32, #tpu.memory_space<hbm>>
        %dma_wait3A_51 = tpu.memref_squeeze %dma_wait3A_50 : memref<1x128x128xf32, #tpu.memory_space<hbm>> -> memref<128x128xf32, #tpu.memory_space<hbm>>
        tpu.wait_dma2 semaphore(%run_scoped3A : memref<!tpu.dma_semaphore, #tpu.memory_space<semaphore_mem>>) src(%arg9 : memref<128x128xf32, #tpu.memory_space<vmem>>) dst(%dma_wait3A_51 : memref<128x128xf32, #tpu.memory_space<hbm>>)
        tpu.yield
      }) : () -> ()
    } else {
    }
    return
  }
}

#map = affine_map<(d0, d1) -> (0, 0)>
#map1 = affine_map<(d0, d1) -> (0)>
#map2 = affine_map<(d0, d1) -> (0, 0, 0)>
module attributes {stable_mosaic.version = 14 : i64} {
  func.func @prop_k(%arg0: i32, %arg1: i32, %arg2: memref<10000x128xf32, #tpu.memory_space<hbm>>, %arg3: memref<320000xi32, #tpu.memory_space<hbm>>, %arg4: memref<2x320000xi32, #tpu.memory_space<hbm>>, %arg5: memref<10000xi32, #tpu.memory_space<hbm>>, %arg6: memref<128x128xf32, #tpu.memory_space<hbm>>, %arg7: memref<2x5064x128xf32, #tpu.memory_space<hbm>>, %arg8: memref<128xi32, #tpu.memory_space<vmem>>, %arg9: memref<128xi32, #tpu.memory_space<vmem>>, %arg10: memref<128xi32, #tpu.memory_space<vmem>>, %arg11: memref<128x128xf32, #tpu.memory_space<vmem>>, %arg12: memref<128x128xf32, #tpu.memory_space<vmem>>, %arg13: memref<5064x128xf32, #tpu.memory_space<vmem_shared>>, %arg14: memref<!tpu.dma_semaphore, #tpu.memory_space<semaphore_mem>>) attributes {dimension_semantics = [#tpu.dimension_semantics<core_parallel>, #tpu.dimension_semantics<subcore_parallel>], iteration_bounds = array<i64: 2, 16>, scalar_prefetch = 0 : i64, scratch_operands = 7 : i64, tpu.core_type = #tpu.core_type<sc_vector_subcore>, window_params = [{transform_indices = #map}, {transform_indices = #map1}, {transform_indices = #map}, {transform_indices = #map1}, {transform_indices = #map}, {transform_indices = #map2}]} {
    "tpu.region"() ({
      %run_scoped3A = tpu.sem_alloc : memref<!tpu.dma_semaphore, #tpu.memory_space<semaphore_mem>>
      tpu.enqueue_dma source(%arg6 : memref<128x128xf32, #tpu.memory_space<hbm>>) target(%arg12 : memref<128x128xf32, #tpu.memory_space<vmem>>) target_semaphore(%run_scoped3A : memref<!tpu.dma_semaphore, #tpu.memory_space<semaphore_mem>>)
      tpu.wait_dma2 semaphore(%run_scoped3A : memref<!tpu.dma_semaphore, #tpu.memory_space<semaphore_mem>>) src(%arg6 : memref<128x128xf32, #tpu.memory_space<hbm>>) dst(%arg12 : memref<128x128xf32, #tpu.memory_space<vmem>>)
      tpu.yield
    }) : () -> ()
    %scan3A = arith.constant 0 : i32
    %scan3A_0 = arith.constant 0 : i32
    %scan3A_1 = arith.constant 2 : i32
    %scan3A_2 = arith.addi %scan3A_0, %scan3A_1 : i32
    %scan3A_3 = arith.constant 1 : i32
    %scan3A_4 = scf.for %scan3A_33 = %scan3A_0 to %scan3A_2 step %scan3A_3 iter_args(%scan3A_34 = %scan3A) -> (i32)  : i32 {
      %mul3A = arith.constant 16 : i32
      %mul3A_35 = arith.muli %scan3A_33, %mul3A : i32
      %add3A = arith.addi %mul3A_35, %arg1 : i32
      %mul3A_36 = arith.constant 128 : i32
      %mul3A_37 = arith.muli %add3A, %mul3A_36 : i32
      %min3A = arith.constant 4936 : i32
      %min3A_38 = arith.minsi %mul3A_37, %min3A : i32
      "tpu.region"() ({
        %run_scoped3A = tpu.sem_alloc : memref<!tpu.dma_semaphore, #tpu.memory_space<semaphore_mem>>
        %dma_start3A = tpu.memref_slice %arg5[%min3A_38] : memref<10000xi32, #tpu.memory_space<hbm>> -> memref<128xi32, #tpu.memory_space<hbm>>
        %dma_start3A_40 = tpu.memref_slice %arg5[%min3A_38] : memref<10000xi32, #tpu.memory_space<hbm>> -> memref<128xi32, #tpu.memory_space<hbm>>
        tpu.enqueue_dma source(%dma_start3A_40 : memref<128xi32, #tpu.memory_space<hbm>>) target(%arg10 : memref<128xi32, #tpu.memory_space<vmem>>) target_semaphore(%run_scoped3A : memref<!tpu.dma_semaphore, #tpu.memory_space<semaphore_mem>>)
        %dma_wait3A = tpu.memref_slice %arg5[%min3A_38] : memref<10000xi32, #tpu.memory_space<hbm>> -> memref<128xi32, #tpu.memory_space<hbm>>
        %dma_wait3A_41 = tpu.memref_slice %arg5[%min3A_38] : memref<10000xi32, #tpu.memory_space<hbm>> -> memref<128xi32, #tpu.memory_space<hbm>>
        tpu.wait_dma2 semaphore(%run_scoped3A : memref<!tpu.dma_semaphore, #tpu.memory_space<semaphore_mem>>) src(%dma_wait3A_41 : memref<128xi32, #tpu.memory_space<hbm>>) dst(%arg10 : memref<128xi32, #tpu.memory_space<vmem>>)
        tpu.yield
      }) : () -> ()
      "tpu.region"() ({
        %run_scoped3A = tpu.sem_alloc : memref<!tpu.dma_semaphore, #tpu.memory_space<semaphore_mem>>
        %dma_start3A = arith.constant 0 : i32
        %dma_start3A_40 = arith.constant 0 : i32
        %dma_start3A_41 = tpu.memref_slice %arg13[%dma_start3A, %dma_start3A_40] : memref<5064x128xf32, #tpu.memory_space<vmem_shared>> -> memref<5064x128xf32, #tpu.memory_space<vmem_shared>>
        tpu.enqueue_indirect_dma source(%arg12 : memref<128x128xf32, #tpu.memory_space<vmem>>) target(%dma_start3A_41 : memref<5064x128xf32, #tpu.memory_space<vmem_shared>>) offsets(%arg10 : memref<128xi32, #tpu.memory_space<vmem>>) semaphore(%run_scoped3A : memref<!tpu.dma_semaphore, #tpu.memory_space<semaphore_mem>>)
        %dma_wait3A = arith.constant 0 : i32
        %dma_wait3A_42 = arith.constant 0 : i32
        %dma_wait3A_43 = tpu.memref_slice %arg13[%dma_wait3A, %dma_wait3A_42] : memref<5064x128xf32, #tpu.memory_space<vmem_shared>> -> memref<5064x128xf32, #tpu.memory_space<vmem_shared>>
        tpu.wait_indirect_dma semaphore(%run_scoped3A : memref<!tpu.dma_semaphore, #tpu.memory_space<semaphore_mem>>) src(%arg12 : memref<128x128xf32, #tpu.memory_space<vmem>>) dst(%dma_wait3A_43 : memref<5064x128xf32, #tpu.memory_space<vmem_shared>>)
        tpu.yield
      }) : () -> ()
      %scan3A_39 = arith.constant 0 : i32
      scf.yield %scan3A_39 : i32
    }
    %scan3A_5 = arith.constant 2 : i32
    %lt3A = arith.constant 8 : i32
    %lt3A_6 = arith.cmpi slt, %arg1, %lt3A : i32
    %convert_element_type3A = arith.extui %lt3A_6 : i1 to i32
    %cond3A = arith.constant 0 : i32
    %cond3A_7 = arith.cmpi ne, %convert_element_type3A, %cond3A : i32
    scf.if %cond3A_7 {
      %add3A = arith.constant 32 : i32
      %add3A_33 = arith.addi %add3A, %arg1 : i32
      %mul3A = arith.constant 128 : i32
      %mul3A_34 = arith.muli %add3A_33, %mul3A : i32
      %min3A = arith.constant 4936 : i32
      %min3A_35 = arith.minsi %mul3A_34, %min3A : i32
      "tpu.region"() ({
        %run_scoped3A = tpu.sem_alloc : memref<!tpu.dma_semaphore, #tpu.memory_space<semaphore_mem>>
        %dma_start3A = tpu.memref_slice %arg5[%min3A_35] : memref<10000xi32, #tpu.memory_space<hbm>> -> memref<128xi32, #tpu.memory_space<hbm>>
        %dma_start3A_36 = tpu.memref_slice %arg5[%min3A_35] : memref<10000xi32, #tpu.memory_space<hbm>> -> memref<128xi32, #tpu.memory_space<hbm>>
        tpu.enqueue_dma source(%dma_start3A_36 : memref<128xi32, #tpu.memory_space<hbm>>) target(%arg10 : memref<128xi32, #tpu.memory_space<vmem>>) target_semaphore(%run_scoped3A : memref<!tpu.dma_semaphore, #tpu.memory_space<semaphore_mem>>)
        %dma_wait3A = tpu.memref_slice %arg5[%min3A_35] : memref<10000xi32, #tpu.memory_space<hbm>> -> memref<128xi32, #tpu.memory_space<hbm>>
        %dma_wait3A_37 = tpu.memref_slice %arg5[%min3A_35] : memref<10000xi32, #tpu.memory_space<hbm>> -> memref<128xi32, #tpu.memory_space<hbm>>
        tpu.wait_dma2 semaphore(%run_scoped3A : memref<!tpu.dma_semaphore, #tpu.memory_space<semaphore_mem>>) src(%dma_wait3A_37 : memref<128xi32, #tpu.memory_space<hbm>>) dst(%arg10 : memref<128xi32, #tpu.memory_space<vmem>>)
        tpu.yield
      }) : () -> ()
      "tpu.region"() ({
        %run_scoped3A = tpu.sem_alloc : memref<!tpu.dma_semaphore, #tpu.memory_space<semaphore_mem>>
        %dma_start3A = arith.constant 0 : i32
        %dma_start3A_36 = arith.constant 0 : i32
        %dma_start3A_37 = tpu.memref_slice %arg13[%dma_start3A, %dma_start3A_36] : memref<5064x128xf32, #tpu.memory_space<vmem_shared>> -> memref<5064x128xf32, #tpu.memory_space<vmem_shared>>
        tpu.enqueue_indirect_dma source(%arg12 : memref<128x128xf32, #tpu.memory_space<vmem>>) target(%dma_start3A_37 : memref<5064x128xf32, #tpu.memory_space<vmem_shared>>) offsets(%arg10 : memref<128xi32, #tpu.memory_space<vmem>>) semaphore(%run_scoped3A : memref<!tpu.dma_semaphore, #tpu.memory_space<semaphore_mem>>)
        %dma_wait3A = arith.constant 0 : i32
        %dma_wait3A_38 = arith.constant 0 : i32
        %dma_wait3A_39 = tpu.memref_slice %arg13[%dma_wait3A, %dma_wait3A_38] : memref<5064x128xf32, #tpu.memory_space<vmem_shared>> -> memref<5064x128xf32, #tpu.memory_space<vmem_shared>>
        tpu.wait_indirect_dma semaphore(%run_scoped3A : memref<!tpu.dma_semaphore, #tpu.memory_space<semaphore_mem>>) src(%arg12 : memref<128x128xf32, #tpu.memory_space<vmem>>) dst(%dma_wait3A_39 : memref<5064x128xf32, #tpu.memory_space<vmem_shared>>)
        tpu.yield
      }) : () -> ()
    } else {
    }
    %barrier3A = arith.constant 0 : index
    tpu.barrier barrier_id(%barrier3A)
    %scan3A_8 = arith.constant 0 : i32
    %scan3A_9 = arith.constant 0 : i32
    %scan3A_10 = arith.constant 156 : i32
    %scan3A_11 = arith.addi %scan3A_9, %scan3A_10 : i32
    %scan3A_12 = arith.constant 1 : i32
    %scan3A_13 = scf.for %scan3A_33 = %scan3A_9 to %scan3A_11 step %scan3A_12 iter_args(%scan3A_34 = %scan3A_8) -> (i32)  : i32 {
      %mul3A = arith.constant 16 : i32
      %mul3A_35 = arith.muli %scan3A_33, %mul3A : i32
      %add3A = arith.addi %mul3A_35, %arg1 : i32
      %mul3A_36 = arith.constant 128 : i32
      %mul3A_37 = arith.muli %add3A, %mul3A_36 : i32
      "tpu.region"() ({
        %run_scoped3A = tpu.sem_alloc : memref<!tpu.dma_semaphore, #tpu.memory_space<semaphore_mem>>
        %dma_start3A_43 = tpu.memref_slice %arg3[%mul3A_37] : memref<320000xi32, #tpu.memory_space<hbm>> -> memref<128xi32, #tpu.memory_space<hbm>>
        %dma_start3A_44 = tpu.memref_slice %arg3[%mul3A_37] : memref<320000xi32, #tpu.memory_space<hbm>> -> memref<128xi32, #tpu.memory_space<hbm>>
        tpu.enqueue_dma source(%dma_start3A_44 : memref<128xi32, #tpu.memory_space<hbm>>) target(%arg8 : memref<128xi32, #tpu.memory_space<vmem>>) target_semaphore(%run_scoped3A : memref<!tpu.dma_semaphore, #tpu.memory_space<semaphore_mem>>)
        %dma_wait3A_45 = tpu.memref_slice %arg3[%mul3A_37] : memref<320000xi32, #tpu.memory_space<hbm>> -> memref<128xi32, #tpu.memory_space<hbm>>
        %dma_wait3A_46 = tpu.memref_slice %arg3[%mul3A_37] : memref<320000xi32, #tpu.memory_space<hbm>> -> memref<128xi32, #tpu.memory_space<hbm>>
        tpu.wait_dma2 semaphore(%run_scoped3A : memref<!tpu.dma_semaphore, #tpu.memory_space<semaphore_mem>>) src(%dma_wait3A_46 : memref<128xi32, #tpu.memory_space<hbm>>) dst(%arg8 : memref<128xi32, #tpu.memory_space<vmem>>)
        tpu.yield
      }) : () -> ()
      "tpu.region"() ({
        %run_scoped3A = tpu.sem_alloc : memref<!tpu.dma_semaphore, #tpu.memory_space<semaphore_mem>>
        %dma_start3A_43 = tpu.memref_slice %arg4[%arg0, %mul3A_37] : memref<2x320000xi32, #tpu.memory_space<hbm>> -> memref<1x128xi32, #tpu.memory_space<hbm>>
        %dma_start3A_44 = tpu.memref_squeeze %dma_start3A_43 : memref<1x128xi32, #tpu.memory_space<hbm>> -> memref<128xi32, #tpu.memory_space<hbm>>
        %dma_start3A_45 = tpu.memref_slice %arg4[%arg0, %mul3A_37] : memref<2x320000xi32, #tpu.memory_space<hbm>> -> memref<1x128xi32, #tpu.memory_space<hbm>>
        %dma_start3A_46 = tpu.memref_squeeze %dma_start3A_45 : memref<1x128xi32, #tpu.memory_space<hbm>> -> memref<128xi32, #tpu.memory_space<hbm>>
        tpu.enqueue_dma source(%dma_start3A_46 : memref<128xi32, #tpu.memory_space<hbm>>) target(%arg9 : memref<128xi32, #tpu.memory_space<vmem>>) target_semaphore(%run_scoped3A : memref<!tpu.dma_semaphore, #tpu.memory_space<semaphore_mem>>)
        %dma_wait3A_47 = tpu.memref_slice %arg4[%arg0, %mul3A_37] : memref<2x320000xi32, #tpu.memory_space<hbm>> -> memref<1x128xi32, #tpu.memory_space<hbm>>
        %dma_wait3A_48 = tpu.memref_squeeze %dma_wait3A_47 : memref<1x128xi32, #tpu.memory_space<hbm>> -> memref<128xi32, #tpu.memory_space<hbm>>
        %dma_wait3A_49 = tpu.memref_slice %arg4[%arg0, %mul3A_37] : memref<2x320000xi32, #tpu.memory_space<hbm>> -> memref<1x128xi32, #tpu.memory_space<hbm>>
        %dma_wait3A_50 = tpu.memref_squeeze %dma_wait3A_49 : memref<1x128xi32, #tpu.memory_space<hbm>> -> memref<128xi32, #tpu.memory_space<hbm>>
        tpu.wait_dma2 semaphore(%run_scoped3A : memref<!tpu.dma_semaphore, #tpu.memory_space<semaphore_mem>>) src(%dma_wait3A_50 : memref<128xi32, #tpu.memory_space<hbm>>) dst(%arg9 : memref<128xi32, #tpu.memory_space<vmem>>)
        tpu.yield
      }) : () -> ()
      %dma_start3A = arith.constant 0 : i32
      %dma_start3A_38 = arith.constant 0 : i32
      %dma_start3A_39 = tpu.memref_slice %arg2[%dma_start3A, %dma_start3A_38] : memref<10000x128xf32, #tpu.memory_space<hbm>> -> memref<10000x128xf32, #tpu.memory_space<hbm>>
      tpu.enqueue_indirect_dma source(%dma_start3A_39 : memref<10000x128xf32, #tpu.memory_space<hbm>>) target(%arg11 : memref<128x128xf32, #tpu.memory_space<vmem>>) offsets(%arg8 : memref<128xi32, #tpu.memory_space<vmem>>) semaphore(%arg14 : memref<!tpu.dma_semaphore, #tpu.memory_space<semaphore_mem>>)
      %dma_wait3A = arith.constant 0 : i32
      %dma_wait3A_40 = arith.constant 0 : i32
      %dma_wait3A_41 = tpu.memref_slice %arg2[%dma_wait3A, %dma_wait3A_40] : memref<10000x128xf32, #tpu.memory_space<hbm>> -> memref<10000x128xf32, #tpu.memory_space<hbm>>
      tpu.wait_indirect_dma semaphore(%arg14 : memref<!tpu.dma_semaphore, #tpu.memory_space<semaphore_mem>>) src(%dma_wait3A_41 : memref<10000x128xf32, #tpu.memory_space<hbm>>) dst(%arg11 : memref<128x128xf32, #tpu.memory_space<vmem>>)
      "tpu.region"() ({
        %run_scoped3A = tpu.sem_alloc : memref<!tpu.dma_semaphore, #tpu.memory_space<semaphore_mem>>
        %dma_start3A_43 = arith.constant 0 : i32
        %dma_start3A_44 = arith.constant 0 : i32
        %dma_start3A_45 = tpu.memref_slice %arg13[%dma_start3A_43, %dma_start3A_44] : memref<5064x128xf32, #tpu.memory_space<vmem_shared>> -> memref<5064x128xf32, #tpu.memory_space<vmem_shared>>
        tpu.enqueue_indirect_dma source(%arg11 : memref<128x128xf32, #tpu.memory_space<vmem>>) target(%dma_start3A_45 : memref<5064x128xf32, #tpu.memory_space<vmem_shared>>) offsets(%arg9 : memref<128xi32, #tpu.memory_space<vmem>>) semaphore(%run_scoped3A : memref<!tpu.dma_semaphore, #tpu.memory_space<semaphore_mem>>) {add = true}
        %dma_wait3A_46 = arith.constant 0 : i32
        %dma_wait3A_47 = arith.constant 0 : i32
        %dma_wait3A_48 = tpu.memref_slice %arg13[%dma_wait3A_46, %dma_wait3A_47] : memref<5064x128xf32, #tpu.memory_space<vmem_shared>> -> memref<5064x128xf32, #tpu.memory_space<vmem_shared>>
        tpu.wait_indirect_dma semaphore(%run_scoped3A : memref<!tpu.dma_semaphore, #tpu.memory_space<semaphore_mem>>) src(%arg11 : memref<128x128xf32, #tpu.memory_space<vmem>>) dst(%dma_wait3A_48 : memref<5064x128xf32, #tpu.memory_space<vmem_shared>>)
        tpu.yield
      }) : () -> ()
      %scan3A_42 = arith.constant 0 : i32
      scf.yield %scan3A_42 : i32
    }
    %scan3A_14 = arith.constant 156 : i32
    %lt3A_15 = arith.constant 4 : i32
    %lt3A_16 = arith.cmpi slt, %arg1, %lt3A_15 : i32
    %convert_element_type3A_17 = arith.extui %lt3A_16 : i1 to i32
    %cond3A_18 = arith.constant 0 : i32
    %cond3A_19 = arith.cmpi ne, %convert_element_type3A_17, %cond3A_18 : i32
    scf.if %cond3A_19 {
      %add3A = arith.constant 2496 : i32
      %add3A_33 = arith.addi %add3A, %arg1 : i32
      %mul3A = arith.constant 128 : i32
      %mul3A_34 = arith.muli %add3A_33, %mul3A : i32
      "tpu.region"() ({
        %run_scoped3A = tpu.sem_alloc : memref<!tpu.dma_semaphore, #tpu.memory_space<semaphore_mem>>
        %dma_start3A_39 = tpu.memref_slice %arg3[%mul3A_34] : memref<320000xi32, #tpu.memory_space<hbm>> -> memref<128xi32, #tpu.memory_space<hbm>>
        %dma_start3A_40 = tpu.memref_slice %arg3[%mul3A_34] : memref<320000xi32, #tpu.memory_space<hbm>> -> memref<128xi32, #tpu.memory_space<hbm>>
        tpu.enqueue_dma source(%dma_start3A_40 : memref<128xi32, #tpu.memory_space<hbm>>) target(%arg8 : memref<128xi32, #tpu.memory_space<vmem>>) target_semaphore(%run_scoped3A : memref<!tpu.dma_semaphore, #tpu.memory_space<semaphore_mem>>)
        %dma_wait3A_41 = tpu.memref_slice %arg3[%mul3A_34] : memref<320000xi32, #tpu.memory_space<hbm>> -> memref<128xi32, #tpu.memory_space<hbm>>
        %dma_wait3A_42 = tpu.memref_slice %arg3[%mul3A_34] : memref<320000xi32, #tpu.memory_space<hbm>> -> memref<128xi32, #tpu.memory_space<hbm>>
        tpu.wait_dma2 semaphore(%run_scoped3A : memref<!tpu.dma_semaphore, #tpu.memory_space<semaphore_mem>>) src(%dma_wait3A_42 : memref<128xi32, #tpu.memory_space<hbm>>) dst(%arg8 : memref<128xi32, #tpu.memory_space<vmem>>)
        tpu.yield
      }) : () -> ()
      "tpu.region"() ({
        %run_scoped3A = tpu.sem_alloc : memref<!tpu.dma_semaphore, #tpu.memory_space<semaphore_mem>>
        %dma_start3A_39 = tpu.memref_slice %arg4[%arg0, %mul3A_34] : memref<2x320000xi32, #tpu.memory_space<hbm>> -> memref<1x128xi32, #tpu.memory_space<hbm>>
        %dma_start3A_40 = tpu.memref_squeeze %dma_start3A_39 : memref<1x128xi32, #tpu.memory_space<hbm>> -> memref<128xi32, #tpu.memory_space<hbm>>
        %dma_start3A_41 = tpu.memref_slice %arg4[%arg0, %mul3A_34] : memref<2x320000xi32, #tpu.memory_space<hbm>> -> memref<1x128xi32, #tpu.memory_space<hbm>>
        %dma_start3A_42 = tpu.memref_squeeze %dma_start3A_41 : memref<1x128xi32, #tpu.memory_space<hbm>> -> memref<128xi32, #tpu.memory_space<hbm>>
        tpu.enqueue_dma source(%dma_start3A_42 : memref<128xi32, #tpu.memory_space<hbm>>) target(%arg9 : memref<128xi32, #tpu.memory_space<vmem>>) target_semaphore(%run_scoped3A : memref<!tpu.dma_semaphore, #tpu.memory_space<semaphore_mem>>)
        %dma_wait3A_43 = tpu.memref_slice %arg4[%arg0, %mul3A_34] : memref<2x320000xi32, #tpu.memory_space<hbm>> -> memref<1x128xi32, #tpu.memory_space<hbm>>
        %dma_wait3A_44 = tpu.memref_squeeze %dma_wait3A_43 : memref<1x128xi32, #tpu.memory_space<hbm>> -> memref<128xi32, #tpu.memory_space<hbm>>
        %dma_wait3A_45 = tpu.memref_slice %arg4[%arg0, %mul3A_34] : memref<2x320000xi32, #tpu.memory_space<hbm>> -> memref<1x128xi32, #tpu.memory_space<hbm>>
        %dma_wait3A_46 = tpu.memref_squeeze %dma_wait3A_45 : memref<1x128xi32, #tpu.memory_space<hbm>> -> memref<128xi32, #tpu.memory_space<hbm>>
        tpu.wait_dma2 semaphore(%run_scoped3A : memref<!tpu.dma_semaphore, #tpu.memory_space<semaphore_mem>>) src(%dma_wait3A_46 : memref<128xi32, #tpu.memory_space<hbm>>) dst(%arg9 : memref<128xi32, #tpu.memory_space<vmem>>)
        tpu.yield
      }) : () -> ()
      %dma_start3A = arith.constant 0 : i32
      %dma_start3A_35 = arith.constant 0 : i32
      %dma_start3A_36 = tpu.memref_slice %arg2[%dma_start3A, %dma_start3A_35] : memref<10000x128xf32, #tpu.memory_space<hbm>> -> memref<10000x128xf32, #tpu.memory_space<hbm>>
      tpu.enqueue_indirect_dma source(%dma_start3A_36 : memref<10000x128xf32, #tpu.memory_space<hbm>>) target(%arg11 : memref<128x128xf32, #tpu.memory_space<vmem>>) offsets(%arg8 : memref<128xi32, #tpu.memory_space<vmem>>) semaphore(%arg14 : memref<!tpu.dma_semaphore, #tpu.memory_space<semaphore_mem>>)
      %dma_wait3A = arith.constant 0 : i32
      %dma_wait3A_37 = arith.constant 0 : i32
      %dma_wait3A_38 = tpu.memref_slice %arg2[%dma_wait3A, %dma_wait3A_37] : memref<10000x128xf32, #tpu.memory_space<hbm>> -> memref<10000x128xf32, #tpu.memory_space<hbm>>
      tpu.wait_indirect_dma semaphore(%arg14 : memref<!tpu.dma_semaphore, #tpu.memory_space<semaphore_mem>>) src(%dma_wait3A_38 : memref<10000x128xf32, #tpu.memory_space<hbm>>) dst(%arg11 : memref<128x128xf32, #tpu.memory_space<vmem>>)
      "tpu.region"() ({
        %run_scoped3A = tpu.sem_alloc : memref<!tpu.dma_semaphore, #tpu.memory_space<semaphore_mem>>
        %dma_start3A_39 = arith.constant 0 : i32
        %dma_start3A_40 = arith.constant 0 : i32
        %dma_start3A_41 = tpu.memref_slice %arg13[%dma_start3A_39, %dma_start3A_40] : memref<5064x128xf32, #tpu.memory_space<vmem_shared>> -> memref<5064x128xf32, #tpu.memory_space<vmem_shared>>
        tpu.enqueue_indirect_dma source(%arg11 : memref<128x128xf32, #tpu.memory_space<vmem>>) target(%dma_start3A_41 : memref<5064x128xf32, #tpu.memory_space<vmem_shared>>) offsets(%arg9 : memref<128xi32, #tpu.memory_space<vmem>>) semaphore(%run_scoped3A : memref<!tpu.dma_semaphore, #tpu.memory_space<semaphore_mem>>) {add = true}
        %dma_wait3A_42 = arith.constant 0 : i32
        %dma_wait3A_43 = arith.constant 0 : i32
        %dma_wait3A_44 = tpu.memref_slice %arg13[%dma_wait3A_42, %dma_wait3A_43] : memref<5064x128xf32, #tpu.memory_space<vmem_shared>> -> memref<5064x128xf32, #tpu.memory_space<vmem_shared>>
        tpu.wait_indirect_dma semaphore(%run_scoped3A : memref<!tpu.dma_semaphore, #tpu.memory_space<semaphore_mem>>) src(%arg11 : memref<128x128xf32, #tpu.memory_space<vmem>>) dst(%dma_wait3A_44 : memref<5064x128xf32, #tpu.memory_space<vmem_shared>>)
        tpu.yield
      }) : () -> ()
    } else {
    }
    %barrier3A_20 = arith.constant 0 : index
    tpu.barrier barrier_id(%barrier3A_20)
    %scan3A_21 = arith.constant 0 : i32
    %scan3A_22 = arith.constant 0 : i32
    %scan3A_23 = arith.constant 2 : i32
    %scan3A_24 = arith.addi %scan3A_22, %scan3A_23 : i32
    %scan3A_25 = arith.constant 1 : i32
    %scan3A_26 = scf.for %scan3A_33 = %scan3A_22 to %scan3A_24 step %scan3A_25 iter_args(%scan3A_34 = %scan3A_21) -> (i32)  : i32 {
      %mul3A = arith.constant 16 : i32
      %mul3A_35 = arith.muli %scan3A_33, %mul3A : i32
      %add3A = arith.addi %mul3A_35, %arg1 : i32
      %mul3A_36 = arith.constant 128 : i32
      %mul3A_37 = arith.muli %add3A, %mul3A_36 : i32
      %min3A = arith.constant 4936 : i32
      %min3A_38 = arith.minsi %mul3A_37, %min3A : i32
      "tpu.region"() ({
        %run_scoped3A = tpu.sem_alloc : memref<!tpu.dma_semaphore, #tpu.memory_space<semaphore_mem>>
        %dma_start3A_44 = tpu.memref_slice %arg5[%min3A_38] : memref<10000xi32, #tpu.memory_space<hbm>> -> memref<128xi32, #tpu.memory_space<hbm>>
        %dma_start3A_45 = tpu.memref_slice %arg5[%min3A_38] : memref<10000xi32, #tpu.memory_space<hbm>> -> memref<128xi32, #tpu.memory_space<hbm>>
        tpu.enqueue_dma source(%dma_start3A_45 : memref<128xi32, #tpu.memory_space<hbm>>) target(%arg10 : memref<128xi32, #tpu.memory_space<vmem>>) target_semaphore(%run_scoped3A : memref<!tpu.dma_semaphore, #tpu.memory_space<semaphore_mem>>)
        %dma_wait3A_46 = tpu.memref_slice %arg5[%min3A_38] : memref<10000xi32, #tpu.memory_space<hbm>> -> memref<128xi32, #tpu.memory_space<hbm>>
        %dma_wait3A_47 = tpu.memref_slice %arg5[%min3A_38] : memref<10000xi32, #tpu.memory_space<hbm>> -> memref<128xi32, #tpu.memory_space<hbm>>
        tpu.wait_dma2 semaphore(%run_scoped3A : memref<!tpu.dma_semaphore, #tpu.memory_space<semaphore_mem>>) src(%dma_wait3A_47 : memref<128xi32, #tpu.memory_space<hbm>>) dst(%arg10 : memref<128xi32, #tpu.memory_space<vmem>>)
        tpu.yield
      }) : () -> ()
      %dma_start3A = arith.constant 0 : i32
      %dma_start3A_39 = arith.constant 0 : i32
      %dma_start3A_40 = tpu.memref_slice %arg13[%dma_start3A, %dma_start3A_39] : memref<5064x128xf32, #tpu.memory_space<vmem_shared>> -> memref<5064x128xf32, #tpu.memory_space<vmem_shared>>
      tpu.enqueue_indirect_dma source(%dma_start3A_40 : memref<5064x128xf32, #tpu.memory_space<vmem_shared>>) target(%arg11 : memref<128x128xf32, #tpu.memory_space<vmem>>) offsets(%arg10 : memref<128xi32, #tpu.memory_space<vmem>>) semaphore(%arg14 : memref<!tpu.dma_semaphore, #tpu.memory_space<semaphore_mem>>)
      %dma_wait3A = arith.constant 0 : i32
      %dma_wait3A_41 = arith.constant 0 : i32
      %dma_wait3A_42 = tpu.memref_slice %arg13[%dma_wait3A, %dma_wait3A_41] : memref<5064x128xf32, #tpu.memory_space<vmem_shared>> -> memref<5064x128xf32, #tpu.memory_space<vmem_shared>>
      tpu.wait_indirect_dma semaphore(%arg14 : memref<!tpu.dma_semaphore, #tpu.memory_space<semaphore_mem>>) src(%dma_wait3A_42 : memref<5064x128xf32, #tpu.memory_space<vmem_shared>>) dst(%arg11 : memref<128x128xf32, #tpu.memory_space<vmem>>)
      "tpu.region"() ({
        %run_scoped3A = tpu.sem_alloc : memref<!tpu.dma_semaphore, #tpu.memory_space<semaphore_mem>>
        %dma_start3A_44 = arith.constant 0 : i32
        %dma_start3A_45 = tpu.memref_slice %arg7[%arg0, %min3A_38, %dma_start3A_44] : memref<2x5064x128xf32, #tpu.memory_space<hbm>> -> memref<1x128x128xf32, #tpu.memory_space<hbm>>
        %dma_start3A_46 = tpu.memref_squeeze %dma_start3A_45 : memref<1x128x128xf32, #tpu.memory_space<hbm>> -> memref<128x128xf32, #tpu.memory_space<hbm>>
        %dma_start3A_47 = arith.constant 0 : i32
        %dma_start3A_48 = tpu.memref_slice %arg7[%arg0, %min3A_38, %dma_start3A_47] : memref<2x5064x128xf32, #tpu.memory_space<hbm>> -> memref<1x128x128xf32, #tpu.memory_space<hbm>>
        %dma_start3A_49 = tpu.memref_squeeze %dma_start3A_48 : memref<1x128x128xf32, #tpu.memory_space<hbm>> -> memref<128x128xf32, #tpu.memory_space<hbm>>
        tpu.enqueue_dma source(%arg11 : memref<128x128xf32, #tpu.memory_space<vmem>>) target(%dma_start3A_49 : memref<128x128xf32, #tpu.memory_space<hbm>>) target_semaphore(%run_scoped3A : memref<!tpu.dma_semaphore, #tpu.memory_space<semaphore_mem>>)
        %dma_wait3A_50 = arith.constant 0 : i32
        %dma_wait3A_51 = tpu.memref_slice %arg7[%arg0, %min3A_38, %dma_wait3A_50] : memref<2x5064x128xf32, #tpu.memory_space<hbm>> -> memref<1x128x128xf32, #tpu.memory_space<hbm>>
        %dma_wait3A_52 = tpu.memref_squeeze %dma_wait3A_51 : memref<1x128x128xf32, #tpu.memory_space<hbm>> -> memref<128x128xf32, #tpu.memory_space<hbm>>
        %dma_wait3A_53 = arith.constant 0 : i32
        %dma_wait3A_54 = tpu.memref_slice %arg7[%arg0, %min3A_38, %dma_wait3A_53] : memref<2x5064x128xf32, #tpu.memory_space<hbm>> -> memref<1x128x128xf32, #tpu.memory_space<hbm>>
        %dma_wait3A_55 = tpu.memref_squeeze %dma_wait3A_54 : memref<1x128x128xf32, #tpu.memory_space<hbm>> -> memref<128x128xf32, #tpu.memory_space<hbm>>
        tpu.wait_dma2 semaphore(%run_scoped3A : memref<!tpu.dma_semaphore, #tpu.memory_space<semaphore_mem>>) src(%arg11 : memref<128x128xf32, #tpu.memory_space<vmem>>) dst(%dma_wait3A_55 : memref<128x128xf32, #tpu.memory_space<hbm>>)
        tpu.yield
      }) : () -> ()
      %scan3A_43 = arith.constant 0 : i32
      scf.yield %scan3A_43 : i32
    }
    %scan3A_27 = arith.constant 2 : i32
    %lt3A_28 = arith.constant 8 : i32
    %lt3A_29 = arith.cmpi slt, %arg1, %lt3A_28 : i32
    %convert_element_type3A_30 = arith.extui %lt3A_29 : i1 to i32
    %cond3A_31 = arith.constant 0 : i32
    %cond3A_32 = arith.cmpi ne, %convert_element_type3A_30, %cond3A_31 : i32
    scf.if %cond3A_32 {
      %add3A = arith.constant 32 : i32
      %add3A_33 = arith.addi %add3A, %arg1 : i32
      %mul3A = arith.constant 128 : i32
      %mul3A_34 = arith.muli %add3A_33, %mul3A : i32
      %min3A = arith.constant 4936 : i32
      %min3A_35 = arith.minsi %mul3A_34, %min3A : i32
      "tpu.region"() ({
        %run_scoped3A = tpu.sem_alloc : memref<!tpu.dma_semaphore, #tpu.memory_space<semaphore_mem>>
        %dma_start3A_40 = tpu.memref_slice %arg5[%min3A_35] : memref<10000xi32, #tpu.memory_space<hbm>> -> memref<128xi32, #tpu.memory_space<hbm>>
        %dma_start3A_41 = tpu.memref_slice %arg5[%min3A_35] : memref<10000xi32, #tpu.memory_space<hbm>> -> memref<128xi32, #tpu.memory_space<hbm>>
        tpu.enqueue_dma source(%dma_start3A_41 : memref<128xi32, #tpu.memory_space<hbm>>) target(%arg10 : memref<128xi32, #tpu.memory_space<vmem>>) target_semaphore(%run_scoped3A : memref<!tpu.dma_semaphore, #tpu.memory_space<semaphore_mem>>)
        %dma_wait3A_42 = tpu.memref_slice %arg5[%min3A_35] : memref<10000xi32, #tpu.memory_space<hbm>> -> memref<128xi32, #tpu.memory_space<hbm>>
        %dma_wait3A_43 = tpu.memref_slice %arg5[%min3A_35] : memref<10000xi32, #tpu.memory_space<hbm>> -> memref<128xi32, #tpu.memory_space<hbm>>
        tpu.wait_dma2 semaphore(%run_scoped3A : memref<!tpu.dma_semaphore, #tpu.memory_space<semaphore_mem>>) src(%dma_wait3A_43 : memref<128xi32, #tpu.memory_space<hbm>>) dst(%arg10 : memref<128xi32, #tpu.memory_space<vmem>>)
        tpu.yield
      }) : () -> ()
      %dma_start3A = arith.constant 0 : i32
      %dma_start3A_36 = arith.constant 0 : i32
      %dma_start3A_37 = tpu.memref_slice %arg13[%dma_start3A, %dma_start3A_36] : memref<5064x128xf32, #tpu.memory_space<vmem_shared>> -> memref<5064x128xf32, #tpu.memory_space<vmem_shared>>
      tpu.enqueue_indirect_dma source(%dma_start3A_37 : memref<5064x128xf32, #tpu.memory_space<vmem_shared>>) target(%arg11 : memref<128x128xf32, #tpu.memory_space<vmem>>) offsets(%arg10 : memref<128xi32, #tpu.memory_space<vmem>>) semaphore(%arg14 : memref<!tpu.dma_semaphore, #tpu.memory_space<semaphore_mem>>)
      %dma_wait3A = arith.constant 0 : i32
      %dma_wait3A_38 = arith.constant 0 : i32
      %dma_wait3A_39 = tpu.memref_slice %arg13[%dma_wait3A, %dma_wait3A_38] : memref<5064x128xf32, #tpu.memory_space<vmem_shared>> -> memref<5064x128xf32, #tpu.memory_space<vmem_shared>>
      tpu.wait_indirect_dma semaphore(%arg14 : memref<!tpu.dma_semaphore, #tpu.memory_space<semaphore_mem>>) src(%dma_wait3A_39 : memref<5064x128xf32, #tpu.memory_space<vmem_shared>>) dst(%arg11 : memref<128x128xf32, #tpu.memory_space<vmem>>)
      "tpu.region"() ({
        %run_scoped3A = tpu.sem_alloc : memref<!tpu.dma_semaphore, #tpu.memory_space<semaphore_mem>>
        %dma_start3A_40 = arith.constant 0 : i32
        %dma_start3A_41 = tpu.memref_slice %arg7[%arg0, %min3A_35, %dma_start3A_40] : memref<2x5064x128xf32, #tpu.memory_space<hbm>> -> memref<1x128x128xf32, #tpu.memory_space<hbm>>
        %dma_start3A_42 = tpu.memref_squeeze %dma_start3A_41 : memref<1x128x128xf32, #tpu.memory_space<hbm>> -> memref<128x128xf32, #tpu.memory_space<hbm>>
        %dma_start3A_43 = arith.constant 0 : i32
        %dma_start3A_44 = tpu.memref_slice %arg7[%arg0, %min3A_35, %dma_start3A_43] : memref<2x5064x128xf32, #tpu.memory_space<hbm>> -> memref<1x128x128xf32, #tpu.memory_space<hbm>>
        %dma_start3A_45 = tpu.memref_squeeze %dma_start3A_44 : memref<1x128x128xf32, #tpu.memory_space<hbm>> -> memref<128x128xf32, #tpu.memory_space<hbm>>
        tpu.enqueue_dma source(%arg11 : memref<128x128xf32, #tpu.memory_space<vmem>>) target(%dma_start3A_45 : memref<128x128xf32, #tpu.memory_space<hbm>>) target_semaphore(%run_scoped3A : memref<!tpu.dma_semaphore, #tpu.memory_space<semaphore_mem>>)
        %dma_wait3A_46 = arith.constant 0 : i32
        %dma_wait3A_47 = tpu.memref_slice %arg7[%arg0, %min3A_35, %dma_wait3A_46] : memref<2x5064x128xf32, #tpu.memory_space<hbm>> -> memref<1x128x128xf32, #tpu.memory_space<hbm>>
        %dma_wait3A_48 = tpu.memref_squeeze %dma_wait3A_47 : memref<1x128x128xf32, #tpu.memory_space<hbm>> -> memref<128x128xf32, #tpu.memory_space<hbm>>
        %dma_wait3A_49 = arith.constant 0 : i32
        %dma_wait3A_50 = tpu.memref_slice %arg7[%arg0, %min3A_35, %dma_wait3A_49] : memref<2x5064x128xf32, #tpu.memory_space<hbm>> -> memref<1x128x128xf32, #tpu.memory_space<hbm>>
        %dma_wait3A_51 = tpu.memref_squeeze %dma_wait3A_50 : memref<1x128x128xf32, #tpu.memory_space<hbm>> -> memref<128x128xf32, #tpu.memory_space<hbm>>
        tpu.wait_dma2 semaphore(%run_scoped3A : memref<!tpu.dma_semaphore, #tpu.memory_space<semaphore_mem>>) src(%arg11 : memref<128x128xf32, #tpu.memory_space<vmem>>) dst(%dma_wait3A_51 : memref<128x128xf32, #tpu.memory_space<hbm>>)
        tpu.yield
      }) : () -> ()
    } else {
    }
    return
  }
}

#map = affine_map<(d0, d1) -> (0, 0)>
#map1 = affine_map<(d0, d1) -> (0)>
#map2 = affine_map<(d0, d1) -> (0, 0, 0)>
module attributes {stable_mosaic.version = 14 : i64} {
  func.func @prop_k(%arg0: i32, %arg1: i32, %arg2: memref<10000x128xf32, #tpu.memory_space<hbm>>, %arg3: memref<320000xi32, #tpu.memory_space<hbm>>, %arg4: memref<2x320000xi32, #tpu.memory_space<hbm>>, %arg5: memref<10000xi32, #tpu.memory_space<hbm>>, %arg6: memref<128x128xf32, #tpu.memory_space<hbm>>, %arg7: memref<2x5064x128xf32, #tpu.memory_space<hbm>>, %arg8: memref<128xi32, #tpu.memory_space<vmem>>, %arg9: memref<128xi32, #tpu.memory_space<vmem>>, %arg10: memref<128xi32, #tpu.memory_space<vmem>>, %arg11: memref<128x128xf32, #tpu.memory_space<vmem>>, %arg12: memref<128x128xf32, #tpu.memory_space<vmem>>, %arg13: memref<5064x128xf32, #tpu.memory_space<vmem_shared>>, %arg14: memref<!tpu.dma_semaphore, #tpu.memory_space<semaphore_mem>>) attributes {dimension_semantics = [#tpu.dimension_semantics<core_parallel>, #tpu.dimension_semantics<subcore_parallel>], iteration_bounds = array<i64: 2, 16>, scalar_prefetch = 0 : i64, scratch_operands = 7 : i64, tpu.core_type = #tpu.core_type<sc_vector_subcore>, window_params = [{transform_indices = #map}, {transform_indices = #map1}, {transform_indices = #map}, {transform_indices = #map1}, {transform_indices = #map}, {transform_indices = #map2}]} {
    "tpu.region"() ({
      %run_scoped3A = tpu.sem_alloc : memref<!tpu.dma_semaphore, #tpu.memory_space<semaphore_mem>>
      tpu.enqueue_dma source(%arg6 : memref<128x128xf32, #tpu.memory_space<hbm>>) target(%arg12 : memref<128x128xf32, #tpu.memory_space<vmem>>) target_semaphore(%run_scoped3A : memref<!tpu.dma_semaphore, #tpu.memory_space<semaphore_mem>>)
      tpu.wait_dma2 semaphore(%run_scoped3A : memref<!tpu.dma_semaphore, #tpu.memory_space<semaphore_mem>>) src(%arg6 : memref<128x128xf32, #tpu.memory_space<hbm>>) dst(%arg12 : memref<128x128xf32, #tpu.memory_space<vmem>>)
      tpu.yield
    }) : () -> ()
    %scan3A = arith.constant 0 : i32
    %scan3A_0 = arith.constant 0 : i32
    %scan3A_1 = arith.constant 2 : i32
    %scan3A_2 = arith.addi %scan3A_0, %scan3A_1 : i32
    %scan3A_3 = arith.constant 1 : i32
    %scan3A_4 = scf.for %scan3A_33 = %scan3A_0 to %scan3A_2 step %scan3A_3 iter_args(%scan3A_34 = %scan3A) -> (i32)  : i32 {
      %mul3A = arith.constant 16 : i32
      %mul3A_35 = arith.muli %scan3A_33, %mul3A : i32
      %add3A = arith.addi %mul3A_35, %arg1 : i32
      %mul3A_36 = arith.constant 128 : i32
      %mul3A_37 = arith.muli %add3A, %mul3A_36 : i32
      %min3A = arith.constant 4936 : i32
      %min3A_38 = arith.minsi %mul3A_37, %min3A : i32
      "tpu.region"() ({
        %run_scoped3A = tpu.sem_alloc : memref<!tpu.dma_semaphore, #tpu.memory_space<semaphore_mem>>
        %dma_start3A = tpu.memref_slice %arg5[%min3A_38] : memref<10000xi32, #tpu.memory_space<hbm>> -> memref<128xi32, #tpu.memory_space<hbm>>
        %dma_start3A_40 = tpu.memref_slice %arg5[%min3A_38] : memref<10000xi32, #tpu.memory_space<hbm>> -> memref<128xi32, #tpu.memory_space<hbm>>
        tpu.enqueue_dma source(%dma_start3A_40 : memref<128xi32, #tpu.memory_space<hbm>>) target(%arg10 : memref<128xi32, #tpu.memory_space<vmem>>) target_semaphore(%run_scoped3A : memref<!tpu.dma_semaphore, #tpu.memory_space<semaphore_mem>>)
        %dma_wait3A = tpu.memref_slice %arg5[%min3A_38] : memref<10000xi32, #tpu.memory_space<hbm>> -> memref<128xi32, #tpu.memory_space<hbm>>
        %dma_wait3A_41 = tpu.memref_slice %arg5[%min3A_38] : memref<10000xi32, #tpu.memory_space<hbm>> -> memref<128xi32, #tpu.memory_space<hbm>>
        tpu.wait_dma2 semaphore(%run_scoped3A : memref<!tpu.dma_semaphore, #tpu.memory_space<semaphore_mem>>) src(%dma_wait3A_41 : memref<128xi32, #tpu.memory_space<hbm>>) dst(%arg10 : memref<128xi32, #tpu.memory_space<vmem>>)
        tpu.yield
      }) : () -> ()
      "tpu.region"() ({
        %run_scoped3A = tpu.sem_alloc : memref<!tpu.dma_semaphore, #tpu.memory_space<semaphore_mem>>
        %dma_start3A = arith.constant 0 : i32
        %dma_start3A_40 = arith.constant 0 : i32
        %dma_start3A_41 = tpu.memref_slice %arg13[%dma_start3A, %dma_start3A_40] : memref<5064x128xf32, #tpu.memory_space<vmem_shared>> -> memref<5064x128xf32, #tpu.memory_space<vmem_shared>>
        tpu.enqueue_indirect_dma source(%arg12 : memref<128x128xf32, #tpu.memory_space<vmem>>) target(%dma_start3A_41 : memref<5064x128xf32, #tpu.memory_space<vmem_shared>>) offsets(%arg10 : memref<128xi32, #tpu.memory_space<vmem>>) semaphore(%run_scoped3A : memref<!tpu.dma_semaphore, #tpu.memory_space<semaphore_mem>>)
        %dma_wait3A = arith.constant 0 : i32
        %dma_wait3A_42 = arith.constant 0 : i32
        %dma_wait3A_43 = tpu.memref_slice %arg13[%dma_wait3A, %dma_wait3A_42] : memref<5064x128xf32, #tpu.memory_space<vmem_shared>> -> memref<5064x128xf32, #tpu.memory_space<vmem_shared>>
        tpu.wait_indirect_dma semaphore(%run_scoped3A : memref<!tpu.dma_semaphore, #tpu.memory_space<semaphore_mem>>) src(%arg12 : memref<128x128xf32, #tpu.memory_space<vmem>>) dst(%dma_wait3A_43 : memref<5064x128xf32, #tpu.memory_space<vmem_shared>>)
        tpu.yield
      }) : () -> ()
      %scan3A_39 = arith.constant 0 : i32
      scf.yield %scan3A_39 : i32
    }
    %scan3A_5 = arith.constant 2 : i32
    %lt3A = arith.constant 8 : i32
    %lt3A_6 = arith.cmpi slt, %arg1, %lt3A : i32
    %convert_element_type3A = arith.extui %lt3A_6 : i1 to i32
    %cond3A = arith.constant 0 : i32
    %cond3A_7 = arith.cmpi ne, %convert_element_type3A, %cond3A : i32
    scf.if %cond3A_7 {
      %add3A = arith.constant 32 : i32
      %add3A_33 = arith.addi %add3A, %arg1 : i32
      %mul3A = arith.constant 128 : i32
      %mul3A_34 = arith.muli %add3A_33, %mul3A : i32
      %min3A = arith.constant 4936 : i32
      %min3A_35 = arith.minsi %mul3A_34, %min3A : i32
      "tpu.region"() ({
        %run_scoped3A = tpu.sem_alloc : memref<!tpu.dma_semaphore, #tpu.memory_space<semaphore_mem>>
        %dma_start3A = tpu.memref_slice %arg5[%min3A_35] : memref<10000xi32, #tpu.memory_space<hbm>> -> memref<128xi32, #tpu.memory_space<hbm>>
        %dma_start3A_36 = tpu.memref_slice %arg5[%min3A_35] : memref<10000xi32, #tpu.memory_space<hbm>> -> memref<128xi32, #tpu.memory_space<hbm>>
        tpu.enqueue_dma source(%dma_start3A_36 : memref<128xi32, #tpu.memory_space<hbm>>) target(%arg10 : memref<128xi32, #tpu.memory_space<vmem>>) target_semaphore(%run_scoped3A : memref<!tpu.dma_semaphore, #tpu.memory_space<semaphore_mem>>)
        %dma_wait3A = tpu.memref_slice %arg5[%min3A_35] : memref<10000xi32, #tpu.memory_space<hbm>> -> memref<128xi32, #tpu.memory_space<hbm>>
        %dma_wait3A_37 = tpu.memref_slice %arg5[%min3A_35] : memref<10000xi32, #tpu.memory_space<hbm>> -> memref<128xi32, #tpu.memory_space<hbm>>
        tpu.wait_dma2 semaphore(%run_scoped3A : memref<!tpu.dma_semaphore, #tpu.memory_space<semaphore_mem>>) src(%dma_wait3A_37 : memref<128xi32, #tpu.memory_space<hbm>>) dst(%arg10 : memref<128xi32, #tpu.memory_space<vmem>>)
        tpu.yield
      }) : () -> ()
      "tpu.region"() ({
        %run_scoped3A = tpu.sem_alloc : memref<!tpu.dma_semaphore, #tpu.memory_space<semaphore_mem>>
        %dma_start3A = arith.constant 0 : i32
        %dma_start3A_36 = arith.constant 0 : i32
        %dma_start3A_37 = tpu.memref_slice %arg13[%dma_start3A, %dma_start3A_36] : memref<5064x128xf32, #tpu.memory_space<vmem_shared>> -> memref<5064x128xf32, #tpu.memory_space<vmem_shared>>
        tpu.enqueue_indirect_dma source(%arg12 : memref<128x128xf32, #tpu.memory_space<vmem>>) target(%dma_start3A_37 : memref<5064x128xf32, #tpu.memory_space<vmem_shared>>) offsets(%arg10 : memref<128xi32, #tpu.memory_space<vmem>>) semaphore(%run_scoped3A : memref<!tpu.dma_semaphore, #tpu.memory_space<semaphore_mem>>)
        %dma_wait3A = arith.constant 0 : i32
        %dma_wait3A_38 = arith.constant 0 : i32
        %dma_wait3A_39 = tpu.memref_slice %arg13[%dma_wait3A, %dma_wait3A_38] : memref<5064x128xf32, #tpu.memory_space<vmem_shared>> -> memref<5064x128xf32, #tpu.memory_space<vmem_shared>>
        tpu.wait_indirect_dma semaphore(%run_scoped3A : memref<!tpu.dma_semaphore, #tpu.memory_space<semaphore_mem>>) src(%arg12 : memref<128x128xf32, #tpu.memory_space<vmem>>) dst(%dma_wait3A_39 : memref<5064x128xf32, #tpu.memory_space<vmem_shared>>)
        tpu.yield
      }) : () -> ()
    } else {
    }
    %barrier3A = arith.constant 0 : index
    tpu.barrier barrier_id(%barrier3A)
    %scan3A_8 = arith.constant 0 : i32
    %scan3A_9 = arith.constant 0 : i32
    %scan3A_10 = arith.constant 156 : i32
    %scan3A_11 = arith.addi %scan3A_9, %scan3A_10 : i32
    %scan3A_12 = arith.constant 1 : i32
    %scan3A_13 = scf.for %scan3A_33 = %scan3A_9 to %scan3A_11 step %scan3A_12 iter_args(%scan3A_34 = %scan3A_8) -> (i32)  : i32 {
      %mul3A = arith.constant 16 : i32
      %mul3A_35 = arith.muli %scan3A_33, %mul3A : i32
      %add3A = arith.addi %mul3A_35, %arg1 : i32
      %mul3A_36 = arith.constant 128 : i32
      %mul3A_37 = arith.muli %add3A, %mul3A_36 : i32
      "tpu.region"() ({
        %run_scoped3A = tpu.sem_alloc : memref<!tpu.dma_semaphore, #tpu.memory_space<semaphore_mem>>
        %dma_start3A_43 = tpu.memref_slice %arg3[%mul3A_37] : memref<320000xi32, #tpu.memory_space<hbm>> -> memref<128xi32, #tpu.memory_space<hbm>>
        %dma_start3A_44 = tpu.memref_slice %arg3[%mul3A_37] : memref<320000xi32, #tpu.memory_space<hbm>> -> memref<128xi32, #tpu.memory_space<hbm>>
        tpu.enqueue_dma source(%dma_start3A_44 : memref<128xi32, #tpu.memory_space<hbm>>) target(%arg8 : memref<128xi32, #tpu.memory_space<vmem>>) target_semaphore(%run_scoped3A : memref<!tpu.dma_semaphore, #tpu.memory_space<semaphore_mem>>)
        %dma_wait3A_45 = tpu.memref_slice %arg3[%mul3A_37] : memref<320000xi32, #tpu.memory_space<hbm>> -> memref<128xi32, #tpu.memory_space<hbm>>
        %dma_wait3A_46 = tpu.memref_slice %arg3[%mul3A_37] : memref<320000xi32, #tpu.memory_space<hbm>> -> memref<128xi32, #tpu.memory_space<hbm>>
        tpu.wait_dma2 semaphore(%run_scoped3A : memref<!tpu.dma_semaphore, #tpu.memory_space<semaphore_mem>>) src(%dma_wait3A_46 : memref<128xi32, #tpu.memory_space<hbm>>) dst(%arg8 : memref<128xi32, #tpu.memory_space<vmem>>)
        tpu.yield
      }) : () -> ()
      "tpu.region"() ({
        %run_scoped3A = tpu.sem_alloc : memref<!tpu.dma_semaphore, #tpu.memory_space<semaphore_mem>>
        %dma_start3A_43 = tpu.memref_slice %arg4[%arg0, %mul3A_37] : memref<2x320000xi32, #tpu.memory_space<hbm>> -> memref<1x128xi32, #tpu.memory_space<hbm>>
        %dma_start3A_44 = tpu.memref_squeeze %dma_start3A_43 : memref<1x128xi32, #tpu.memory_space<hbm>> -> memref<128xi32, #tpu.memory_space<hbm>>
        %dma_start3A_45 = tpu.memref_slice %arg4[%arg0, %mul3A_37] : memref<2x320000xi32, #tpu.memory_space<hbm>> -> memref<1x128xi32, #tpu.memory_space<hbm>>
        %dma_start3A_46 = tpu.memref_squeeze %dma_start3A_45 : memref<1x128xi32, #tpu.memory_space<hbm>> -> memref<128xi32, #tpu.memory_space<hbm>>
        tpu.enqueue_dma source(%dma_start3A_46 : memref<128xi32, #tpu.memory_space<hbm>>) target(%arg9 : memref<128xi32, #tpu.memory_space<vmem>>) target_semaphore(%run_scoped3A : memref<!tpu.dma_semaphore, #tpu.memory_space<semaphore_mem>>)
        %dma_wait3A_47 = tpu.memref_slice %arg4[%arg0, %mul3A_37] : memref<2x320000xi32, #tpu.memory_space<hbm>> -> memref<1x128xi32, #tpu.memory_space<hbm>>
        %dma_wait3A_48 = tpu.memref_squeeze %dma_wait3A_47 : memref<1x128xi32, #tpu.memory_space<hbm>> -> memref<128xi32, #tpu.memory_space<hbm>>
        %dma_wait3A_49 = tpu.memref_slice %arg4[%arg0, %mul3A_37] : memref<2x320000xi32, #tpu.memory_space<hbm>> -> memref<1x128xi32, #tpu.memory_space<hbm>>
        %dma_wait3A_50 = tpu.memref_squeeze %dma_wait3A_49 : memref<1x128xi32, #tpu.memory_space<hbm>> -> memref<128xi32, #tpu.memory_space<hbm>>
        tpu.wait_dma2 semaphore(%run_scoped3A : memref<!tpu.dma_semaphore, #tpu.memory_space<semaphore_mem>>) src(%dma_wait3A_50 : memref<128xi32, #tpu.memory_space<hbm>>) dst(%arg9 : memref<128xi32, #tpu.memory_space<vmem>>)
        tpu.yield
      }) : () -> ()
      %dma_start3A = arith.constant 0 : i32
      %dma_start3A_38 = arith.constant 0 : i32
      %dma_start3A_39 = tpu.memref_slice %arg2[%dma_start3A, %dma_start3A_38] : memref<10000x128xf32, #tpu.memory_space<hbm>> -> memref<10000x128xf32, #tpu.memory_space<hbm>>
      tpu.enqueue_indirect_dma source(%dma_start3A_39 : memref<10000x128xf32, #tpu.memory_space<hbm>>) target(%arg11 : memref<128x128xf32, #tpu.memory_space<vmem>>) offsets(%arg8 : memref<128xi32, #tpu.memory_space<vmem>>) semaphore(%arg14 : memref<!tpu.dma_semaphore, #tpu.memory_space<semaphore_mem>>)
      %dma_wait3A = arith.constant 0 : i32
      %dma_wait3A_40 = arith.constant 0 : i32
      %dma_wait3A_41 = tpu.memref_slice %arg2[%dma_wait3A, %dma_wait3A_40] : memref<10000x128xf32, #tpu.memory_space<hbm>> -> memref<10000x128xf32, #tpu.memory_space<hbm>>
      tpu.wait_indirect_dma semaphore(%arg14 : memref<!tpu.dma_semaphore, #tpu.memory_space<semaphore_mem>>) src(%dma_wait3A_41 : memref<10000x128xf32, #tpu.memory_space<hbm>>) dst(%arg11 : memref<128x128xf32, #tpu.memory_space<vmem>>)
      "tpu.region"() ({
        %run_scoped3A = tpu.sem_alloc : memref<!tpu.dma_semaphore, #tpu.memory_space<semaphore_mem>>
        %dma_start3A_43 = arith.constant 0 : i32
        %dma_start3A_44 = arith.constant 0 : i32
        %dma_start3A_45 = tpu.memref_slice %arg13[%dma_start3A_43, %dma_start3A_44] : memref<5064x128xf32, #tpu.memory_space<vmem_shared>> -> memref<5064x128xf32, #tpu.memory_space<vmem_shared>>
        tpu.enqueue_indirect_dma source(%arg11 : memref<128x128xf32, #tpu.memory_space<vmem>>) target(%dma_start3A_45 : memref<5064x128xf32, #tpu.memory_space<vmem_shared>>) offsets(%arg9 : memref<128xi32, #tpu.memory_space<vmem>>) semaphore(%run_scoped3A : memref<!tpu.dma_semaphore, #tpu.memory_space<semaphore_mem>>) {add = true}
        %dma_wait3A_46 = arith.constant 0 : i32
        %dma_wait3A_47 = arith.constant 0 : i32
        %dma_wait3A_48 = tpu.memref_slice %arg13[%dma_wait3A_46, %dma_wait3A_47] : memref<5064x128xf32, #tpu.memory_space<vmem_shared>> -> memref<5064x128xf32, #tpu.memory_space<vmem_shared>>
        tpu.wait_indirect_dma semaphore(%run_scoped3A : memref<!tpu.dma_semaphore, #tpu.memory_space<semaphore_mem>>) src(%arg11 : memref<128x128xf32, #tpu.memory_space<vmem>>) dst(%dma_wait3A_48 : memref<5064x128xf32, #tpu.memory_space<vmem_shared>>)
        tpu.yield
      }) : () -> ()
      %scan3A_42 = arith.constant 0 : i32
      scf.yield %scan3A_42 : i32
    }
    %scan3A_14 = arith.constant 156 : i32
    %lt3A_15 = arith.constant 4 : i32
    %lt3A_16 = arith.cmpi slt, %arg1, %lt3A_15 : i32
    %convert_element_type3A_17 = arith.extui %lt3A_16 : i1 to i32
    %cond3A_18 = arith.constant 0 : i32
    %cond3A_19 = arith.cmpi ne, %convert_element_type3A_17, %cond3A_18 : i32
    scf.if %cond3A_19 {
      %add3A = arith.constant 2496 : i32
      %add3A_33 = arith.addi %add3A, %arg1 : i32
      %mul3A = arith.constant 128 : i32
      %mul3A_34 = arith.muli %add3A_33, %mul3A : i32
      "tpu.region"() ({
        %run_scoped3A = tpu.sem_alloc : memref<!tpu.dma_semaphore, #tpu.memory_space<semaphore_mem>>
        %dma_start3A_39 = tpu.memref_slice %arg3[%mul3A_34] : memref<320000xi32, #tpu.memory_space<hbm>> -> memref<128xi32, #tpu.memory_space<hbm>>
        %dma_start3A_40 = tpu.memref_slice %arg3[%mul3A_34] : memref<320000xi32, #tpu.memory_space<hbm>> -> memref<128xi32, #tpu.memory_space<hbm>>
        tpu.enqueue_dma source(%dma_start3A_40 : memref<128xi32, #tpu.memory_space<hbm>>) target(%arg8 : memref<128xi32, #tpu.memory_space<vmem>>) target_semaphore(%run_scoped3A : memref<!tpu.dma_semaphore, #tpu.memory_space<semaphore_mem>>)
        %dma_wait3A_41 = tpu.memref_slice %arg3[%mul3A_34] : memref<320000xi32, #tpu.memory_space<hbm>> -> memref<128xi32, #tpu.memory_space<hbm>>
        %dma_wait3A_42 = tpu.memref_slice %arg3[%mul3A_34] : memref<320000xi32, #tpu.memory_space<hbm>> -> memref<128xi32, #tpu.memory_space<hbm>>
        tpu.wait_dma2 semaphore(%run_scoped3A : memref<!tpu.dma_semaphore, #tpu.memory_space<semaphore_mem>>) src(%dma_wait3A_42 : memref<128xi32, #tpu.memory_space<hbm>>) dst(%arg8 : memref<128xi32, #tpu.memory_space<vmem>>)
        tpu.yield
      }) : () -> ()
      "tpu.region"() ({
        %run_scoped3A = tpu.sem_alloc : memref<!tpu.dma_semaphore, #tpu.memory_space<semaphore_mem>>
        %dma_start3A_39 = tpu.memref_slice %arg4[%arg0, %mul3A_34] : memref<2x320000xi32, #tpu.memory_space<hbm>> -> memref<1x128xi32, #tpu.memory_space<hbm>>
        %dma_start3A_40 = tpu.memref_squeeze %dma_start3A_39 : memref<1x128xi32, #tpu.memory_space<hbm>> -> memref<128xi32, #tpu.memory_space<hbm>>
        %dma_start3A_41 = tpu.memref_slice %arg4[%arg0, %mul3A_34] : memref<2x320000xi32, #tpu.memory_space<hbm>> -> memref<1x128xi32, #tpu.memory_space<hbm>>
        %dma_start3A_42 = tpu.memref_squeeze %dma_start3A_41 : memref<1x128xi32, #tpu.memory_space<hbm>> -> memref<128xi32, #tpu.memory_space<hbm>>
        tpu.enqueue_dma source(%dma_start3A_42 : memref<128xi32, #tpu.memory_space<hbm>>) target(%arg9 : memref<128xi32, #tpu.memory_space<vmem>>) target_semaphore(%run_scoped3A : memref<!tpu.dma_semaphore, #tpu.memory_space<semaphore_mem>>)
        %dma_wait3A_43 = tpu.memref_slice %arg4[%arg0, %mul3A_34] : memref<2x320000xi32, #tpu.memory_space<hbm>> -> memref<1x128xi32, #tpu.memory_space<hbm>>
        %dma_wait3A_44 = tpu.memref_squeeze %dma_wait3A_43 : memref<1x128xi32, #tpu.memory_space<hbm>> -> memref<128xi32, #tpu.memory_space<hbm>>
        %dma_wait3A_45 = tpu.memref_slice %arg4[%arg0, %mul3A_34] : memref<2x320000xi32, #tpu.memory_space<hbm>> -> memref<1x128xi32, #tpu.memory_space<hbm>>
        %dma_wait3A_46 = tpu.memref_squeeze %dma_wait3A_45 : memref<1x128xi32, #tpu.memory_space<hbm>> -> memref<128xi32, #tpu.memory_space<hbm>>
        tpu.wait_dma2 semaphore(%run_scoped3A : memref<!tpu.dma_semaphore, #tpu.memory_space<semaphore_mem>>) src(%dma_wait3A_46 : memref<128xi32, #tpu.memory_space<hbm>>) dst(%arg9 : memref<128xi32, #tpu.memory_space<vmem>>)
        tpu.yield
      }) : () -> ()
      %dma_start3A = arith.constant 0 : i32
      %dma_start3A_35 = arith.constant 0 : i32
      %dma_start3A_36 = tpu.memref_slice %arg2[%dma_start3A, %dma_start3A_35] : memref<10000x128xf32, #tpu.memory_space<hbm>> -> memref<10000x128xf32, #tpu.memory_space<hbm>>
      tpu.enqueue_indirect_dma source(%dma_start3A_36 : memref<10000x128xf32, #tpu.memory_space<hbm>>) target(%arg11 : memref<128x128xf32, #tpu.memory_space<vmem>>) offsets(%arg8 : memref<128xi32, #tpu.memory_space<vmem>>) semaphore(%arg14 : memref<!tpu.dma_semaphore, #tpu.memory_space<semaphore_mem>>)
      %dma_wait3A = arith.constant 0 : i32
      %dma_wait3A_37 = arith.constant 0 : i32
      %dma_wait3A_38 = tpu.memref_slice %arg2[%dma_wait3A, %dma_wait3A_37] : memref<10000x128xf32, #tpu.memory_space<hbm>> -> memref<10000x128xf32, #tpu.memory_space<hbm>>
      tpu.wait_indirect_dma semaphore(%arg14 : memref<!tpu.dma_semaphore, #tpu.memory_space<semaphore_mem>>) src(%dma_wait3A_38 : memref<10000x128xf32, #tpu.memory_space<hbm>>) dst(%arg11 : memref<128x128xf32, #tpu.memory_space<vmem>>)
      "tpu.region"() ({
        %run_scoped3A = tpu.sem_alloc : memref<!tpu.dma_semaphore, #tpu.memory_space<semaphore_mem>>
        %dma_start3A_39 = arith.constant 0 : i32
        %dma_start3A_40 = arith.constant 0 : i32
        %dma_start3A_41 = tpu.memref_slice %arg13[%dma_start3A_39, %dma_start3A_40] : memref<5064x128xf32, #tpu.memory_space<vmem_shared>> -> memref<5064x128xf32, #tpu.memory_space<vmem_shared>>
        tpu.enqueue_indirect_dma source(%arg11 : memref<128x128xf32, #tpu.memory_space<vmem>>) target(%dma_start3A_41 : memref<5064x128xf32, #tpu.memory_space<vmem_shared>>) offsets(%arg9 : memref<128xi32, #tpu.memory_space<vmem>>) semaphore(%run_scoped3A : memref<!tpu.dma_semaphore, #tpu.memory_space<semaphore_mem>>) {add = true}
        %dma_wait3A_42 = arith.constant 0 : i32
        %dma_wait3A_43 = arith.constant 0 : i32
        %dma_wait3A_44 = tpu.memref_slice %arg13[%dma_wait3A_42, %dma_wait3A_43] : memref<5064x128xf32, #tpu.memory_space<vmem_shared>> -> memref<5064x128xf32, #tpu.memory_space<vmem_shared>>
        tpu.wait_indirect_dma semaphore(%run_scoped3A : memref<!tpu.dma_semaphore, #tpu.memory_space<semaphore_mem>>) src(%arg11 : memref<128x128xf32, #tpu.memory_space<vmem>>) dst(%dma_wait3A_44 : memref<5064x128xf32, #tpu.memory_space<vmem_shared>>)
        tpu.yield
      }) : () -> ()
    } else {
    }
    %barrier3A_20 = arith.constant 0 : index
    tpu.barrier barrier_id(%barrier3A_20)
    %scan3A_21 = arith.constant 0 : i32
    %scan3A_22 = arith.constant 0 : i32
    %scan3A_23 = arith.constant 2 : i32
    %scan3A_24 = arith.addi %scan3A_22, %scan3A_23 : i32
    %scan3A_25 = arith.constant 1 : i32
    %scan3A_26 = scf.for %scan3A_33 = %scan3A_22 to %scan3A_24 step %scan3A_25 iter_args(%scan3A_34 = %scan3A_21) -> (i32)  : i32 {
      %mul3A = arith.constant 16 : i32
      %mul3A_35 = arith.muli %scan3A_33, %mul3A : i32
      %add3A = arith.addi %mul3A_35, %arg1 : i32
      %mul3A_36 = arith.constant 128 : i32
      %mul3A_37 = arith.muli %add3A, %mul3A_36 : i32
      %min3A = arith.constant 4936 : i32
      %min3A_38 = arith.minsi %mul3A_37, %min3A : i32
      "tpu.region"() ({
        %run_scoped3A = tpu.sem_alloc : memref<!tpu.dma_semaphore, #tpu.memory_space<semaphore_mem>>
        %dma_start3A_44 = tpu.memref_slice %arg5[%min3A_38] : memref<10000xi32, #tpu.memory_space<hbm>> -> memref<128xi32, #tpu.memory_space<hbm>>
        %dma_start3A_45 = tpu.memref_slice %arg5[%min3A_38] : memref<10000xi32, #tpu.memory_space<hbm>> -> memref<128xi32, #tpu.memory_space<hbm>>
        tpu.enqueue_dma source(%dma_start3A_45 : memref<128xi32, #tpu.memory_space<hbm>>) target(%arg10 : memref<128xi32, #tpu.memory_space<vmem>>) target_semaphore(%run_scoped3A : memref<!tpu.dma_semaphore, #tpu.memory_space<semaphore_mem>>)
        %dma_wait3A_46 = tpu.memref_slice %arg5[%min3A_38] : memref<10000xi32, #tpu.memory_space<hbm>> -> memref<128xi32, #tpu.memory_space<hbm>>
        %dma_wait3A_47 = tpu.memref_slice %arg5[%min3A_38] : memref<10000xi32, #tpu.memory_space<hbm>> -> memref<128xi32, #tpu.memory_space<hbm>>
        tpu.wait_dma2 semaphore(%run_scoped3A : memref<!tpu.dma_semaphore, #tpu.memory_space<semaphore_mem>>) src(%dma_wait3A_47 : memref<128xi32, #tpu.memory_space<hbm>>) dst(%arg10 : memref<128xi32, #tpu.memory_space<vmem>>)
        tpu.yield
      }) : () -> ()
      %dma_start3A = arith.constant 0 : i32
      %dma_start3A_39 = arith.constant 0 : i32
      %dma_start3A_40 = tpu.memref_slice %arg13[%dma_start3A, %dma_start3A_39] : memref<5064x128xf32, #tpu.memory_space<vmem_shared>> -> memref<5064x128xf32, #tpu.memory_space<vmem_shared>>
      tpu.enqueue_indirect_dma source(%dma_start3A_40 : memref<5064x128xf32, #tpu.memory_space<vmem_shared>>) target(%arg11 : memref<128x128xf32, #tpu.memory_space<vmem>>) offsets(%arg10 : memref<128xi32, #tpu.memory_space<vmem>>) semaphore(%arg14 : memref<!tpu.dma_semaphore, #tpu.memory_space<semaphore_mem>>)
      %dma_wait3A = arith.constant 0 : i32
      %dma_wait3A_41 = arith.constant 0 : i32
      %dma_wait3A_42 = tpu.memref_slice %arg13[%dma_wait3A, %dma_wait3A_41] : memref<5064x128xf32, #tpu.memory_space<vmem_shared>> -> memref<5064x128xf32, #tpu.memory_space<vmem_shared>>
      tpu.wait_indirect_dma semaphore(%arg14 : memref<!tpu.dma_semaphore, #tpu.memory_space<semaphore_mem>>) src(%dma_wait3A_42 : memref<5064x128xf32, #tpu.memory_space<vmem_shared>>) dst(%arg11 : memref<128x128xf32, #tpu.memory_space<vmem>>)
      "tpu.region"() ({
        %run_scoped3A = tpu.sem_alloc : memref<!tpu.dma_semaphore, #tpu.memory_space<semaphore_mem>>
        %dma_start3A_44 = arith.constant 0 : i32
        %dma_start3A_45 = tpu.memref_slice %arg7[%arg0, %min3A_38, %dma_start3A_44] : memref<2x5064x128xf32, #tpu.memory_space<hbm>> -> memref<1x128x128xf32, #tpu.memory_space<hbm>>
        %dma_start3A_46 = tpu.memref_squeeze %dma_start3A_45 : memref<1x128x128xf32, #tpu.memory_space<hbm>> -> memref<128x128xf32, #tpu.memory_space<hbm>>
        %dma_start3A_47 = arith.constant 0 : i32
        %dma_start3A_48 = tpu.memref_slice %arg7[%arg0, %min3A_38, %dma_start3A_47] : memref<2x5064x128xf32, #tpu.memory_space<hbm>> -> memref<1x128x128xf32, #tpu.memory_space<hbm>>
        %dma_start3A_49 = tpu.memref_squeeze %dma_start3A_48 : memref<1x128x128xf32, #tpu.memory_space<hbm>> -> memref<128x128xf32, #tpu.memory_space<hbm>>
        tpu.enqueue_dma source(%arg11 : memref<128x128xf32, #tpu.memory_space<vmem>>) target(%dma_start3A_49 : memref<128x128xf32, #tpu.memory_space<hbm>>) target_semaphore(%run_scoped3A : memref<!tpu.dma_semaphore, #tpu.memory_space<semaphore_mem>>)
        %dma_wait3A_50 = arith.constant 0 : i32
        %dma_wait3A_51 = tpu.memref_slice %arg7[%arg0, %min3A_38, %dma_wait3A_50] : memref<2x5064x128xf32, #tpu.memory_space<hbm>> -> memref<1x128x128xf32, #tpu.memory_space<hbm>>
        %dma_wait3A_52 = tpu.memref_squeeze %dma_wait3A_51 : memref<1x128x128xf32, #tpu.memory_space<hbm>> -> memref<128x128xf32, #tpu.memory_space<hbm>>
        %dma_wait3A_53 = arith.constant 0 : i32
        %dma_wait3A_54 = tpu.memref_slice %arg7[%arg0, %min3A_38, %dma_wait3A_53] : memref<2x5064x128xf32, #tpu.memory_space<hbm>> -> memref<1x128x128xf32, #tpu.memory_space<hbm>>
        %dma_wait3A_55 = tpu.memref_squeeze %dma_wait3A_54 : memref<1x128x128xf32, #tpu.memory_space<hbm>> -> memref<128x128xf32, #tpu.memory_space<hbm>>
        tpu.wait_dma2 semaphore(%run_scoped3A : memref<!tpu.dma_semaphore, #tpu.memory_space<semaphore_mem>>) src(%arg11 : memref<128x128xf32, #tpu.memory_space<vmem>>) dst(%dma_wait3A_55 : memref<128x128xf32, #tpu.memory_space<hbm>>)
        tpu.yield
      }) : () -> ()
      %scan3A_43 = arith.constant 0 : i32
      scf.yield %scan3A_43 : i32
    }
    %scan3A_27 = arith.constant 2 : i32
    %lt3A_28 = arith.constant 8 : i32
    %lt3A_29 = arith.cmpi slt, %arg1, %lt3A_28 : i32
    %convert_element_type3A_30 = arith.extui %lt3A_29 : i1 to i32
    %cond3A_31 = arith.constant 0 : i32
    %cond3A_32 = arith.cmpi ne, %convert_element_type3A_30, %cond3A_31 : i32
    scf.if %cond3A_32 {
      %add3A = arith.constant 32 : i32
      %add3A_33 = arith.addi %add3A, %arg1 : i32
      %mul3A = arith.constant 128 : i32
      %mul3A_34 = arith.muli %add3A_33, %mul3A : i32
      %min3A = arith.constant 4936 : i32
      %min3A_35 = arith.minsi %mul3A_34, %min3A : i32
      "tpu.region"() ({
        %run_scoped3A = tpu.sem_alloc : memref<!tpu.dma_semaphore, #tpu.memory_space<semaphore_mem>>
        %dma_start3A_40 = tpu.memref_slice %arg5[%min3A_35] : memref<10000xi32, #tpu.memory_space<hbm>> -> memref<128xi32, #tpu.memory_space<hbm>>
        %dma_start3A_41 = tpu.memref_slice %arg5[%min3A_35] : memref<10000xi32, #tpu.memory_space<hbm>> -> memref<128xi32, #tpu.memory_space<hbm>>
        tpu.enqueue_dma source(%dma_start3A_41 : memref<128xi32, #tpu.memory_space<hbm>>) target(%arg10 : memref<128xi32, #tpu.memory_space<vmem>>) target_semaphore(%run_scoped3A : memref<!tpu.dma_semaphore, #tpu.memory_space<semaphore_mem>>)
        %dma_wait3A_42 = tpu.memref_slice %arg5[%min3A_35] : memref<10000xi32, #tpu.memory_space<hbm>> -> memref<128xi32, #tpu.memory_space<hbm>>
        %dma_wait3A_43 = tpu.memref_slice %arg5[%min3A_35] : memref<10000xi32, #tpu.memory_space<hbm>> -> memref<128xi32, #tpu.memory_space<hbm>>
        tpu.wait_dma2 semaphore(%run_scoped3A : memref<!tpu.dma_semaphore, #tpu.memory_space<semaphore_mem>>) src(%dma_wait3A_43 : memref<128xi32, #tpu.memory_space<hbm>>) dst(%arg10 : memref<128xi32, #tpu.memory_space<vmem>>)
        tpu.yield
      }) : () -> ()
      %dma_start3A = arith.constant 0 : i32
      %dma_start3A_36 = arith.constant 0 : i32
      %dma_start3A_37 = tpu.memref_slice %arg13[%dma_start3A, %dma_start3A_36] : memref<5064x128xf32, #tpu.memory_space<vmem_shared>> -> memref<5064x128xf32, #tpu.memory_space<vmem_shared>>
      tpu.enqueue_indirect_dma source(%dma_start3A_37 : memref<5064x128xf32, #tpu.memory_space<vmem_shared>>) target(%arg11 : memref<128x128xf32, #tpu.memory_space<vmem>>) offsets(%arg10 : memref<128xi32, #tpu.memory_space<vmem>>) semaphore(%arg14 : memref<!tpu.dma_semaphore, #tpu.memory_space<semaphore_mem>>)
      %dma_wait3A = arith.constant 0 : i32
      %dma_wait3A_38 = arith.constant 0 : i32
      %dma_wait3A_39 = tpu.memref_slice %arg13[%dma_wait3A, %dma_wait3A_38] : memref<5064x128xf32, #tpu.memory_space<vmem_shared>> -> memref<5064x128xf32, #tpu.memory_space<vmem_shared>>
      tpu.wait_indirect_dma semaphore(%arg14 : memref<!tpu.dma_semaphore, #tpu.memory_space<semaphore_mem>>) src(%dma_wait3A_39 : memref<5064x128xf32, #tpu.memory_space<vmem_shared>>) dst(%arg11 : memref<128x128xf32, #tpu.memory_space<vmem>>)
      "tpu.region"() ({
        %run_scoped3A = tpu.sem_alloc : memref<!tpu.dma_semaphore, #tpu.memory_space<semaphore_mem>>
        %dma_start3A_40 = arith.constant 0 : i32
        %dma_start3A_41 = tpu.memref_slice %arg7[%arg0, %min3A_35, %dma_start3A_40] : memref<2x5064x128xf32, #tpu.memory_space<hbm>> -> memref<1x128x128xf32, #tpu.memory_space<hbm>>
        %dma_start3A_42 = tpu.memref_squeeze %dma_start3A_41 : memref<1x128x128xf32, #tpu.memory_space<hbm>> -> memref<128x128xf32, #tpu.memory_space<hbm>>
        %dma_start3A_43 = arith.constant 0 : i32
        %dma_start3A_44 = tpu.memref_slice %arg7[%arg0, %min3A_35, %dma_start3A_43] : memref<2x5064x128xf32, #tpu.memory_space<hbm>> -> memref<1x128x128xf32, #tpu.memory_space<hbm>>
        %dma_start3A_45 = tpu.memref_squeeze %dma_start3A_44 : memref<1x128x128xf32, #tpu.memory_space<hbm>> -> memref<128x128xf32, #tpu.memory_space<hbm>>
        tpu.enqueue_dma source(%arg11 : memref<128x128xf32, #tpu.memory_space<vmem>>) target(%dma_start3A_45 : memref<128x128xf32, #tpu.memory_space<hbm>>) target_semaphore(%run_scoped3A : memref<!tpu.dma_semaphore, #tpu.memory_space<semaphore_mem>>)
        %dma_wait3A_46 = arith.constant 0 : i32
        %dma_wait3A_47 = tpu.memref_slice %arg7[%arg0, %min3A_35, %dma_wait3A_46] : memref<2x5064x128xf32, #tpu.memory_space<hbm>> -> memref<1x128x128xf32, #tpu.memory_space<hbm>>
        %dma_wait3A_48 = tpu.memref_squeeze %dma_wait3A_47 : memref<1x128x128xf32, #tpu.memory_space<hbm>> -> memref<128x128xf32, #tpu.memory_space<hbm>>
        %dma_wait3A_49 = arith.constant 0 : i32
        %dma_wait3A_50 = tpu.memref_slice %arg7[%arg0, %min3A_35, %dma_wait3A_49] : memref<2x5064x128xf32, #tpu.memory_space<hbm>> -> memref<1x128x128xf32, #tpu.memory_space<hbm>>
        %dma_wait3A_51 = tpu.memref_squeeze %dma_wait3A_50 : memref<1x128x128xf32, #tpu.memory_space<hbm>> -> memref<128x128xf32, #tpu.memory_space<hbm>>
        tpu.wait_dma2 semaphore(%run_scoped3A : memref<!tpu.dma_semaphore, #tpu.memory_space<semaphore_mem>>) src(%arg11 : memref<128x128xf32, #tpu.memory_space<vmem>>) dst(%dma_wait3A_51 : memref<128x128xf32, #tpu.memory_space<hbm>>)
        tpu.yield
      }) : () -> ()
    } else {
    }
    return
  }
}

#map = affine_map<(d0, d1) -> (0, 0)>
#map1 = affine_map<(d0, d1) -> (0)>
module attributes {stable_mosaic.version = 14 : i64} {
  func.func @gat_k(%arg0: i32, %arg1: i32, %arg2: memref<10000x128xf32, #tpu.memory_space<hbm>>, %arg3: memref<10000x128xf32, #tpu.memory_space<hbm>>, %arg4: memref<320000xi32, #tpu.memory_space<hbm>>, %arg5: memref<320000x128xf32, #tpu.memory_space<hbm>>, %arg6: memref<320000x128xf32, #tpu.memory_space<hbm>>, %arg7: memref<128xi32, #tpu.memory_space<vmem>>, %arg8: memref<128x128xf32, #tpu.memory_space<vmem>>, %arg9: memref<128x128xf32, #tpu.memory_space<vmem>>, %arg10: memref<!tpu.dma_semaphore, #tpu.memory_space<semaphore_mem>>, %arg11: memref<!tpu.dma_semaphore, #tpu.memory_space<semaphore_mem>>) attributes {dimension_semantics = [#tpu.dimension_semantics<core_parallel>, #tpu.dimension_semantics<subcore_parallel>], iteration_bounds = array<i64: 2, 16>, scalar_prefetch = 0 : i64, scratch_operands = 5 : i64, tpu.core_type = #tpu.core_type<sc_vector_subcore>, window_params = [{transform_indices = #map}, {transform_indices = #map}, {transform_indices = #map1}, {transform_indices = #map}, {transform_indices = #map}]} {
    %mul3A = arith.constant 2 : i32
    %mul3A_0 = arith.muli %arg1, %mul3A : i32
    %add3A = arith.addi %mul3A_0, %arg0 : i32
    %scan3A = arith.constant 0 : i32
    %scan3A_1 = arith.constant 0 : i32
    %scan3A_2 = arith.constant 78 : i32
    %scan3A_3 = arith.addi %scan3A_1, %scan3A_2 : i32
    %scan3A_4 = arith.constant 1 : i32
    %scan3A_5 = scf.for %scan3A_9 = %scan3A_1 to %scan3A_3 step %scan3A_4 iter_args(%scan3A_10 = %scan3A) -> (i32)  : i32 {
      %mul3A_11 = arith.constant 32 : i32
      %mul3A_12 = arith.muli %scan3A_9, %mul3A_11 : i32
      %add3A_13 = arith.addi %mul3A_12, %add3A : i32
      %mul3A_14 = arith.constant 128 : i32
      %mul3A_15 = arith.muli %add3A_13, %mul3A_14 : i32
      "tpu.region"() ({
        %run_scoped3A = tpu.sem_alloc : memref<!tpu.dma_semaphore, #tpu.memory_space<semaphore_mem>>
        %dma_start3A_27 = tpu.memref_slice %arg4[%mul3A_15] : memref<320000xi32, #tpu.memory_space<hbm>> -> memref<128xi32, #tpu.memory_space<hbm>>
        %dma_start3A_28 = tpu.memref_slice %arg4[%mul3A_15] : memref<320000xi32, #tpu.memory_space<hbm>> -> memref<128xi32, #tpu.memory_space<hbm>>
        tpu.enqueue_dma source(%dma_start3A_28 : memref<128xi32, #tpu.memory_space<hbm>>) target(%arg7 : memref<128xi32, #tpu.memory_space<vmem>>) target_semaphore(%run_scoped3A : memref<!tpu.dma_semaphore, #tpu.memory_space<semaphore_mem>>)
        %dma_wait3A_29 = tpu.memref_slice %arg4[%mul3A_15] : memref<320000xi32, #tpu.memory_space<hbm>> -> memref<128xi32, #tpu.memory_space<hbm>>
        %dma_wait3A_30 = tpu.memref_slice %arg4[%mul3A_15] : memref<320000xi32, #tpu.memory_space<hbm>> -> memref<128xi32, #tpu.memory_space<hbm>>
        tpu.wait_dma2 semaphore(%run_scoped3A : memref<!tpu.dma_semaphore, #tpu.memory_space<semaphore_mem>>) src(%dma_wait3A_30 : memref<128xi32, #tpu.memory_space<hbm>>) dst(%arg7 : memref<128xi32, #tpu.memory_space<vmem>>)
        tpu.yield
      }) : () -> ()
      %dma_start3A = arith.constant 0 : i32
      %dma_start3A_16 = arith.constant 0 : i32
      %dma_start3A_17 = tpu.memref_slice %arg2[%dma_start3A, %dma_start3A_16] : memref<10000x128xf32, #tpu.memory_space<hbm>> -> memref<10000x128xf32, #tpu.memory_space<hbm>>
      tpu.enqueue_indirect_dma source(%dma_start3A_17 : memref<10000x128xf32, #tpu.memory_space<hbm>>) target(%arg8 : memref<128x128xf32, #tpu.memory_space<vmem>>) offsets(%arg7 : memref<128xi32, #tpu.memory_space<vmem>>) semaphore(%arg10 : memref<!tpu.dma_semaphore, #tpu.memory_space<semaphore_mem>>)
      %dma_start3A_18 = arith.constant 0 : i32
      %dma_start3A_19 = arith.constant 0 : i32
      %dma_start3A_20 = tpu.memref_slice %arg3[%dma_start3A_18, %dma_start3A_19] : memref<10000x128xf32, #tpu.memory_space<hbm>> -> memref<10000x128xf32, #tpu.memory_space<hbm>>
      tpu.enqueue_indirect_dma source(%dma_start3A_20 : memref<10000x128xf32, #tpu.memory_space<hbm>>) target(%arg9 : memref<128x128xf32, #tpu.memory_space<vmem>>) offsets(%arg7 : memref<128xi32, #tpu.memory_space<vmem>>) semaphore(%arg11 : memref<!tpu.dma_semaphore, #tpu.memory_space<semaphore_mem>>)
      %dma_wait3A = arith.constant 0 : i32
      %dma_wait3A_21 = arith.constant 0 : i32
      %dma_wait3A_22 = tpu.memref_slice %arg2[%dma_wait3A, %dma_wait3A_21] : memref<10000x128xf32, #tpu.memory_space<hbm>> -> memref<10000x128xf32, #tpu.memory_space<hbm>>
      tpu.wait_indirect_dma semaphore(%arg10 : memref<!tpu.dma_semaphore, #tpu.memory_space<semaphore_mem>>) src(%dma_wait3A_22 : memref<10000x128xf32, #tpu.memory_space<hbm>>) dst(%arg8 : memref<128x128xf32, #tpu.memory_space<vmem>>)
      "tpu.region"() ({
        %run_scoped3A = tpu.sem_alloc : memref<!tpu.dma_semaphore, #tpu.memory_space<semaphore_mem>>
        %dma_start3A_27 = arith.constant 0 : i32
        %dma_start3A_28 = tpu.memref_slice %arg5[%mul3A_15, %dma_start3A_27] : memref<320000x128xf32, #tpu.memory_space<hbm>> -> memref<128x128xf32, #tpu.memory_space<hbm>>
        %dma_start3A_29 = arith.constant 0 : i32
        %dma_start3A_30 = tpu.memref_slice %arg5[%mul3A_15, %dma_start3A_29] : memref<320000x128xf32, #tpu.memory_space<hbm>> -> memref<128x128xf32, #tpu.memory_space<hbm>>
        tpu.enqueue_dma source(%arg8 : memref<128x128xf32, #tpu.memory_space<vmem>>) target(%dma_start3A_30 : memref<128x128xf32, #tpu.memory_space<hbm>>) target_semaphore(%run_scoped3A : memref<!tpu.dma_semaphore, #tpu.memory_space<semaphore_mem>>)
        %dma_wait3A_31 = arith.constant 0 : i32
        %dma_wait3A_32 = tpu.memref_slice %arg5[%mul3A_15, %dma_wait3A_31] : memref<320000x128xf32, #tpu.memory_space<hbm>> -> memref<128x128xf32, #tpu.memory_space<hbm>>
        %dma_wait3A_33 = arith.constant 0 : i32
        %dma_wait3A_34 = tpu.memref_slice %arg5[%mul3A_15, %dma_wait3A_33] : memref<320000x128xf32, #tpu.memory_space<hbm>> -> memref<128x128xf32, #tpu.memory_space<hbm>>
        tpu.wait_dma2 semaphore(%run_scoped3A : memref<!tpu.dma_semaphore, #tpu.memory_space<semaphore_mem>>) src(%arg8 : memref<128x128xf32, #tpu.memory_space<vmem>>) dst(%dma_wait3A_34 : memref<128x128xf32, #tpu.memory_space<hbm>>)
        tpu.yield
      }) : () -> ()
      %dma_wait3A_23 = arith.constant 0 : i32
      %dma_wait3A_24 = arith.constant 0 : i32
      %dma_wait3A_25 = tpu.memref_slice %arg3[%dma_wait3A_23, %dma_wait3A_24] : memref<10000x128xf32, #tpu.memory_space<hbm>> -> memref<10000x128xf32, #tpu.memory_space<hbm>>
      tpu.wait_indirect_dma semaphore(%arg11 : memref<!tpu.dma_semaphore, #tpu.memory_space<semaphore_mem>>) src(%dma_wait3A_25 : memref<10000x128xf32, #tpu.memory_space<hbm>>) dst(%arg9 : memref<128x128xf32, #tpu.memory_space<vmem>>)
      "tpu.region"() ({
        %run_scoped3A = tpu.sem_alloc : memref<!tpu.dma_semaphore, #tpu.memory_space<semaphore_mem>>
        %dma_start3A_27 = arith.constant 0 : i32
        %dma_start3A_28 = tpu.memref_slice %arg6[%mul3A_15, %dma_start3A_27] : memref<320000x128xf32, #tpu.memory_space<hbm>> -> memref<128x128xf32, #tpu.memory_space<hbm>>
        %dma_start3A_29 = arith.constant 0 : i32
        %dma_start3A_30 = tpu.memref_slice %arg6[%mul3A_15, %dma_start3A_29] : memref<320000x128xf32, #tpu.memory_space<hbm>> -> memref<128x128xf32, #tpu.memory_space<hbm>>
        tpu.enqueue_dma source(%arg9 : memref<128x128xf32, #tpu.memory_space<vmem>>) target(%dma_start3A_30 : memref<128x128xf32, #tpu.memory_space<hbm>>) target_semaphore(%run_scoped3A : memref<!tpu.dma_semaphore, #tpu.memory_space<semaphore_mem>>)
        %dma_wait3A_31 = arith.constant 0 : i32
        %dma_wait3A_32 = tpu.memref_slice %arg6[%mul3A_15, %dma_wait3A_31] : memref<320000x128xf32, #tpu.memory_space<hbm>> -> memref<128x128xf32, #tpu.memory_space<hbm>>
        %dma_wait3A_33 = arith.constant 0 : i32
        %dma_wait3A_34 = tpu.memref_slice %arg6[%mul3A_15, %dma_wait3A_33] : memref<320000x128xf32, #tpu.memory_space<hbm>> -> memref<128x128xf32, #tpu.memory_space<hbm>>
        tpu.wait_dma2 semaphore(%run_scoped3A : memref<!tpu.dma_semaphore, #tpu.memory_space<semaphore_mem>>) src(%arg9 : memref<128x128xf32, #tpu.memory_space<vmem>>) dst(%dma_wait3A_34 : memref<128x128xf32, #tpu.memory_space<hbm>>)
        tpu.yield
      }) : () -> ()
      %scan3A_26 = arith.constant 0 : i32
      scf.yield %scan3A_26 : i32
    }
    %scan3A_6 = arith.constant 78 : i32
    %lt3A = arith.constant 4 : i32
    %lt3A_7 = arith.cmpi slt, %add3A, %lt3A : i32
    %convert_element_type3A = arith.extui %lt3A_7 : i1 to i32
    %cond3A = arith.constant 0 : i32
    %cond3A_8 = arith.cmpi ne, %convert_element_type3A, %cond3A : i32
    scf.if %cond3A_8 {
      %add3A_9 = arith.constant 2496 : i32
      %add3A_10 = arith.addi %add3A_9, %add3A : i32
      %mul3A_11 = arith.constant 128 : i32
      %mul3A_12 = arith.muli %add3A_10, %mul3A_11 : i32
      "tpu.region"() ({
        %run_scoped3A = tpu.sem_alloc : memref<!tpu.dma_semaphore, #tpu.memory_space<semaphore_mem>>
        %dma_start3A_23 = tpu.memref_slice %arg4[%mul3A_12] : memref<320000xi32, #tpu.memory_space<hbm>> -> memref<128xi32, #tpu.memory_space<hbm>>
        %dma_start3A_24 = tpu.memref_slice %arg4[%mul3A_12] : memref<320000xi32, #tpu.memory_space<hbm>> -> memref<128xi32, #tpu.memory_space<hbm>>
        tpu.enqueue_dma source(%dma_start3A_24 : memref<128xi32, #tpu.memory_space<hbm>>) target(%arg7 : memref<128xi32, #tpu.memory_space<vmem>>) target_semaphore(%run_scoped3A : memref<!tpu.dma_semaphore, #tpu.memory_space<semaphore_mem>>)
        %dma_wait3A_25 = tpu.memref_slice %arg4[%mul3A_12] : memref<320000xi32, #tpu.memory_space<hbm>> -> memref<128xi32, #tpu.memory_space<hbm>>
        %dma_wait3A_26 = tpu.memref_slice %arg4[%mul3A_12] : memref<320000xi32, #tpu.memory_space<hbm>> -> memref<128xi32, #tpu.memory_space<hbm>>
        tpu.wait_dma2 semaphore(%run_scoped3A : memref<!tpu.dma_semaphore, #tpu.memory_space<semaphore_mem>>) src(%dma_wait3A_26 : memref<128xi32, #tpu.memory_space<hbm>>) dst(%arg7 : memref<128xi32, #tpu.memory_space<vmem>>)
        tpu.yield
      }) : () -> ()
      %dma_start3A = arith.constant 0 : i32
      %dma_start3A_13 = arith.constant 0 : i32
      %dma_start3A_14 = tpu.memref_slice %arg2[%dma_start3A, %dma_start3A_13] : memref<10000x128xf32, #tpu.memory_space<hbm>> -> memref<10000x128xf32, #tpu.memory_space<hbm>>
      tpu.enqueue_indirect_dma source(%dma_start3A_14 : memref<10000x128xf32, #tpu.memory_space<hbm>>) target(%arg8 : memref<128x128xf32, #tpu.memory_space<vmem>>) offsets(%arg7 : memref<128xi32, #tpu.memory_space<vmem>>) semaphore(%arg10 : memref<!tpu.dma_semaphore, #tpu.memory_space<semaphore_mem>>)
      %dma_start3A_15 = arith.constant 0 : i32
      %dma_start3A_16 = arith.constant 0 : i32
      %dma_start3A_17 = tpu.memref_slice %arg3[%dma_start3A_15, %dma_start3A_16] : memref<10000x128xf32, #tpu.memory_space<hbm>> -> memref<10000x128xf32, #tpu.memory_space<hbm>>
      tpu.enqueue_indirect_dma source(%dma_start3A_17 : memref<10000x128xf32, #tpu.memory_space<hbm>>) target(%arg9 : memref<128x128xf32, #tpu.memory_space<vmem>>) offsets(%arg7 : memref<128xi32, #tpu.memory_space<vmem>>) semaphore(%arg11 : memref<!tpu.dma_semaphore, #tpu.memory_space<semaphore_mem>>)
      %dma_wait3A = arith.constant 0 : i32
      %dma_wait3A_18 = arith.constant 0 : i32
      %dma_wait3A_19 = tpu.memref_slice %arg2[%dma_wait3A, %dma_wait3A_18] : memref<10000x128xf32, #tpu.memory_space<hbm>> -> memref<10000x128xf32, #tpu.memory_space<hbm>>
      tpu.wait_indirect_dma semaphore(%arg10 : memref<!tpu.dma_semaphore, #tpu.memory_space<semaphore_mem>>) src(%dma_wait3A_19 : memref<10000x128xf32, #tpu.memory_space<hbm>>) dst(%arg8 : memref<128x128xf32, #tpu.memory_space<vmem>>)
      "tpu.region"() ({
        %run_scoped3A = tpu.sem_alloc : memref<!tpu.dma_semaphore, #tpu.memory_space<semaphore_mem>>
        %dma_start3A_23 = arith.constant 0 : i32
        %dma_start3A_24 = tpu.memref_slice %arg5[%mul3A_12, %dma_start3A_23] : memref<320000x128xf32, #tpu.memory_space<hbm>> -> memref<128x128xf32, #tpu.memory_space<hbm>>
        %dma_start3A_25 = arith.constant 0 : i32
        %dma_start3A_26 = tpu.memref_slice %arg5[%mul3A_12, %dma_start3A_25] : memref<320000x128xf32, #tpu.memory_space<hbm>> -> memref<128x128xf32, #tpu.memory_space<hbm>>
        tpu.enqueue_dma source(%arg8 : memref<128x128xf32, #tpu.memory_space<vmem>>) target(%dma_start3A_26 : memref<128x128xf32, #tpu.memory_space<hbm>>) target_semaphore(%run_scoped3A : memref<!tpu.dma_semaphore, #tpu.memory_space<semaphore_mem>>)
        %dma_wait3A_27 = arith.constant 0 : i32
        %dma_wait3A_28 = tpu.memref_slice %arg5[%mul3A_12, %dma_wait3A_27] : memref<320000x128xf32, #tpu.memory_space<hbm>> -> memref<128x128xf32, #tpu.memory_space<hbm>>
        %dma_wait3A_29 = arith.constant 0 : i32
        %dma_wait3A_30 = tpu.memref_slice %arg5[%mul3A_12, %dma_wait3A_29] : memref<320000x128xf32, #tpu.memory_space<hbm>> -> memref<128x128xf32, #tpu.memory_space<hbm>>
        tpu.wait_dma2 semaphore(%run_scoped3A : memref<!tpu.dma_semaphore, #tpu.memory_space<semaphore_mem>>) src(%arg8 : memref<128x128xf32, #tpu.memory_space<vmem>>) dst(%dma_wait3A_30 : memref<128x128xf32, #tpu.memory_space<hbm>>)
        tpu.yield
      }) : () -> ()
      %dma_wait3A_20 = arith.constant 0 : i32
      %dma_wait3A_21 = arith.constant 0 : i32
      %dma_wait3A_22 = tpu.memref_slice %arg3[%dma_wait3A_20, %dma_wait3A_21] : memref<10000x128xf32, #tpu.memory_space<hbm>> -> memref<10000x128xf32, #tpu.memory_space<hbm>>
      tpu.wait_indirect_dma semaphore(%arg11 : memref<!tpu.dma_semaphore, #tpu.memory_space<semaphore_mem>>) src(%dma_wait3A_22 : memref<10000x128xf32, #tpu.memory_space<hbm>>) dst(%arg9 : memref<128x128xf32, #tpu.memory_space<vmem>>)
      "tpu.region"() ({
        %run_scoped3A = tpu.sem_alloc : memref<!tpu.dma_semaphore, #tpu.memory_space<semaphore_mem>>
        %dma_start3A_23 = arith.constant 0 : i32
        %dma_start3A_24 = tpu.memref_slice %arg6[%mul3A_12, %dma_start3A_23] : memref<320000x128xf32, #tpu.memory_space<hbm>> -> memref<128x128xf32, #tpu.memory_space<hbm>>
        %dma_start3A_25 = arith.constant 0 : i32
        %dma_start3A_26 = tpu.memref_slice %arg6[%mul3A_12, %dma_start3A_25] : memref<320000x128xf32, #tpu.memory_space<hbm>> -> memref<128x128xf32, #tpu.memory_space<hbm>>
        tpu.enqueue_dma source(%arg9 : memref<128x128xf32, #tpu.memory_space<vmem>>) target(%dma_start3A_26 : memref<128x128xf32, #tpu.memory_space<hbm>>) target_semaphore(%run_scoped3A : memref<!tpu.dma_semaphore, #tpu.memory_space<semaphore_mem>>)
        %dma_wait3A_27 = arith.constant 0 : i32
        %dma_wait3A_28 = tpu.memref_slice %arg6[%mul3A_12, %dma_wait3A_27] : memref<320000x128xf32, #tpu.memory_space<hbm>> -> memref<128x128xf32, #tpu.memory_space<hbm>>
        %dma_wait3A_29 = arith.constant 0 : i32
        %dma_wait3A_30 = tpu.memref_slice %arg6[%mul3A_12, %dma_wait3A_29] : memref<320000x128xf32, #tpu.memory_space<hbm>> -> memref<128x128xf32, #tpu.memory_space<hbm>>
        tpu.wait_dma2 semaphore(%run_scoped3A : memref<!tpu.dma_semaphore, #tpu.memory_space<semaphore_mem>>) src(%arg9 : memref<128x128xf32, #tpu.memory_space<vmem>>) dst(%dma_wait3A_30 : memref<128x128xf32, #tpu.memory_space<hbm>>)
        tpu.yield
      }) : () -> ()
    } else {
    }
    return
  }
}

module attributes {stable_mosaic.version = 14 : i64} {
  func.func @body(%arg0: memref<1x320000xi32, #tpu.memory_space<vmem>>, %arg1: memref<2x320000xi32, #tpu.memory_space<vmem>>) attributes {dimension_semantics = [], scalar_prefetch = 0 : i64, scratch_operands = 0 : i64, tpu.core_type = #tpu.core_type<tc>} {
    %get3A = arith.constant 0 : index
    %get3A_0 = arith.constant 0 : index
    %get3A_1 = vector.load %arg0[%get3A, %get3A_0] : memref<1x320000xi32, #tpu.memory_space<vmem>>, vector<1x320000xi32>
    %iota3A = tpu.iota {dimensions = array<i32: 1>} : vector<1x320000xi32>
    %and3A = arith.constant 63 : i32
    %and3A_2 = vector.broadcast %and3A : i32 to vector<1x320000xi32>
    %and3A_3 = arith.andi %iota3A, %and3A_2 : vector<1x320000xi32>
    %add3A = arith.constant 5000 : i32
    %add3A_4 = vector.broadcast %add3A : i32 to vector<1x320000xi32>
    %add3A_5 = arith.addi %add3A_4, %and3A_3 : vector<1x320000xi32>
    %sub3A = arith.constant 0 : i32
    %sub3A_6 = vector.broadcast %sub3A : i32 to vector<1x320000xi32>
    %sub3A_7 = arith.subi %get3A_1, %sub3A_6 : vector<1x320000xi32>
    %ge3A = arith.constant 0 : i32
    %ge3A_8 = vector.broadcast %ge3A : i32 to vector<1x320000xi32>
    %ge3A_9 = arith.cmpi sge, %sub3A_7, %ge3A_8 : vector<1x320000xi32>
    %lt3A = arith.constant 5000 : i32
    %lt3A_10 = vector.broadcast %lt3A : i32 to vector<1x320000xi32>
    %lt3A_11 = arith.cmpi slt, %sub3A_7, %lt3A_10 : vector<1x320000xi32>
    %and3A_12 = arith.andi %ge3A_9, %lt3A_11 : vector<1x320000xi1>
    %select_n3A = arith.select %and3A_12, %sub3A_7, %add3A_5 : vector<1x320000xi1>, vector<1x320000xi32>
    %swap3A = arith.constant 0 : index
    %swap3A_13 = arith.constant 0 : index
    %swap3A_14 = vector.load %arg1[%swap3A, %swap3A_13] : memref<2x320000xi32, #tpu.memory_space<vmem>>, vector<1x320000xi32>
    tpu.vector_store %arg1[%swap3A, %swap3A_13], %select_n3A {strides = array<i32>} : memref<2x320000xi32, #tpu.memory_space<vmem>>, vector<1x320000xi32>,
    %sub3A_15 = arith.constant 5000 : i32
    %sub3A_16 = vector.broadcast %sub3A_15 : i32 to vector<1x320000xi32>
    %sub3A_17 = arith.subi %get3A_1, %sub3A_16 : vector<1x320000xi32>
    %ge3A_18 = arith.constant 0 : i32
    %ge3A_19 = vector.broadcast %ge3A_18 : i32 to vector<1x320000xi32>
    %ge3A_20 = arith.cmpi sge, %sub3A_17, %ge3A_19 : vector<1x320000xi32>
    %lt3A_21 = arith.constant 5000 : i32
    %lt3A_22 = vector.broadcast %lt3A_21 : i32 to vector<1x320000xi32>
    %lt3A_23 = arith.cmpi slt, %sub3A_17, %lt3A_22 : vector<1x320000xi32>
    %and3A_24 = arith.andi %ge3A_20, %lt3A_23 : vector<1x320000xi1>
    %select_n3A_25 = arith.select %and3A_24, %sub3A_17, %add3A_5 : vector<1x320000xi1>, vector<1x320000xi32>
    %swap3A_26 = arith.constant 1 : index
    %swap3A_27 = arith.constant 0 : index
    %swap3A_28 = vector.load %arg1[%swap3A_26, %swap3A_27] : memref<2x320000xi32, #tpu.memory_space<vmem>>, vector<1x320000xi32>
    tpu.vector_store %arg1[%swap3A_26, %swap3A_27], %select_n3A_25 {strides = array<i32>} : memref<2x320000xi32, #tpu.memory_space<vmem>>, vector<1x320000xi32>,
    return
  }
}

module attributes {stable_mosaic.version = 14 : i64} {
  func.func @body(%arg0: memref<10000x128xf32, #tpu.memory_space<vmem>>, %arg1: memref<10000x64xf32, #tpu.memory_space<vmem>>, %arg2: memref<2x5064x128xf32, #tpu.memory_space<vmem>>, %arg3: memref<128x64xf32, #tpu.memory_space<vmem>>, %arg4: memref<1x64xf32, #tpu.memory_space<vmem>>, %arg5: memref<64x64xf32, #tpu.memory_space<vmem>>, %arg6: memref<1x64xf32, #tpu.memory_space<vmem>>, %arg7: memref<10000x128xf32, #tpu.memory_space<vmem>>) attributes {dimension_semantics = [], scalar_prefetch = 0 : i64, scratch_operands = 0 : i64, tpu.core_type = #tpu.core_type<tc>} {
    %get3A = arith.constant 0 : index
    %get3A_0 = arith.constant 0 : index
    %get3A_1 = arith.constant 0 : index
    %get3A_2 = vector.load %arg2[%get3A, %get3A_0, %get3A_1] : memref<2x5064x128xf32, #tpu.memory_space<vmem>>, vector<1x5000x1xf32>
    %get3A_3 = vector.shape_cast %get3A_2 : vector<1x5000x1xf32> to vector<5000x1xf32>
    %get3A_4 = arith.constant 1 : index
    %get3A_5 = arith.constant 0 : index
    %get3A_6 = arith.constant 0 : index
    %get3A_7 = vector.load %arg2[%get3A_4, %get3A_5, %get3A_6] : memref<2x5064x128xf32, #tpu.memory_space<vmem>>, vector<1x5000x1xf32>
    %get3A_8 = vector.shape_cast %get3A_7 : vector<1x5000x1xf32> to vector<5000x1xf32>
    %concatenate3A = tpu.concatenate %get3A_3, %get3A_8 in 0 : vector<5000x1xf32>, vector<5000x1xf32> -> vector<10000x1xf32>
    %gt3A = arith.constant 0.000000e+00 : f32
    %gt3A_9 = vector.broadcast %gt3A : f32 to vector<10000x1xf32>
    %gt3A_10 = arith.cmpf ogt, %concatenate3A, %gt3A_9 : vector<10000x1xf32>
    %jit3A = arith.constant 1.000000e+00 : f32
    %broadcast_in_dim3A = vector.broadcast %jit3A : f32 to vector<10000x1xf32>
    %select_n3A = arith.select %gt3A_10, %concatenate3A, %broadcast_in_dim3A : vector<10000x1xi1>, vector<10000x1xf32>
    %sqrt3A = math.sqrt %select_n3A : vector<10000x1xf32>
    %div3A = arith.constant 1.000000e+00 : f32
    %div3A_11 = vector.broadcast %div3A : f32 to vector<10000x1xf32>
    %div3A_12 = arith.divf %div3A_11, %sqrt3A : vector<10000x1xf32>
    %get3A_13 = arith.constant 0 : index
    %get3A_14 = arith.constant 0 : index
    %get3A_15 = vector.load %arg0[%get3A_13, %get3A_14] : memref<10000x128xf32, #tpu.memory_space<vmem>>, vector<10000x128xf32>
    %get3A_16 = arith.constant 0 : index
    %get3A_17 = arith.constant 0 : index
    %get3A_18 = vector.load %arg3[%get3A_16, %get3A_17] : memref<128x64xf32, #tpu.memory_space<vmem>>, vector<128x64xf32>
    %dot_general3A = arith.constant dense<0.000000e+00> : vector<10000x64xf32>
    %dot_general3A_19 = tpu.matmul %get3A_15, %get3A_18, %dot_general3A {dimension_numbers = #tpu.dot_dimension_numbers<[1], [0], [0], [1], [0, 0, 1, 1], [], []>, transpose_lhs_hint = false} : vector<10000x128xf32>, vector<128x64xf32>, vector<10000x64xf32> -> vector<10000x64xf32>
    %get3A_20 = arith.constant 0 : index
    %get3A_21 = arith.constant 0 : index
    %get3A_22 = vector.load %arg4[%get3A_20, %get3A_21] : memref<1x64xf32, #tpu.memory_space<vmem>>, vector<1x64xf32>
    %add3A = vector.broadcast %get3A_22 : vector<1x64xf32> to vector<10000x64xf32>
    %add3A_23 = arith.addf %dot_general3A_19, %add3A : vector<10000x64xf32>
    %mul3A = vector.broadcast %div3A_12 : vector<10000x1xf32> to vector<10000x64xf32>
    %mul3A_24 = arith.mulf %add3A_23, %mul3A : vector<10000x64xf32>
    %get3A_25 = arith.constant 0 : index
    %get3A_26 = arith.constant 0 : index
    %get3A_27 = vector.load %arg1[%get3A_25, %get3A_26] : memref<10000x64xf32, #tpu.memory_space<vmem>>, vector<10000x64xf32>
    %get3A_28 = arith.constant 0 : index
    %get3A_29 = arith.constant 0 : index
    %get3A_30 = vector.load %arg5[%get3A_28, %get3A_29] : memref<64x64xf32, #tpu.memory_space<vmem>>, vector<64x64xf32>
    %dot_general3A_31 = arith.constant dense<0.000000e+00> : vector<10000x64xf32>
    %dot_general3A_32 = tpu.matmul %get3A_27, %get3A_30, %dot_general3A_31 {dimension_numbers = #tpu.dot_dimension_numbers<[1], [0], [0], [1], [0, 0, 1, 1], [], []>, transpose_lhs_hint = false} : vector<10000x64xf32>, vector<64x64xf32>, vector<10000x64xf32> -> vector<10000x64xf32>
    %get3A_33 = arith.constant 0 : index
    %get3A_34 = arith.constant 0 : index
    %get3A_35 = vector.load %arg6[%get3A_33, %get3A_34] : memref<1x64xf32, #tpu.memory_space<vmem>>, vector<1x64xf32>
    %add3A_36 = vector.broadcast %get3A_35 : vector<1x64xf32> to vector<10000x64xf32>
    %add3A_37 = arith.addf %dot_general3A_32, %add3A_36 : vector<10000x64xf32>
    %mul3A_38 = vector.broadcast %div3A_12 : vector<10000x1xf32> to vector<10000x64xf32>
    %mul3A_39 = arith.mulf %add3A_37, %mul3A_38 : vector<10000x64xf32>
    %concatenate3A_40 = tpu.concatenate %mul3A_24, %mul3A_39 in 1 : vector<10000x64xf32>, vector<10000x64xf32> -> vector<10000x128xf32>
    %swap3A = arith.constant 0 : index
    %swap3A_41 = arith.constant 0 : index
    %swap3A_42 = vector.load %arg7[%swap3A, %swap3A_41] : memref<10000x128xf32, #tpu.memory_space<vmem>>, vector<10000x128xf32>
    tpu.vector_store %arg7[%swap3A, %swap3A_41], %concatenate3A_40 {strides = array<i32>} : memref<10000x128xf32, #tpu.memory_space<vmem>>, vector<10000x128xf32>,
    return
  }
}

module attributes {stable_mosaic.version = 14 : i64} {
  func.func @body(%arg0: memref<2x5064x128xf32, #tpu.memory_space<vmem>>, %arg1: memref<2x5064x128xf32, #tpu.memory_space<vmem>>, %arg2: memref<64x64xf32, #tpu.memory_space<vmem>>, %arg3: memref<1x64xf32, #tpu.memory_space<vmem>>, %arg4: memref<64x64xf32, #tpu.memory_space<vmem>>, %arg5: memref<1x64xf32, #tpu.memory_space<vmem>>, %arg6: memref<10000x128xf32, #tpu.memory_space<vmem>>) attributes {dimension_semantics = [], scalar_prefetch = 0 : i64, scratch_operands = 0 : i64, tpu.core_type = #tpu.core_type<tc>} {
    %get3A = arith.constant 0 : index
    %get3A_0 = arith.constant 0 : index
    %get3A_1 = arith.constant 0 : index
    %get3A_2 = vector.load %arg1[%get3A, %get3A_0, %get3A_1] : memref<2x5064x128xf32, #tpu.memory_space<vmem>>, vector<1x5000x1xf32>
    %get3A_3 = vector.shape_cast %get3A_2 : vector<1x5000x1xf32> to vector<5000x1xf32>
    %get3A_4 = arith.constant 1 : index
    %get3A_5 = arith.constant 0 : index
    %get3A_6 = arith.constant 0 : index
    %get3A_7 = vector.load %arg1[%get3A_4, %get3A_5, %get3A_6] : memref<2x5064x128xf32, #tpu.memory_space<vmem>>, vector<1x5000x1xf32>
    %get3A_8 = vector.shape_cast %get3A_7 : vector<1x5000x1xf32> to vector<5000x1xf32>
    %concatenate3A = tpu.concatenate %get3A_3, %get3A_8 in 0 : vector<5000x1xf32>, vector<5000x1xf32> -> vector<10000x1xf32>
    %gt3A = arith.constant 0.000000e+00 : f32
    %gt3A_9 = vector.broadcast %gt3A : f32 to vector<10000x1xf32>
    %gt3A_10 = arith.cmpf ogt, %concatenate3A, %gt3A_9 : vector<10000x1xf32>
    %jit3A = arith.constant 1.000000e+00 : f32
    %broadcast_in_dim3A = vector.broadcast %jit3A : f32 to vector<10000x1xf32>
    %select_n3A = arith.select %gt3A_10, %concatenate3A, %broadcast_in_dim3A : vector<10000x1xi1>, vector<10000x1xf32>
    %sqrt3A = math.sqrt %select_n3A : vector<10000x1xf32>
    %div3A = arith.constant 1.000000e+00 : f32
    %div3A_11 = vector.broadcast %div3A : f32 to vector<10000x1xf32>
    %div3A_12 = arith.divf %div3A_11, %sqrt3A : vector<10000x1xf32>
    %get3A_13 = arith.constant 0 : index
    %get3A_14 = arith.constant 0 : index
    %get3A_15 = arith.constant 0 : index
    %get3A_16 = vector.load %arg0[%get3A_13, %get3A_14, %get3A_15] : memref<2x5064x128xf32, #tpu.memory_space<vmem>>, vector<1x5000x128xf32>
    %get3A_17 = vector.shape_cast %get3A_16 : vector<1x5000x128xf32> to vector<5000x128xf32>
    %get3A_18 = arith.constant 1 : index
    %get3A_19 = arith.constant 0 : index
    %get3A_20 = arith.constant 0 : index
    %get3A_21 = vector.load %arg0[%get3A_18, %get3A_19, %get3A_20] : memref<2x5064x128xf32, #tpu.memory_space<vmem>>, vector<1x5000x128xf32>
    %get3A_22 = vector.shape_cast %get3A_21 : vector<1x5000x128xf32> to vector<5000x128xf32>
    %concatenate3A_23 = tpu.concatenate %get3A_17, %get3A_22 in 0 : vector<5000x128xf32>, vector<5000x128xf32> -> vector<10000x128xf32>
    %mul3A = vector.broadcast %div3A_12 : vector<10000x1xf32> to vector<10000x128xf32>
    %mul3A_24 = arith.mulf %concatenate3A_23, %mul3A : vector<10000x128xf32>
    %max3A = arith.constant 0.000000e+00 : f32
    %max3A_25 = vector.broadcast %max3A : f32 to vector<10000x128xf32>
    %max3A_26 = arith.maximumf %mul3A_24, %max3A_25 : vector<10000x128xf32>
    %slice3A = vector.extract_strided_slice %max3A_26 {offsets = [0, 0], sizes = [10000, 64], strides = [1, 1]} : vector<10000x128xf32> to vector<10000x64xf32>
    %get3A_27 = arith.constant 0 : index
    %get3A_28 = arith.constant 0 : index
    %get3A_29 = vector.load %arg2[%get3A_27, %get3A_28] : memref<64x64xf32, #tpu.memory_space<vmem>>, vector<64x64xf32>
    %dot_general3A = arith.constant dense<0.000000e+00> : vector<10000x64xf32>
    %dot_general3A_30 = tpu.matmul %slice3A, %get3A_29, %dot_general3A {dimension_numbers = #tpu.dot_dimension_numbers<[1], [0], [0], [1], [0, 0, 1, 1], [], []>, transpose_lhs_hint = false} : vector<10000x64xf32>, vector<64x64xf32>, vector<10000x64xf32> -> vector<10000x64xf32>
    %get3A_31 = arith.constant 0 : index
    %get3A_32 = arith.constant 0 : index
    %get3A_33 = vector.load %arg3[%get3A_31, %get3A_32] : memref<1x64xf32, #tpu.memory_space<vmem>>, vector<1x64xf32>
    %add3A = vector.broadcast %get3A_33 : vector<1x64xf32> to vector<10000x64xf32>
    %add3A_34 = arith.addf %dot_general3A_30, %add3A : vector<10000x64xf32>
    %mul3A_35 = vector.broadcast %div3A_12 : vector<10000x1xf32> to vector<10000x64xf32>
    %mul3A_36 = arith.mulf %add3A_34, %mul3A_35 : vector<10000x64xf32>
    %slice3A_37 = vector.extract_strided_slice %max3A_26 {offsets = [0, 64], sizes = [10000, 64], strides = [1, 1]} : vector<10000x128xf32> to vector<10000x64xf32>
    %get3A_38 = arith.constant 0 : index
    %get3A_39 = arith.constant 0 : index
    %get3A_40 = vector.load %arg4[%get3A_38, %get3A_39] : memref<64x64xf32, #tpu.memory_space<vmem>>, vector<64x64xf32>
    %dot_general3A_41 = arith.constant dense<0.000000e+00> : vector<10000x64xf32>
    %dot_general3A_42 = tpu.matmul %slice3A_37, %get3A_40, %dot_general3A_41 {dimension_numbers = #tpu.dot_dimension_numbers<[1], [0], [0], [1], [0, 0, 1, 1], [], []>, transpose_lhs_hint = false} : vector<10000x64xf32>, vector<64x64xf32>, vector<10000x64xf32> -> vector<10000x64xf32>
    %get3A_43 = arith.constant 0 : index
    %get3A_44 = arith.constant 0 : index
    %get3A_45 = vector.load %arg5[%get3A_43, %get3A_44] : memref<1x64xf32, #tpu.memory_space<vmem>>, vector<1x64xf32>
    %add3A_46 = vector.broadcast %get3A_45 : vector<1x64xf32> to vector<10000x64xf32>
    %add3A_47 = arith.addf %dot_general3A_42, %add3A_46 : vector<10000x64xf32>
    %mul3A_48 = vector.broadcast %div3A_12 : vector<10000x1xf32> to vector<10000x64xf32>
    %mul3A_49 = arith.mulf %add3A_47, %mul3A_48 : vector<10000x64xf32>
    %concatenate3A_50 = tpu.concatenate %mul3A_36, %mul3A_49 in 1 : vector<10000x64xf32>, vector<10000x64xf32> -> vector<10000x128xf32>
    %swap3A = arith.constant 0 : index
    %swap3A_51 = arith.constant 0 : index
    %swap3A_52 = vector.load %arg6[%swap3A, %swap3A_51] : memref<10000x128xf32, #tpu.memory_space<vmem>>, vector<10000x128xf32>
    tpu.vector_store %arg6[%swap3A, %swap3A_51], %concatenate3A_50 {strides = array<i32>} : memref<10000x128xf32, #tpu.memory_space<vmem>>, vector<10000x128xf32>,
    return
  }
}

module attributes {stable_mosaic.version = 14 : i64} {
  func.func @body(%arg0: memref<2x5064x128xf32, #tpu.memory_space<vmem>>, %arg1: memref<2x5064x128xf32, #tpu.memory_space<vmem>>, %arg2: memref<64x48xf32, #tpu.memory_space<vmem>>, %arg3: memref<1x48xf32, #tpu.memory_space<vmem>>, %arg4: memref<48x64xf32, #tpu.memory_space<vmem>>, %arg5: memref<1x64xf32, #tpu.memory_space<vmem>>, %arg6: memref<64x48xf32, #tpu.memory_space<vmem>>, %arg7: memref<1x48xf32, #tpu.memory_space<vmem>>, %arg8: memref<48x64xf32, #tpu.memory_space<vmem>>, %arg9: memref<1x64xf32, #tpu.memory_space<vmem>>, %arg10: memref<10000x128xf32, #tpu.memory_space<vmem>>, %arg11: memref<10000x128xf32, #tpu.memory_space<vmem>>) attributes {dimension_semantics = [], scalar_prefetch = 0 : i64, scratch_operands = 0 : i64, tpu.core_type = #tpu.core_type<tc>} {
    %get3A = arith.constant 0 : index
    %get3A_0 = arith.constant 0 : index
    %get3A_1 = arith.constant 0 : index
    %get3A_2 = vector.load %arg1[%get3A, %get3A_0, %get3A_1] : memref<2x5064x128xf32, #tpu.memory_space<vmem>>, vector<1x5000x1xf32>
    %get3A_3 = vector.shape_cast %get3A_2 : vector<1x5000x1xf32> to vector<5000x1xf32>
    %get3A_4 = arith.constant 1 : index
    %get3A_5 = arith.constant 0 : index
    %get3A_6 = arith.constant 0 : index
    %get3A_7 = vector.load %arg1[%get3A_4, %get3A_5, %get3A_6] : memref<2x5064x128xf32, #tpu.memory_space<vmem>>, vector<1x5000x1xf32>
    %get3A_8 = vector.shape_cast %get3A_7 : vector<1x5000x1xf32> to vector<5000x1xf32>
    %concatenate3A = tpu.concatenate %get3A_3, %get3A_8 in 0 : vector<5000x1xf32>, vector<5000x1xf32> -> vector<10000x1xf32>
    %gt3A = arith.constant 0.000000e+00 : f32
    %gt3A_9 = vector.broadcast %gt3A : f32 to vector<10000x1xf32>
    %gt3A_10 = arith.cmpf ogt, %concatenate3A, %gt3A_9 : vector<10000x1xf32>
    %jit3A = arith.constant 1.000000e+00 : f32
    %broadcast_in_dim3A = vector.broadcast %jit3A : f32 to vector<10000x1xf32>
    %select_n3A = arith.select %gt3A_10, %concatenate3A, %broadcast_in_dim3A : vector<10000x1xi1>, vector<10000x1xf32>
    %sqrt3A = math.sqrt %select_n3A : vector<10000x1xf32>
    %div3A = arith.constant 1.000000e+00 : f32
    %div3A_11 = vector.broadcast %div3A : f32 to vector<10000x1xf32>
    %div3A_12 = arith.divf %div3A_11, %sqrt3A : vector<10000x1xf32>
    %get3A_13 = arith.constant 0 : index
    %get3A_14 = arith.constant 0 : index
    %get3A_15 = arith.constant 0 : index
    %get3A_16 = vector.load %arg0[%get3A_13, %get3A_14, %get3A_15] : memref<2x5064x128xf32, #tpu.memory_space<vmem>>, vector<1x5000x128xf32>
    %get3A_17 = vector.shape_cast %get3A_16 : vector<1x5000x128xf32> to vector<5000x128xf32>
    %get3A_18 = arith.constant 1 : index
    %get3A_19 = arith.constant 0 : index
    %get3A_20 = arith.constant 0 : index
    %get3A_21 = vector.load %arg0[%get3A_18, %get3A_19, %get3A_20] : memref<2x5064x128xf32, #tpu.memory_space<vmem>>, vector<1x5000x128xf32>
    %get3A_22 = vector.shape_cast %get3A_21 : vector<1x5000x128xf32> to vector<5000x128xf32>
    %concatenate3A_23 = tpu.concatenate %get3A_17, %get3A_22 in 0 : vector<5000x128xf32>, vector<5000x128xf32> -> vector<10000x128xf32>
    %mul3A = vector.broadcast %div3A_12 : vector<10000x1xf32> to vector<10000x128xf32>
    %mul3A_24 = arith.mulf %concatenate3A_23, %mul3A : vector<10000x128xf32>
    %slice3A = vector.extract_strided_slice %mul3A_24 {offsets = [0, 0], sizes = [10000, 64], strides = [1, 1]} : vector<10000x128xf32> to vector<10000x64xf32>
    %slice3A_25 = vector.extract_strided_slice %mul3A_24 {offsets = [0, 64], sizes = [10000, 64], strides = [1, 1]} : vector<10000x128xf32> to vector<10000x64xf32>
    %swap3A = arith.constant 0 : index
    %swap3A_26 = arith.constant 0 : index
    %swap3A_27 = vector.load %arg10[%swap3A, %swap3A_26] : memref<10000x128xf32, #tpu.memory_space<vmem>>, vector<10000x128xf32>
    tpu.vector_store %arg10[%swap3A, %swap3A_26], %mul3A_24 {strides = array<i32>} : memref<10000x128xf32, #tpu.memory_space<vmem>>, vector<10000x128xf32>,
    %get3A_28 = arith.constant 0 : index
    %get3A_29 = arith.constant 0 : index
    %get3A_30 = vector.load %arg2[%get3A_28, %get3A_29] : memref<64x48xf32, #tpu.memory_space<vmem>>, vector<64x48xf32>
    %dot_general3A = arith.constant dense<0.000000e+00> : vector<10000x48xf32>
    %dot_general3A_31 = tpu.matmul %slice3A, %get3A_30, %dot_general3A {dimension_numbers = #tpu.dot_dimension_numbers<[1], [0], [0], [1], [0, 0, 1, 1], [], []>, transpose_lhs_hint = false} : vector<10000x64xf32>, vector<64x48xf32>, vector<10000x48xf32> -> vector<10000x48xf32>
    %get3A_32 = arith.constant 0 : index
    %get3A_33 = arith.constant 0 : index
    %get3A_34 = vector.load %arg3[%get3A_32, %get3A_33] : memref<1x48xf32, #tpu.memory_space<vmem>>, vector<1x48xf32>
    %add3A = vector.broadcast %get3A_34 : vector<1x48xf32> to vector<10000x48xf32>
    %add3A_35 = arith.addf %dot_general3A_31, %add3A : vector<10000x48xf32>
    %gt3A_36 = arith.constant 0.000000e+00 : f32
    %gt3A_37 = vector.broadcast %gt3A_36 : f32 to vector<10000x48xf32>
    %gt3A_38 = arith.cmpf ogt, %add3A_35, %gt3A_37 : vector<10000x48xf32>
    %gt3A_39 = arith.constant 0.000000e+00 : f32
    %gt3A_40 = vector.broadcast %gt3A_39 : f32 to vector<10000x48xf32>
    %gt3A_41 = arith.cmpf ogt, %add3A_35, %gt3A_40 : vector<10000x48xf32>
    %jit3A_42 = arith.constant 0.000000e+00 : f32
    %broadcast_in_dim3A_43 = vector.broadcast %jit3A_42 : f32 to vector<10000x48xf32>
    %select_n3A_44 = arith.select %gt3A_41, %broadcast_in_dim3A_43, %add3A_35 : vector<10000x48xi1>, vector<10000x48xf32>
    %exp3A = math.exp %select_n3A_44 : vector<10000x48xf32>
    %sub3A = arith.constant 1.000000e+00 : f32
    %sub3A_45 = vector.broadcast %sub3A : f32 to vector<10000x48xf32>
    %sub3A_46 = arith.subf %exp3A, %sub3A_45 : vector<10000x48xf32>
    %select_n3A_47 = arith.select %gt3A_38, %add3A_35, %sub3A_46 : vector<10000x48xi1>, vector<10000x48xf32>
    %get3A_48 = arith.constant 0 : index
    %get3A_49 = arith.constant 0 : index
    %get3A_50 = vector.load %arg4[%get3A_48, %get3A_49] : memref<48x64xf32, #tpu.memory_space<vmem>>, vector<48x64xf32>
    %dot_general3A_51 = arith.constant dense<0.000000e+00> : vector<10000x64xf32>
    %dot_general3A_52 = tpu.matmul %select_n3A_47, %get3A_50, %dot_general3A_51 {dimension_numbers = #tpu.dot_dimension_numbers<[1], [0], [0], [1], [0, 0, 1, 1], [], []>, transpose_lhs_hint = false} : vector<10000x48xf32>, vector<48x64xf32>, vector<10000x64xf32> -> vector<10000x64xf32>
    %get3A_53 = arith.constant 0 : index
    %get3A_54 = arith.constant 0 : index
    %get3A_55 = vector.load %arg5[%get3A_53, %get3A_54] : memref<1x64xf32, #tpu.memory_space<vmem>>, vector<1x64xf32>
    %add3A_56 = vector.broadcast %get3A_55 : vector<1x64xf32> to vector<10000x64xf32>
    %add3A_57 = arith.addf %dot_general3A_52, %add3A_56 : vector<10000x64xf32>
    %get3A_58 = arith.constant 0 : index
    %get3A_59 = arith.constant 0 : index
    %get3A_60 = vector.load %arg6[%get3A_58, %get3A_59] : memref<64x48xf32, #tpu.memory_space<vmem>>, vector<64x48xf32>
    %dot_general3A_61 = arith.constant dense<0.000000e+00> : vector<10000x48xf32>
    %dot_general3A_62 = tpu.matmul %slice3A_25, %get3A_60, %dot_general3A_61 {dimension_numbers = #tpu.dot_dimension_numbers<[1], [0], [0], [1], [0, 0, 1, 1], [], []>, transpose_lhs_hint = false} : vector<10000x64xf32>, vector<64x48xf32>, vector<10000x48xf32> -> vector<10000x48xf32>
    %get3A_63 = arith.constant 0 : index
    %get3A_64 = arith.constant 0 : index
    %get3A_65 = vector.load %arg7[%get3A_63, %get3A_64] : memref<1x48xf32, #tpu.memory_space<vmem>>, vector<1x48xf32>
    %add3A_66 = vector.broadcast %get3A_65 : vector<1x48xf32> to vector<10000x48xf32>
    %add3A_67 = arith.addf %dot_general3A_62, %add3A_66 : vector<10000x48xf32>
    %gt3A_68 = arith.constant 0.000000e+00 : f32
    %gt3A_69 = vector.broadcast %gt3A_68 : f32 to vector<10000x48xf32>
    %gt3A_70 = arith.cmpf ogt, %add3A_67, %gt3A_69 : vector<10000x48xf32>
    %gt3A_71 = arith.constant 0.000000e+00 : f32
    %gt3A_72 = vector.broadcast %gt3A_71 : f32 to vector<10000x48xf32>
    %gt3A_73 = arith.cmpf ogt, %add3A_67, %gt3A_72 : vector<10000x48xf32>
    %jit3A_74 = arith.constant 0.000000e+00 : f32
    %broadcast_in_dim3A_75 = vector.broadcast %jit3A_74 : f32 to vector<10000x48xf32>
    %select_n3A_76 = arith.select %gt3A_73, %broadcast_in_dim3A_75, %add3A_67 : vector<10000x48xi1>, vector<10000x48xf32>
    %exp3A_77 = math.exp %select_n3A_76 : vector<10000x48xf32>
    %sub3A_78 = arith.constant 1.000000e+00 : f32
    %sub3A_79 = vector.broadcast %sub3A_78 : f32 to vector<10000x48xf32>
    %sub3A_80 = arith.subf %exp3A_77, %sub3A_79 : vector<10000x48xf32>
    %select_n3A_81 = arith.select %gt3A_70, %add3A_67, %sub3A_80 : vector<10000x48xi1>, vector<10000x48xf32>
    %get3A_82 = arith.constant 0 : index
    %get3A_83 = arith.constant 0 : index
    %get3A_84 = vector.load %arg8[%get3A_82, %get3A_83] : memref<48x64xf32, #tpu.memory_space<vmem>>, vector<48x64xf32>
    %dot_general3A_85 = arith.constant dense<0.000000e+00> : vector<10000x64xf32>
    %dot_general3A_86 = tpu.matmul %select_n3A_81, %get3A_84, %dot_general3A_85 {dimension_numbers = #tpu.dot_dimension_numbers<[1], [0], [0], [1], [0, 0, 1, 1], [], []>, transpose_lhs_hint = false} : vector<10000x48xf32>, vector<48x64xf32>, vector<10000x64xf32> -> vector<10000x64xf32>
    %get3A_87 = arith.constant 0 : index
    %get3A_88 = arith.constant 0 : index
    %get3A_89 = vector.load %arg9[%get3A_87, %get3A_88] : memref<1x64xf32, #tpu.memory_space<vmem>>, vector<1x64xf32>
    %add3A_90 = vector.broadcast %get3A_89 : vector<1x64xf32> to vector<10000x64xf32>
    %add3A_91 = arith.addf %dot_general3A_86, %add3A_90 : vector<10000x64xf32>
    %concatenate3A_92 = tpu.concatenate %add3A_57, %add3A_91 in 1 : vector<10000x64xf32>, vector<10000x64xf32> -> vector<10000x128xf32>
    %swap3A_93 = arith.constant 0 : index
    %swap3A_94 = arith.constant 0 : index
    %swap3A_95 = vector.load %arg11[%swap3A_93, %swap3A_94] : memref<10000x128xf32, #tpu.memory_space<vmem>>, vector<10000x128xf32>
    tpu.vector_store %arg11[%swap3A_93, %swap3A_94], %concatenate3A_92 {strides = array<i32>} : memref<10000x128xf32, #tpu.memory_space<vmem>>, vector<10000x128xf32>,
    return
  }
}

</mosaic_0001>

<sc_bundles>
// kernel: kernel.10.cloned.1.call-start
scs
__scs_entry_jumppad:
0x0: {  	(pc) =	sbr.rel $0x88, $3  }
0x1: {  	(tag) =	ssettag $0x0;
	lr =	simm.s32 $0x1  }
0x2: {  	[smem:$0x3F8E] =	sst lr;
	_ =	strace $0xD0000000  }
0x3: {  	_ = 	snop  }
0x4: {  	_ = 	snop  }
0x5: {  	_ = 	snop  }
0x6: {  	_ = 	snop  }
0x7: {  	_ = 	snop  }
__scs_overlays_trampoline_lowered:
0x8: {  	[smem:$0x3F9D] =	sst s0  }
0x9: {  	[smem:$0x3F9E] =	sst s1  }
0xa: {  	[smem:$0x3F9F] =	sst s2  }
0xb: {  	[smem:$0x3FA0] =	sst s3  }
0xc: {  	[smem:$0x3FA1] =	sst s4  }
0xd: {  	[smem:$0x3FA2] =	sst s5  }
0xe: {  	[smem:$0x3FA3] =	sst s6  }
0xf: {  	[smem:$0x3FA4] =	sst s7  }
0x10: {  	[smem:$0x3FA5] =	sst s8  }
0x11: {  	[smem:$0x3FA6] =	sst s9;
	s0 =	simm.s32 @!p0 $0x0  }
0x12: {  	s1 =	sld [smem:$0x3F8C];
	s0 =	simm.s32 @p0 $0x1  }
0x13: {  	[smem:$0x3FA7] =	sst s0;
	s0 =	simm.s32 @!p1 $0x0  }
0x14: {  	s2 =	sld [smem:$0x3F8B];
	s0 =	simm.s32 @p1 $0x1  }
0x15: {  	[smem:$0x3FA8] =	sst s0;
	s0 =	simm.s32 @!p2 $0x0  }
0x16: {  	s3 =	sld [smem:$0x3FDB];
	s0 =	simm.s32 @p2 $0x1  }
0x17: {  	s4 =	simm.s32 $0x1BF5;
	[smem:$0x3FAA] =	sst s0  }
0x18: {  	s0 =	sld [smem:$0x3F8D];
	_ =	swait.ge [sflag:s4], $0x0  }
0x19: {  	s7 =	sld [smem:$0x3F8E]  }
0x1a: {  	s8 =	sadd.s32 $0xFFFFE003, lr  }
0x1b: {  	s9 =	sadd.s32 $0xFFFFFEF7, lr;
	s5 =	simm.s32 $0xFFFFFFFF;
	p2 =	slt.u32 s8, $0xFFFFF086  }
0x1c: {  	p1 =	slt.u32 s9, $0xF7A;
	s5 =	simm.s32 @!p2 $0x0  }
0x1d: {  	s5 =	simm.s32 @p1 $0x1;
	p0 =	seq.s32 s7, s2  }
0x1e: {  	s7 =	smul.u32 @!p0 $0xF7A, s2;
	p2 =	seq.s32 @!p0 s5, $0x0  }
0x1f: {  	s9 =	smul.u32 $0xF7A, s1;
	s8 =	simm.s32 @!p0 $0x1BF5;
	p2 =	por !p2, p0  }
0x20: {  	[sflag:s8] =	ssyncset.s32 @!p0 $0xFFFFF086;
	s6 =	sadd.s32 @!p0 s3, s7;
	s7 =	simm.s32 @!p0 $0x108  }
0x21: {  	s3 =	sadd.s32 s3, s9;
	s6 =	sadd.s32 @!p0 $0x88, s6;
	s7 =	simm.s32 @p2 $0x1082  }
0x22: {  	[simem:s7], [sflag:s8] =	dma.local @!p0 [hbm:s6], $0xF7A  }
0x23: {  	s9 =	sor.u32 $0xD0000000, s2;
	s6 =	simm.s32 $0x108;
	_ =	swait.ge @!p0 [sflag:s8], $0x0  }
0x24: {  	s3 =	sadd.s32 $0x88, s3;
	s6 =	simm.s32 @!p1 $0x1082;
	[sflag:s4] =	ssyncset.s32 $0xFFFFF086  }
0x25: {  	[simem:s6], [sflag:s4] =	dma.local [hbm:s3], $0xF7A  }
0x26: {  	[smem:$0x3F8E] =	sst s1;
	(tag) =	ssettag s2;
	_ =	strace s9  }
0x27: {  	s1 =	sld [smem:$0x3F9E]  }
0x28: {  	s2 =	sld [smem:$0x3F9F]  }
0x29: {  	s4 =	sld [smem:$0x3FA1]  }
0x2a: {  	p0 =	seq.s32 s5, $0x0;
	s5 =	sld [smem:$0x3FA2]  }
0x2b: {  	s6 =	sld [smem:$0x3FA3]  }
0x2c: {  	s7 =	sld [smem:$0x3FA4]  }
0x2d: {  	s3 =	simm.s32 $0x108;
	s8 =	sld [smem:$0x3FA5]  }
0x2e: {  	s3 =	simm.s32 @!p0 $0x1082;
	s9 =	sld [smem:$0x3FA6]  }
0x2f: {  	lr =	sadd.s32 s0, s3;
	s0 =	sld [smem:$0x3F9D]  }
0x30: {  	s3 =	sld [smem:$0x3FA0]  }
0x31: {  	[smem:$0x3FA9] =	sst s10  }
0x32: {  	s10 =	sld [smem:$0x3FA7];
	_ =	sdelay $0x3  }
0x33: {  	p0 =	seq.s32 s10, $0x1;
	s10 =	sld [smem:$0x3FA9];
	_ =	sdelay $0x3  }
0x34: {  	[smem:$0x3FA9] =	sst s10  }
0x35: {  	s10 =	sld [smem:$0x3FA8];
	_ =	sdelay $0x3  }
0x36: {  	p1 =	seq.s32 s10, $0x1;
	s10 =	sld [smem:$0x3FA9];
	_ =	sdelay $0x3  }
0x37: {  	[smem:$0x3FA9] =	sst s10  }
0x38: {  	s10 =	sld [smem:$0x3FAA]  }
0x39: {  	_ = 	snop;
	(pc) =	sbr.ind lr, $3  }
0x3a: {  	_ = 	snop  }
0x3b: {  	_ = 	snop  }
0x3c: {  	p2 =	seq.s32 s10, $0x1;
	s10 =	sld [smem:$0x3FA9]  }
0x3d: {  	_ =	shalt  }
0x3e: {  	_ =	shalt  }
0x3f: {  	_ =	shalt  }
0x40: {  	_ =	shalt  }
0x41: {  	_ =	shalt  }
0x42: {  	_ =	shalt  }
0x43: {  	_ =	shalt  }
0x44: {  	_ =	shalt  }
0x45: {  	_ =	shalt  }
0x46: {  	_ =	shalt  }
0x47: {  	_ =	shalt  }
0x48: {  	_ =	shalt  }
0x49: {  	_ =	shalt  }
0x4a: {  	_ =	shalt  }
0x4b: {  	_ =	shalt  }
0x4c: {  	_ =	shalt  }
0x4d: {  	_ =	shalt  }
0x4e: {  	_ =	shalt  }
0x4f: {  	_ =	shalt  }
0x50: {  	_ =	shalt  }
0x51: {  	_ =	shalt  }
0x52: {  	_ =	shalt  }
0x53: {  	_ =	shalt  }
0x54: {  	_ =	shalt  }
0x55: {  	_ =	shalt  }
0x56: {  	_ =	shalt  }
0x57: {  	_ =	shalt  }
0x58: {  	_ =	shalt  }
0x59: {  	_ =	shalt  }
0x5a: {  	_ =	shalt  }
0x5b: {  	_ =	shalt  }
0x5c: {  	_ =	shalt  }
0x5d: {  	_ =	shalt  }
0x5e: {  	_ =	shalt  }
0x5f: {  	_ =	shalt  }
0x60: {  	_ =	shalt  }
0x61: {  	_ =	shalt  }
0x62: {  	_ =	shalt  }
0x63: {  	_ =	shalt  }
0x64: {  	_ =	shalt  }
0x65: {  	_ =	shalt  }
0x66: {  	_ =	shalt  }
0x67: {  	_ =	shalt  }
0x68: {  	_ =	shalt  }
0x69: {  	_ =	shalt  }
0x6a: {  	_ =	shalt  }
0x6b: {  	_ =	shalt  }
0x6c: {  	_ =	shalt  }
0x6d: {  	_ =	shalt  }
0x6e: {  	_ =	shalt  }
0x6f: {  	_ =	shalt  }
0x70: {  	_ =	shalt  }
0x71: {  	_ =	shalt  }
0x72: {  	_ =	shalt  }
0x73: {  	_ =	shalt  }
0x74: {  	_ =	shalt  }
0x75: {  	_ =	shalt  }
0x76: {  	_ =	shalt  }
0x77: {  	_ =	shalt  }
0x78: {  	_ =	shalt  }
0x79: {  	_ =	shalt  }
0x7a: {  	_ =	shalt  }
0x7b: {  	_ =	shalt  }
0x7c: {  	_ =	shalt  }
0x7d: {  	_ =	shalt  }
0x7e: {  	_ =	shalt  }
0x7f: {  	_ =	shalt  }
0x80: {  	_ =	shalt  }
0x81: {  	_ =	shalt  }
0x82: {  	_ =	shalt  }
0x83: {  	_ =	shalt  }
0x84: {  	_ =	shalt  }
0x85: {  	_ =	shalt  }
0x86: {  	_ =	shalt  }
0x87: {  	_ =	shalt  }
.Lfunc_end0:
.L_simem_size_0:
called_computation_lowered:
.L_overlay_start_0:
0x88: {  	s2 =	sld [smem:$0x3FD9]  }
0x89: {  	s3 =	sld [smem:$0x3FFE];
	_ =	sdelay $0x1  }
0x8a: {  	s1 =	srdreg.scid  }
0x8b: {  	s0 =	sand.u32 $0x1, s1  }
0x8c: {  	s14 =	sshll.u32 s0, $0xA;
	s2 =	sadd.s32 s3, s2  }
0x8d: {  	s2 =	sadd.s32 s2, s14  }
0x8e: {  	[smem:$0x3FB5] =	sst s2  }
0x8f: {  	_ = 	snop  }
0x90: {  	s2 =	sld [smem:$0x3FD0];
	_ =	sdelay $0x2  }
0x91: {  	s15 =	simm.s32 $0xA;
	s4 =	simm.s32 $0x10  }
0x92: {  	[smem:s4], [sflag:s15] =	dma.local [hbm:s2], $0x1  }
0x93: {  	_ =	swait.eq [sflag:s15], $0x1  }
0x94: {  	s16 =	sld [smem:$0x11];
	[sflag:s15] =	ssyncset.done $0x0  }
0x95: {  	s17 =	sld [smem:$0x12];
	[sflag:s15] =	ssyncadd.s32 $0xFFFFFFFF  }
0x96: {  	s18 =	sld [smem:$0x13];
	(tm) =	ssettm $0x1  }
0x97: {  	s5 =	sld [smem:$0x3FFB];
	_ =	sdelay $0x3  }
0x98: {  	_ =	strace s5  }
0x99: {  	s5 =	sld [smem:$0x3FFC];
	_ =	sdelay $0x3  }
0x9a: {  	_ =	strace s5  }
0x9b: {  	s5 =	sld [smem:$0x3FFD];
	_ =	sdelay $0x3  }
0x9c: {  	_ =	strace s5  }
0x9d: {  	_ =	strace $0x8FFFFFFF  }
0x9e: {  	s19 =	sld [smem:$0x3FDB];
	_ =	sdelay $0x1  }
0x9f: {  	s6 =	simm.s32 $_scs_section_size  }
0xa0: {  	s7 =	simm.s32 $_size__tile_overlayer_lowered;
	s8 =	simm.s32 $_tile_overlayer_lowered  }
0xa1: {  	s22 =	simm.s32 $0x1BFF;
	s21 =	sshll.u32 s8, $0x1;
	s5 =	sadd.s32 s6, s19  }
0xa2: {  	s9 =	simm.s32 $0x0;
	s20 =	sshll.u32 s7, $0x1;
	s7 =	sadd.s32 s21, s5  }
0xa3: {  	[timem:s9], [sflag:s22] =	dma.local [hbm:s7], s20  }
0xa4: {  	_ =	swait.ge [sflag:s22], s20  }
0xa5: {  	s6 =	ssub.s32 $0x0, s20;
	[sflag:s22] =	ssyncset.done $0x0  }
0xa6: {  	[sflag:s22] =	ssyncadd.s32 s6;
	_ =	sdelay $0x1  }
0xa7: {  	s23 =	simm.s32 $0x1B8B  }
0xa8: {  	_ =	swait.ge [sflag:s23], $0x1  }
0xa9: {  	[sflag:s23] =	ssyncset.done $0x0  }
0xaa: {  	s25 =	simm.s32 $0x1B8E;
	s24 =	sld [smem:$0x3FFE];
	[sflag:s23] =	ssyncadd.s32 $0xFFFFFFFF  }
0xab: {  	s26 =	simm.s32 $execute0_lowered;
	[smem:$0x3FD2] =	sst s25  }
0xac: {  	s7 =	sshll.u32 s26, $0x1;
	_ =	strace $0x80000046;
	[dreg:$0x1] =	wrdreg $0xFFFFFFFF  }
0xad: {  	s28 =	simm.s32 $_size_execute0_lowered;
	s5 =	sadd.s32 s5, s7;
	[dreg:$0x0] =	wrdreg $0x0  }
0xae: {  	s7 =	sshll.u32 s28, $0x1;
	[dreg:$0x2] =	wrdreg s5  }
0xaf: {  	[dreg:$0x3] =	wrdreg s7  }
0xb0: {  	[dreg:$0x4] =	wrdreg $0xC0  }
0xb1: {  	_ =	task [dreg:s9], $0x5FFFF  }
0xb2: {  	[dreg:$0x1] =	wrdreg $0xFFFFFFFF  }
0xb3: {  	[dreg:$0x0] =	wrdreg $0x60  }
0xb4: {  	[dreg:$0x2] =	wrdreg s16  }
0xb5: {  	[dreg:$0x3] =	wrdreg s24  }
0xb6: {  	[dreg:$0x4] =	wrdreg s17  }
0xb7: {  	[dreg:$0x5] =	wrdreg s18  }
0xb8: {  	[dreg:$0x6] =	wrdreg $0xC1000  }
0xb9: {  	[dreg:$0x7] =	wrdreg $0x9  }
0xba: {  	_ =	task.clear_ibuf [dreg:s9], $0x8FFFF;
	_ =	strace $0x90000046  }
0xbb: {  	s29 =	simm.s32 $0x9;
	_ =	strace $0x80000048  }
0xbc: {  	_ =	swait.ge [sflag:s29], $0x1  }
0xbd: {  	[sflag:s29] =	ssyncadd.s32 $0xFFFFFFFF  }
0xbe: {  	_ =	strace $0x90000048  }
0xbf: {  	_ =	sfence  }
0xc0: {  	s30 =	sld [smem:$0x0];
	_ =	sdelay $0x2  }
0xc1: {  	s31 =	sshll.u32 s1, $0xD;
	s1 =	sshrl.u32 s1, $0x2  }
0xc2: {  	s3 =	sand.u32 $0x4000, s31;
	s1 =	sadd.s32 s1, s30  }
0xc3: {  	s0 =	sor.u32 s3, s0;
	s1 =	sshll.u32 s1, $0x11  }
0xc4: {  	s0 =	sor.u32 s1, s0  }
0xc5: {  	s0 =	sadd.s32 $0x8F2B, s0  }
0xc6: {  	[sflag:s0] =	ssyncadd.remote.s32 $0x1  }
0xc7: {  	_ =	sfence.sel $0xFFFF  }
0xc8: {  	[dreg:$0x0] =	wrdreg $0xFFFFFFFF;
	(pc) =	sbr.abs _section_cstart, $3  }
0xc9: {  	[dreg:$0x1] =	wrdreg $0xFFFFFFFF  }
0xca: {  	_ =	task.clear_ibuf [dreg:s9], $0x2FFFF;
	_ =	strace $0x9FFFFFFF  }
0xcb: {  	(tm) =	ssettm $0x7FFFFFFF  }
tec
execute0_lowered:
.L_overlay_start_1:
0x0: {  	(tag) =	ssettag $0x1  }
0x1: {  	s14 =	rddreg [dreg:$0x0]  }
0x2: {  	s5 =	rddreg [dreg:$0x1]  }
0x3: {  	s1 =	rddreg [dreg:$0x2]  }
0x4: {  	s15 =	rddreg [dreg:$0x3]  }
0x5: {  	s2 =	rddreg [dreg:$0x4]  }
0x6: {  	s0 =	rddreg [dreg:$0x5];
	s3 =	simm.s32 $0x0  }
0x7: {  	s6 =	srdreg.scid;
	s4 =	stileid.u32;
	s22 =	simm.s32 $0x1  }
0x8: {  	s23 =	simm.s32 $0x0;
	[smem:$0x7FF] =	sst s3;
	s16 =	sadd.s32 $0x5000, s5  }
0x9: {  	s7 =	sand.u32 $0x1, s6;
	s5 =	sadd.s32 $0x5600, s5;
	s11 =	sshll.u32 s4, $0x7  }
0xa: {  	s9 =	sshll.u32 s4, $0x4;
	s17 =	sshll.u32 s4, $0x5;
	s31 =	sshll.u32 s4, $0xE  }
0xb: {  	p0 =	sgt.u32 s4, $0x7;
	p1 =	sgt.u32 s4, $0x3;
	_ =	strace $0x80000047  }
0xc: {  	s6 =	ssub.s32 $0x2, s7;
	s10 =	smin.u32 s11, $0x348;
	s18 =	sshll.u32 s7, $0x4  }
0xd: {  	s19 =	smul.u32 $0x9E400, s7;
	s20 =	sor.u32 $0x800, s11;
	s8 =	sshrl.u32 s6, $0x1  }
0xe: {  	s25 =	sshrl.u32 s10, $0x3;
	s26 =	sadd.s32 s18, s14;
	s10 =	sor.u32 $0x1000, s10  }
0xf: {  	s21 =	sshll.u32 s20, $0x7;
	s20 =	sshrl.u32 s20, $0x3;
	s12 =	ssub.s32 s6, s8  }
0x10: {  	s6 =	sadd.s32 s16, s9;
	s8 =	sadd.s32 s25, s16;
	s28 =	sadd.s32 s17, s26  }
0x11: {  	s29 =	sshll.u32 s10, $0x7;
	s10 =	sshrl.u32 s10, $0x3;
	s17 =	sadd.s32 s17, s14  }
0x12: {  	s14 =	sadd.s32 s16, s20;
	s20 =	simm.s32 $0x80;
	s7 =	sadd.s32 $0x200, s8  }
0x13: {  	s8 =	sadd.s32 $0x13800, s28;
	s13 =	sadd.s32 s19, s29;
	s9 =	sadd.s32 s16, s10  }
0x14: {  	s11 =	smax.u32 s12, $0x1;
	s12 =	sadd.s32 $0x100, s6;
	s16 =	sadd.s32 s18, s17  }
0x15: {  	s17 =	simm.s32 $0x4100;
	s18 =	simm.s32 $0x2;
	s30 =	sshrl.u32 s13, $0x3  }
0x16: {  	s13 =	sadd.s32 s19, s31;
	s19 =	sadd.s32 s19, s21;
	s21 =	simm.s32 $0x100  }
0x17: {  	s10 =	sadd.s32 s15, s30;
	s13 =	sshrl.u32 s13, $0x3;
	s19 =	sshrl.u32 s19, $0x3  }
0x18: {  	s13 =	sadd.s32 s15, s13;
	s15 =	sadd.s32 s15, s19;
	s19 =	simm.s32 $0x8100  }
.LBB2_1:
0x19: {  	[tilespmem:s17], [sflag:$0x2] =	stream.linear.gather [hbm4b:s5+s3], $0x4000, $0x38;
	[tilespmem:$0x15F40] =	vst v63  }
0x1a: {  	_ =	swait.ge [sflag:s18], $0x4000  }
0x1b: {  	[sflag:s18] =	ssyncset.done $0x0  }
0x1c: {  	[sflag:s18] =	ssyncadd.s32 $0xFFFFC000  }
0x1d: {  	[tilespmem:s19], [sflag:$0x2] =	stream.linear.gather [hbm4b:s1+s3], $0x4000, $0x38;
	[tilespmem:$0x15F40] =	vst v63  }
0x1e: {  	_ =	swait.ge [sflag:s18], $0x4000  }
0x1f: {  	[sflag:s18] =	ssyncset.done $0x0  }
0x20: {  	[sflag:s18] =	ssyncadd.s32 $0xFFFFC000  }
0x21: {  	[tilespmem:s20], [sflag:$0x2] =	stream.linear.gather [hbm4b:s6+s3], $0x80, $0x38;
	[tilespmem:$0x15F40] =	vst v63  }
0x22: {  	_ =	swait.ge [sflag:s18], $0x80  }
0x23: {  	[sflag:s18] =	ssyncset.done $0x0  }
0x24: {  	[sflag:s18] =	ssyncadd.s32 $0xFFFFFF80  }
0x25: {  	[spmem:s2] =	stream.indirect.scatter [tilespmem:s17], [sflag:$0x2], $0x80, s20, s20, $0xb8;
	[tilespmem:$0x15F40] =	vst v63  }
0x26: {  	_ =	swait.ge [sflag:s18], $0x4000  }
0x27: {  	[sflag:s18] =	ssyncset.done $0x0  }
0x28: {  	[sflag:s18] =	ssyncadd.s32 $0xFFFFC000  }
0x29: {  	[tilespmem:s20], [sflag:$0x2] =	stream.linear.gather [hbm4b:s12+s3], $0x80, $0x38;
	[tilespmem:$0x15F40] =	vst v63  }
0x2a: {  	_ =	swait.ge [sflag:s18], $0x80  }
0x2b: {  	[sflag:s18] =	ssyncset.done $0x0  }
0x2c: {  	[sflag:s18] =	ssyncadd.s32 $0xFFFFFF80  }
0x2d: {  	[spmem:s2] =	stream.indirect.scatter [tilespmem:s17], [sflag:$0x2], $0x80, s20, s20, $0xb8;
	[tilespmem:$0x15F40] =	vst v63  }
0x2e: {  	_ =	swait.ge [sflag:s18], $0x4000  }
0x2f: {  	[sflag:s18] =	ssyncset.done $0x0  }
0x30: {  	s24 =	simm.s32 @!p0 $0x0;
	s25 =	simm.s32 @!p0 $0x80;
	[sflag:s18] =	ssyncadd.s32 $0xFFFFC000  }
0x31: {  	[tilespmem:s25], [sflag:$0x2] =	stream.linear.gather @!p0 [hbm4b:s7+s24], $0x80, $0x38;
	[tilespmem:$0x15F40] =	vst v63  }
0x32: {  	s24 =	simm.s32 @!p0 $0x2  }
0x33: {  	_ =	swait.ge @!p0 [sflag:s24], $0x80  }
0x34: {  	[sflag:s24] =	ssyncset.done @!p0 $0x0  }
0x35: {  	s26 =	simm.s32 @!p0 $0x4100;
	[sflag:s24] =	ssyncadd.s32 @!p0 $0xFFFFFF80  }
0x36: {  	[spmem:s2] =	stream.indirect.scatter @!p0 [tilespmem:s26], [sflag:$0x2], $0x80, s25, s25, $0xb8;
	[tilespmem:$0x15F40] =	vst v63  }
0x37: {  	_ =	swait.ge @!p0 [sflag:s24], $0x4000  }
0x38: {  	[sflag:s24] =	ssyncset.done @!p0 $0x0  }
0x39: {  	[sflag:s24] =	ssyncadd.s32 @!p0 $0xFFFFC000  }
0x3a: {  	s31 =	sadd.s32 $0x0, s16;
	[bflag:$0x0] =	sbarrier.arrive $0xFFFF  }
0x3b: {  	[tilespmem:s3], [sflag:$0x2] =	stream.linear.gather [hbm4b:s31+s3], $0x80, $0x38;
	[tilespmem:$0x15F40] =	vst v63  }
0x3c: {  	_ =	swait.ge [sflag:s18], $0x80  }
0x3d: {  	[sflag:s18] =	ssyncset.done $0x0  }
0x3e: {  	[sflag:s18] =	ssyncadd.s32 $0xFFFFFF80  }
0x3f: {  	[spmem:s2] =	stream.indirect.scatter.add.f32 [tilespmem:s19], [sflag:$0x2], $0x80, s3, s20, $0xb8;
	[tilespmem:$0x15F40] =	vst v63  }
0x40: {  	_ =	swait.ge [sflag:s18], $0x4000  }
0x41: {  	s25 =	simm.s32 $0x400;
	s24 =	simm.s32 $0x200;
	[sflag:s18] =	ssyncset.done $0x0  }
.LBB2_2:
0x42: {  	s26 =	sadd.s32 s24, s16  }
0x43: {  	[sflag:s18] =	ssyncadd.s32 $0xFFFFC000;
	s24 =	smov.u32 s25;
	s28 =	sadd.s32 $0x200, s25  }
0x44: {  	[tilespmem:s3], [sflag:$0x2] =	stream.linear.gather [hbm4b:s26+s3], $0x80, $0x38;
	[tilespmem:$0x15F40] =	vst v63  }
0x45: {  	p2 =	sne.s32 s25, $0x13600;
	_ =	swait.ge [sflag:s18], $0x80  }
.Ltmp0:
0x46: {  	[sflag:s18] =	ssyncset.done $0x0;
	(pc) =	sbr.rel @p2 .LBB2_2-.Ltmp0, $4  }
0x47: {  	[sflag:s18] =	ssyncadd.s32 $0xFFFFFF80  }
0x48: {  	[spmem:s2] =	stream.indirect.scatter.add.f32 [tilespmem:s19], [sflag:$0x2], $0x80, s3, s20, $0xb8;
	[tilespmem:$0x15F40] =	vst v63  }
0x49: {  	_ =	swait.ge [sflag:s18], $0x4000  }
0x4a: {  	s25 =	smov.u32 s28;
	[sflag:s18] =	ssyncset.done $0x0  }
0x4b: {  	s24 =	sadd.s32 s24, s16;
	[sflag:s18] =	ssyncadd.s32 $0xFFFFC000  }
0x4c: {  	[tilespmem:s3], [sflag:$0x2] =	stream.linear.gather [hbm4b:s24+s3], $0x80, $0x38;
	[tilespmem:$0x15F40] =	vst v63  }
0x4d: {  	_ =	swait.ge [sflag:s18], $0x80  }
0x4e: {  	[sflag:s18] =	ssyncset.done $0x0  }
0x4f: {  	[sflag:s18] =	ssyncadd.s32 $0xFFFFFF80  }
0x50: {  	[spmem:s2] =	stream.indirect.scatter.add.f32 [tilespmem:s19], [sflag:$0x2], $0x80, s3, s20, $0xb8;
	[tilespmem:$0x15F40] =	vst v63  }
0x51: {  	_ =	swait.ge [sflag:s18], $0x4000  }
0x52: {  	[sflag:s18] =	ssyncset.done $0x0  }
0x53: {  	s25 =	simm.s32 @!p1 $0x2;
	s24 =	simm.s32 @!p1 $0x0;
	[sflag:s18] =	ssyncadd.s32 $0xFFFFC000  }
0x54: {  	[tilespmem:s24], [sflag:$0x2] =	stream.linear.gather @!p1 [hbm4b:s8+s24], $0x80, $0x38;
	[tilespmem:$0x15F40] =	vst v63  }
0x55: {  	_ =	swait.ge @!p1 [sflag:s25], $0x80  }
0x56: {  	[sflag:s25] =	ssyncset.done @!p1 $0x0  }
0x57: {  	s26 =	simm.s32 @!p1 $0x80;
	s28 =	simm.s32 @!p1 $0x8100;
	[sflag:s25] =	ssyncadd.s32 @!p1 $0xFFFFFF80  }
0x58: {  	[spmem:s2] =	stream.indirect.scatter.add.f32 @!p1 [tilespmem:s28], [sflag:$0x2], $0x80, s24, s26, $0xb8;
	[tilespmem:$0x15F40] =	vst v63  }
0x59: {  	_ =	swait.ge @!p1 [sflag:s25], $0x4000  }
0x5a: {  	[sflag:s25] =	ssyncset.done @!p1 $0x0  }
0x5b: {  	[sflag:s25] =	ssyncadd.s32 @!p1 $0xFFFFC000  }
0x5c: {  	[bflag:$0x0] =	sbarrier.arrive $0xFFFF  }
0x5d: {  	[tilespmem:s20], [sflag:$0x2] =	stream.linear.gather [hbm4b:s6+s3], $0x80, $0x38;
	[tilespmem:$0x15F40] =	vst v63  }
0x5e: {  	_ =	swait.ge [sflag:s18], $0x80  }
0x5f: {  	[sflag:s18] =	ssyncset.done $0x0  }
0x60: {  	[sflag:s18] =	ssyncadd.s32 $0xFFFFFF80  }
0x61: {  	[tilespmem:s21], [sflag:$0x1] =	stream.indirect.gather [spmem:s2], $0x80, s20, s20, $0xb8;
	[tilespmem:$0x15F40] =	vst v63  }
0x62: {  	_ =	swait.ge [sflag:s22], $0x4000  }
0x63: {  	[sflag:s22] =	ssyncset.done $0x0  }
0x64: {  	[sflag:s22] =	ssyncadd.s32 $0xFFFFC000  }
0x65: {  	[hbm4b:s13+s3] =	stream.linear.scatter [tilespmem:s21], [sflag:$0x2], $0x4000, $0x38;
	[tilespmem:$0x15F40] =	vst v63  }
0x66: {  	_ =	swait.ge [sflag:s18], $0x4000  }
0x67: {  	[sflag:s18] =	ssyncset.done $0x0  }
0x68: {  	[sflag:s18] =	ssyncadd.s32 $0xFFFFC000  }
0x69: {  	[tilespmem:s20], [sflag:$0x2] =	stream.linear.gather [hbm4b:s14+s3], $0x80, $0x38;
	[tilespmem:$0x15F40] =	vst v63  }
0x6a: {  	_ =	swait.ge [sflag:s18], $0x80  }
0x6b: {  	[sflag:s18] =	ssyncset.done $0x0  }
0x6c: {  	[sflag:s18] =	ssyncadd.s32 $0xFFFFFF80  }
0x6d: {  	[tilespmem:s21], [sflag:$0x1] =	stream.indirect.gather [spmem:s2], $0x80, s20, s20, $0xb8;
	[tilespmem:$0x15F40] =	vst v63  }
0x6e: {  	_ =	swait.ge [sflag:s22], $0x4000  }
0x6f: {  	[sflag:s22] =	ssyncset.done $0x0  }
0x70: {  	[sflag:s22] =	ssyncadd.s32 $0xFFFFC000  }
0x71: {  	[hbm4b:s15+s3] =	stream.linear.scatter [tilespmem:s21], [sflag:$0x2], $0x4000, $0x38;
	[tilespmem:$0x15F40] =	vst v63  }
0x72: {  	_ =	swait.ge [sflag:s18], $0x4000  }
0x73: {  	s24 =	simm.s32 @!p0 $0x0;
	[sflag:s18] =	ssyncset.done $0x0  }
0x74: {  	s26 =	simm.s32 @!p0 $0x2;
	s25 =	simm.s32 @!p0 $0x80;
	[sflag:s18] =	ssyncadd.s32 $0xFFFFC000  }
0x75: {  	[tilespmem:s25], [sflag:$0x2] =	stream.linear.gather @!p0 [hbm4b:s9+s24], $0x80, $0x38;
	[tilespmem:$0x15F40] =	vst v63  }
0x76: {  	_ =	swait.ge @!p0 [sflag:s26], $0x80  }
0x77: {  	[sflag:s26] =	ssyncset.done @!p0 $0x0  }
0x78: {  	s28 =	simm.s32 @!p0 $0x100;
	[sflag:s26] =	ssyncadd.s32 @!p0 $0xFFFFFF80  }
0x79: {  	[tilespmem:s28], [sflag:$0x1] =	stream.indirect.gather @!p0 [spmem:s2], $0x80, s25, s25, $0xb8;
	[tilespmem:$0x15F40] =	vst v63  }
0x7a: {  	s25 =	simm.s32 @!p0 $0x1  }
0x7b: {  	s23 =	sadd.s32 $0x1, s23;
	_ =	swait.ge @!p0 [sflag:s25], $0x4000  }
0x7c: {  	p2 =	sne.s32 s23, s11;
	[sflag:s25] =	ssyncset.done @!p0 $0x0  }
.Ltmp1:
0x7d: {  	[sflag:s25] =	ssyncadd.s32 @!p0 $0xFFFFC000;
	(pc) =	sbr.rel @p2 .LBB2_1-.Ltmp1, $4  }
0x7e: {  	[hbm4b:s10+s24] =	stream.linear.scatter @!p0 [tilespmem:s28], [sflag:$0x2], $0x4000, $0x38;
	[tilespmem:$0x15F40] =	vst v63  }
0x7f: {  	_ =	swait.ge @!p0 [sflag:s26], $0x4000  }
0x80: {  	[sflag:s26] =	ssyncset.done @!p0 $0x0  }
0x81: {  	[sflag:s26] =	ssyncadd.s32 @!p0 $0xFFFFC000  }
0x82: {  	_ =	sfence.sel $0x180000  }
0x83: {  	[bflag:$0x0] =	sbarrier.arrive $0xFFFF  }
0x84: {  	p0 =	sne.s32 s4, $0x0;
	_ =	strace $0x90000047  }
0x85: {  	s0 =	sadd.s32 @!p0 $0x100000, s0;
	[bflag:$0x2] =	sbarrier.arrive $0xFFFF  }
0x86: {  	[sflag:s0] =	ssyncadd.tile.s32 @!p0 $0x1;
	_ =	shalt  }
.Lfunc_end2:
_tile_overlayer_lowered:
.L_overlay_start_2:
0x87: {  	(tag) =	ssettag $0x2  }
0x88: {  	s0 =	rddreg [dreg:$0x0];
	s2 =	stileid.u32  }
0x89: {  	s1 =	rddreg [dreg:$0x1];
	p0 =	sne.s32 s2, $0x0  }
0x8a: {  	s3 =	rddreg [dreg:$0x2];
	[bflag:$0x3] =	sbarrier.arrive $0xFFFF;
	s2 =	simm.s32 @!p0 $0x1C02  }
0x8b: {  	[timem:s3], [sflag:s2] =	dma.local @!p0 [hbm:s0], s1  }
0x8c: {  	s0 =	simm.s32 @!p0 $0x2  }
0x8d: {  	_ =	swait.ge @!p0 [sflag:s0], s1  }
0x8e: {  	s1 =	ssub.s32 @!p0 $0x0, s1;
	[sflag:s0] =	ssyncset.done @!p0 $0x0  }
0x8f: {  	[sflag:s0] =	ssyncadd.s32 @!p0 s1  }
0x90: {  	[bflag:$0x3] =	sbarrier.arrive $0xFFFF  }
0x91: {  	_ =	shalt  }

// kernel: kernel.13.cloned.1.call-start
scs
__scs_entry_jumppad:
0x0: {  	(pc) =	sbr.rel $0x88, $3  }
0x1: {  	(tag) =	ssettag $0x0;
	lr =	simm.s32 $0x1  }
0x2: {  	[smem:$0x3F8E] =	sst lr;
	_ =	strace $0xD0000000  }
0x3: {  	_ = 	snop  }
0x4: {  	_ = 	snop  }
0x5: {  	_ = 	snop  }
0x6: {  	_ = 	snop  }
0x7: {  	_ = 	snop  }
__scs_overlays_trampoline_lowered:
0x8: {  	[smem:$0x3F9D] =	sst s0  }
0x9: {  	[smem:$0x3F9E] =	sst s1  }
0xa: {  	[smem:$0x3F9F] =	sst s2  }
0xb: {  	[smem:$0x3FA0] =	sst s3  }
0xc: {  	[smem:$0x3FA1] =	sst s4  }
0xd: {  	[smem:$0x3FA2] =	sst s5  }
0xe: {  	[smem:$0x3FA3] =	sst s6  }
0xf: {  	[smem:$0x3FA4] =	sst s7  }
0x10: {  	[smem:$0x3FA5] =	sst s8  }
0x11: {  	[smem:$0x3FA6] =	sst s9;
	s0 =	simm.s32 @!p0 $0x0  }
0x12: {  	s1 =	sld [smem:$0x3F8C];
	s0 =	simm.s32 @p0 $0x1  }
0x13: {  	[smem:$0x3FA7] =	sst s0;
	s0 =	simm.s32 @!p1 $0x0  }
0x14: {  	s2 =	sld [smem:$0x3F8B];
	s0 =	simm.s32 @p1 $0x1  }
0x15: {  	[smem:$0x3FA8] =	sst s0;
	s0 =	simm.s32 @!p2 $0x0  }
0x16: {  	s3 =	sld [smem:$0x3FDB];
	s0 =	simm.s32 @p2 $0x1  }
0x17: {  	s4 =	simm.s32 $0x1BF5;
	[smem:$0x3FAA] =	sst s0  }
0x18: {  	s0 =	sld [smem:$0x3F8D];
	_ =	swait.ge [sflag:s4], $0x0  }
0x19: {  	s7 =	sld [smem:$0x3F8E]  }
0x1a: {  	s8 =	sadd.s32 $0xFFFFE003, lr  }
0x1b: {  	s9 =	sadd.s32 $0xFFFFFEF7, lr;
	s5 =	simm.s32 $0xFFFFFFFF;
	p2 =	slt.u32 s8, $0xFFFFF086  }
0x1c: {  	p1 =	slt.u32 s9, $0xF7A;
	s5 =	simm.s32 @!p2 $0x0  }
0x1d: {  	s5 =	simm.s32 @p1 $0x1;
	p0 =	seq.s32 s7, s2  }
0x1e: {  	s7 =	smul.u32 @!p0 $0xF7A, s2;
	p2 =	seq.s32 @!p0 s5, $0x0  }
0x1f: {  	s9 =	smul.u32 $0xF7A, s1;
	s8 =	simm.s32 @!p0 $0x1BF5;
	p2 =	por !p2, p0  }
0x20: {  	[sflag:s8] =	ssyncset.s32 @!p0 $0xFFFFF086;
	s6 =	sadd.s32 @!p0 s3, s7;
	s7 =	simm.s32 @!p0 $0x108  }
0x21: {  	s3 =	sadd.s32 s3, s9;
	s6 =	sadd.s32 @!p0 $0x88, s6;
	s7 =	simm.s32 @p2 $0x1082  }
0x22: {  	[simem:s7], [sflag:s8] =	dma.local @!p0 [hbm:s6], $0xF7A  }
0x23: {  	s9 =	sor.u32 $0xD0000000, s2;
	s6 =	simm.s32 $0x108;
	_ =	swait.ge @!p0 [sflag:s8], $0x0  }
0x24: {  	s3 =	sadd.s32 $0x88, s3;
	s6 =	simm.s32 @!p1 $0x1082;
	[sflag:s4] =	ssyncset.s32 $0xFFFFF086  }
0x25: {  	[simem:s6], [sflag:s4] =	dma.local [hbm:s3], $0xF7A  }
0x26: {  	[smem:$0x3F8E] =	sst s1;
	(tag) =	ssettag s2;
	_ =	strace s9  }
0x27: {  	s1 =	sld [smem:$0x3F9E]  }
0x28: {  	s2 =	sld [smem:$0x3F9F]  }
0x29: {  	s4 =	sld [smem:$0x3FA1]  }
0x2a: {  	p0 =	seq.s32 s5, $0x0;
	s5 =	sld [smem:$0x3FA2]  }
0x2b: {  	s6 =	sld [smem:$0x3FA3]  }
0x2c: {  	s7 =	sld [smem:$0x3FA4]  }
0x2d: {  	s3 =	simm.s32 $0x108;
	s8 =	sld [smem:$0x3FA5]  }
0x2e: {  	s3 =	simm.s32 @!p0 $0x1082;
	s9 =	sld [smem:$0x3FA6]  }
0x2f: {  	lr =	sadd.s32 s0, s3;
	s0 =	sld [smem:$0x3F9D]  }
0x30: {  	s3 =	sld [smem:$0x3FA0]  }
0x31: {  	[smem:$0x3FA9] =	sst s10  }
0x32: {  	s10 =	sld [smem:$0x3FA7];
	_ =	sdelay $0x3  }
0x33: {  	p0 =	seq.s32 s10, $0x1;
	s10 =	sld [smem:$0x3FA9];
	_ =	sdelay $0x3  }
0x34: {  	[smem:$0x3FA9] =	sst s10  }
0x35: {  	s10 =	sld [smem:$0x3FA8];
	_ =	sdelay $0x3  }
0x36: {  	p1 =	seq.s32 s10, $0x1;
	s10 =	sld [smem:$0x3FA9];
	_ =	sdelay $0x3  }
0x37: {  	[smem:$0x3FA9] =	sst s10  }
0x38: {  	s10 =	sld [smem:$0x3FAA]  }
0x39: {  	_ = 	snop;
	(pc) =	sbr.ind lr, $3  }
0x3a: {  	_ = 	snop  }
0x3b: {  	_ = 	snop  }
0x3c: {  	p2 =	seq.s32 s10, $0x1;
	s10 =	sld [smem:$0x3FA9]  }
0x3d: {  	_ =	shalt  }
0x3e: {  	_ =	shalt  }
0x3f: {  	_ =	shalt  }
0x40: {  	_ =	shalt  }
0x41: {  	_ =	shalt  }
0x42: {  	_ =	shalt  }
0x43: {  	_ =	shalt  }
0x44: {  	_ =	shalt  }
0x45: {  	_ =	shalt  }
0x46: {  	_ =	shalt  }
0x47: {  	_ =	shalt  }
0x48: {  	_ =	shalt  }
0x49: {  	_ =	shalt  }
0x4a: {  	_ =	shalt  }
0x4b: {  	_ =	shalt  }
0x4c: {  	_ =	shalt  }
0x4d: {  	_ =	shalt  }
0x4e: {  	_ =	shalt  }
0x4f: {  	_ =	shalt  }
0x50: {  	_ =	shalt  }
0x51: {  	_ =	shalt  }
0x52: {  	_ =	shalt  }
0x53: {  	_ =	shalt  }
0x54: {  	_ =	shalt  }
0x55: {  	_ =	shalt  }
0x56: {  	_ =	shalt  }
0x57: {  	_ =	shalt  }
0x58: {  	_ =	shalt  }
0x59: {  	_ =	shalt  }
0x5a: {  	_ =	shalt  }
0x5b: {  	_ =	shalt  }
0x5c: {  	_ =	shalt  }
0x5d: {  	_ =	shalt  }
0x5e: {  	_ =	shalt  }
0x5f: {  	_ =	shalt  }
0x60: {  	_ =	shalt  }
0x61: {  	_ =	shalt  }
0x62: {  	_ =	shalt  }
0x63: {  	_ =	shalt  }
0x64: {  	_ =	shalt  }
0x65: {  	_ =	shalt  }
0x66: {  	_ =	shalt  }
0x67: {  	_ =	shalt  }
0x68: {  	_ =	shalt  }
0x69: {  	_ =	shalt  }
0x6a: {  	_ =	shalt  }
0x6b: {  	_ =	shalt  }
0x6c: {  	_ =	shalt  }
0x6d: {  	_ =	shalt  }
0x6e: {  	_ =	shalt  }
0x6f: {  	_ =	shalt  }
0x70: {  	_ =	shalt  }
0x71: {  	_ =	shalt  }
0x72: {  	_ =	shalt  }
0x73: {  	_ =	shalt  }
0x74: {  	_ =	shalt  }
0x75: {  	_ =	shalt  }
0x76: {  	_ =	shalt  }
0x77: {  	_ =	shalt  }
0x78: {  	_ =	shalt  }
0x79: {  	_ =	shalt  }
0x7a: {  	_ =	shalt  }
0x7b: {  	_ =	shalt  }
0x7c: {  	_ =	shalt  }
0x7d: {  	_ =	shalt  }
0x7e: {  	_ =	shalt  }
0x7f: {  	_ =	shalt  }
0x80: {  	_ =	shalt  }
0x81: {  	_ =	shalt  }
0x82: {  	_ =	shalt  }
0x83: {  	_ =	shalt  }
0x84: {  	_ =	shalt  }
0x85: {  	_ =	shalt  }
0x86: {  	_ =	shalt  }
0x87: {  	_ =	shalt  }
.Lfunc_end0:
.L_simem_size_0:
called_computation.1_lowered:
.L_overlay_start_0:
0x88: {  	s2 =	sld [smem:$0x3FD9]  }
0x89: {  	s3 =	sld [smem:$0x3FFE];
	_ =	sdelay $0x1  }
0x8a: {  	s1 =	srdreg.scid  }
0x8b: {  	s0 =	sand.u32 $0x1, s1  }
0x8c: {  	s14 =	sshll.u32 s0, $0xA;
	s2 =	sadd.s32 s3, s2  }
0x8d: {  	s2 =	sadd.s32 s2, s14  }
0x8e: {  	[smem:$0x3FB5] =	sst s2  }
0x8f: {  	_ = 	snop  }
0x90: {  	s2 =	sld [smem:$0x3FD0];
	_ =	sdelay $0x2  }
0x91: {  	s15 =	simm.s32 $0xA;
	s4 =	simm.s32 $0x10  }
0x92: {  	[smem:s4], [sflag:s15] =	dma.local [hbm:s2], $0x1  }
0x93: {  	_ =	swait.eq [sflag:s15], $0x1  }
0x94: {  	s16 =	sld [smem:$0x10]  }
0x95: {  	s17 =	sld [smem:$0x11];
	[sflag:s15] =	ssyncset.done $0x0  }
0x96: {  	s5 =	sld [smem:$0x12];
	[sflag:s15] =	ssyncadd.s32 $0xFFFFFFFF  }
0x97: {  	s18 =	sld [smem:$0x13];
	(tm) =	ssettm $0x1  }
0x98: {  	s6 =	sld [smem:$0x3FFB];
	_ =	sdelay $0x3  }
0x99: {  	_ =	strace s6  }
0x9a: {  	s6 =	sld [smem:$0x3FFC];
	_ =	sdelay $0x3  }
0x9b: {  	_ =	strace s6  }
0x9c: {  	s6 =	sld [smem:$0x3FFD];
	_ =	sdelay $0x3  }
0x9d: {  	_ =	strace s6  }
0x9e: {  	_ =	strace $0x8FFFFFFF  }
0x9f: {  	s19 =	sld [smem:$0x3FDB];
	_ =	sdelay $0x1  }
0xa0: {  	s7 =	simm.s32 $_scs_section_size  }
0xa1: {  	s8 =	simm.s32 $_size__tile_overlayer_lowered;
	s9 =	simm.s32 $_tile_overlayer_lowered  }
0xa2: {  	s22 =	simm.s32 $0x1BFF;
	s21 =	sshll.u32 s9, $0x1;
	s6 =	sadd.s32 s7, s19  }
0xa3: {  	s10 =	simm.s32 $0x0;
	s20 =	sshll.u32 s8, $0x1;
	s8 =	sadd.s32 s21, s6  }
0xa4: {  	[timem:s10], [sflag:s22] =	dma.local [hbm:s8], s20  }
0xa5: {  	_ =	swait.ge [sflag:s22], s20  }
0xa6: {  	s7 =	ssub.s32 $0x0, s20;
	[sflag:s22] =	ssyncset.done $0x0  }
0xa7: {  	[sflag:s22] =	ssyncadd.s32 s7;
	_ =	sdelay $0x1  }
0xa8: {  	s23 =	simm.s32 $0x1B8B  }
0xa9: {  	_ =	swait.ge [sflag:s23], $0x1  }
0xaa: {  	[sflag:s23] =	ssyncset.done $0x0  }
0xab: {  	s25 =	simm.s32 $0x1B8E;
	s24 =	sld [smem:$0x3FFE];
	[sflag:s23] =	ssyncadd.s32 $0xFFFFFFFF  }
0xac: {  	s26 =	simm.s32 $execute0_lowered;
	[smem:$0x3FD2] =	sst s25  }
0xad: {  	s8 =	sshll.u32 s26, $0x1;
	_ =	strace $0x80000049;
	[dreg:$0x1] =	wrdreg $0xFFFFFFFF  }
0xae: {  	s28 =	simm.s32 $_size_execute0_lowered;
	s6 =	sadd.s32 s6, s8;
	[dreg:$0x0] =	wrdreg $0x0  }
0xaf: {  	s8 =	sshll.u32 s28, $0x1;
	[dreg:$0x2] =	wrdreg s6  }
0xb0: {  	[dreg:$0x3] =	wrdreg s8  }
0xb1: {  	[dreg:$0x4] =	wrdreg $0xC0  }
0xb2: {  	_ =	task [dreg:s10], $0x5FFFF  }
0xb3: {  	[dreg:$0x1] =	wrdreg $0xFFFFFFFF  }
0xb4: {  	[dreg:$0x0] =	wrdreg $0x60  }
0xb5: {  	[dreg:$0x2] =	wrdreg s5  }
0xb6: {  	[dreg:$0x3] =	wrdreg s16  }
0xb7: {  	[dreg:$0x4] =	wrdreg s17  }
0xb8: {  	[dreg:$0x5] =	wrdreg s24  }
0xb9: {  	[dreg:$0x6] =	wrdreg s18  }
0xba: {  	[dreg:$0x7] =	wrdreg $0x81800  }
0xbb: {  	[dreg:$0x8] =	wrdreg $0x9  }
0xbc: {  	_ =	task.clear_ibuf [dreg:s10], $0x9FFFF;
	_ =	strace $0x90000049  }
0xbd: {  	s29 =	simm.s32 $0x9;
	_ =	strace $0x8000004B  }
0xbe: {  	_ =	swait.ge [sflag:s29], $0x1  }
0xbf: {  	[sflag:s29] =	ssyncadd.s32 $0xFFFFFFFF  }
0xc0: {  	_ =	strace $0x9000004B  }
0xc1: {  	_ =	sfence  }
0xc2: {  	s30 =	sld [smem:$0x0];
	_ =	sdelay $0x2  }
0xc3: {  	s31 =	sshll.u32 s1, $0xD;
	s1 =	sshrl.u32 s1, $0x2  }
0xc4: {  	s3 =	sand.u32 $0x4000, s31;
	s1 =	sadd.s32 s1, s30  }
0xc5: {  	s0 =	sor.u32 s3, s0;
	s1 =	sshll.u32 s1, $0x11  }
0xc6: {  	s0 =	sor.u32 s1, s0  }
0xc7: {  	s0 =	sadd.s32 $0x8F2B, s0  }
0xc8: {  	[sflag:s0] =	ssyncadd.remote.s32 $0x1  }
0xc9: {  	_ =	sfence.sel $0xFFFF  }
0xca: {  	[dreg:$0x0] =	wrdreg $0xFFFFFFFF;
	(pc) =	sbr.abs _section_cstart, $3  }
0xcb: {  	[dreg:$0x1] =	wrdreg $0xFFFFFFFF  }
0xcc: {  	_ =	task.clear_ibuf [dreg:s10], $0x2FFFF;
	_ =	strace $0x9FFFFFFF  }
0xcd: {  	(tm) =	ssettm $0x7FFFFFFF  }
tec
execute0_lowered:
.L_overlay_start_1:
0x0: {  	(tag) =	ssettag $0x1  }
0x1: {  	s1 =	rddreg [dreg:$0x0]  }
0x2: {  	s17 =	rddreg [dreg:$0x1]  }
0x3: {  	s16 =	rddreg [dreg:$0x2]  }
0x4: {  	s5 =	rddreg [dreg:$0x3]  }
0x5: {  	s18 =	rddreg [dreg:$0x4]  }
0x6: {  	s2 =	rddreg [dreg:$0x5]  }
0x7: {  	s0 =	rddreg [dreg:$0x6];
	s4 =	simm.s32 $0x0;
	s6 =	srdreg.scid  }
0x8: {  	s3 =	stileid.u32;
	[smem:$0x7FF] =	sst s4;
	s8 =	sand.u32 $0x1, s6  }
0x9: {  	s13 =	sshll.u32 s3, $0x7;
	s15 =	sadd.s32 $0x5000, s5;
	s5 =	sadd.s32 $0x5600, s5  }
0xa: {  	s19 =	sshll.u32 s3, $0x4;
	s11 =	sor.u32 $0x9C0, s3;
	p0 =	sgt.u32 s3, $0x7  }
0xb: {  	p1 =	sgt.u32 s3, $0x3;
	_ =	strace $0x8000004A;
	s6 =	ssub.s32 $0x2, s8  }
0xc: {  	s9 =	smin.u32 s13, $0x348;
	s20 =	sshll.u32 s8, $0x4;
	s21 =	smul.u32 $0x9E400, s8  }
0xd: {  	s22 =	sshll.u32 s11, $0x5;
	s29 =	sor.u32 $0x800, s13;
	s7 =	sshrl.u32 s6, $0x1  }
0xe: {  	s30 =	sshrl.u32 s9, $0x3;
	s10 =	sadd.s32 s16, s20;
	s14 =	sor.u32 $0x1000, s9  }
0xf: {  	s9 =	sshll.u32 s11, $0x4;
	s12 =	ssub.s32 s6, s7;
	s31 =	sadd.s32 s30, s15  }
0x10: {  	s6 =	sadd.s32 s15, s19;
	s23 =	sshll.u32 s14, $0x7;
	s8 =	sadd.s32 s17, s9  }
0x11: {  	s9 =	sadd.s32 s22, s10;
	s25 =	sshrl.u32 s14, $0x3;
	s22 =	sshll.u32 s3, $0xE  }
0x12: {  	s30 =	sshll.u32 s3, $0x5;
	s17 =	sadd.s32 s19, s17;
	s19 =	simm.s32 $0x4180  }
0x13: {  	s7 =	sadd.s32 $0x200, s31;
	s24 =	sadd.s32 s21, s23;
	s10 =	sadd.s32 s15, s25  }
0x14: {  	s28 =	sadd.s32 s21, s22;
	s12 =	smax.u32 s12, $0x1;
	s13 =	sadd.s32 $0x100, s6  }
0x15: {  	s23 =	sshll.u32 s29, $0x7;
	s22 =	sshrl.u32 s29, $0x3;
	s31 =	sadd.s32 s30, s16  }
0x16: {  	s25 =	simm.s32 $0x0;
	s26 =	sshrl.u32 s24, $0x3;
	s14 =	sshrl.u32 s28, $0x3  }
0x17: {  	s21 =	sadd.s32 s21, s23;
	s15 =	sadd.s32 s15, s22;
	s22 =	simm.s32 $0x80  }
0x18: {  	s23 =	simm.s32 $0x180;
	s24 =	simm.s32 $0x1;
	s21 =	sshrl.u32 s21, $0x3  }
0x19: {  	s11 =	sadd.s32 s18, s26;
	s14 =	sadd.s32 s18, s14;
	s16 =	sadd.s32 s18, s21  }
0x1a: {  	s18 =	sadd.s32 s20, s31;
	s20 =	simm.s32 $0x2;
	s21 =	simm.s32 $0x100  }
.LBB2_1:
0x1b: {  	[tilespmem:s19], [sflag:$0x2] =	stream.linear.gather [hbm4b:s5+s4], $0x4000, $0x38;
	[tilespmem:$0x11FC0] =	vst v63  }
0x1c: {  	_ =	swait.ge [sflag:s20], $0x4000  }
0x1d: {  	[sflag:s20] =	ssyncset.done $0x0  }
0x1e: {  	[sflag:s20] =	ssyncadd.s32 $0xFFFFC000  }
0x1f: {  	[tilespmem:s21], [sflag:$0x2] =	stream.linear.gather [hbm4b:s6+s4], $0x80, $0x38;
	[tilespmem:$0x11FC0] =	vst v63  }
0x20: {  	_ =	swait.ge [sflag:s20], $0x80  }
0x21: {  	[sflag:s20] =	ssyncset.done $0x0  }
0x22: {  	[sflag:s20] =	ssyncadd.s32 $0xFFFFFF80  }
0x23: {  	[spmem:s2] =	stream.indirect.scatter [tilespmem:s19], [sflag:$0x2], $0x80, s21, s22, $0xb8;
	[tilespmem:$0x11FC0] =	vst v63  }
0x24: {  	_ =	swait.ge [sflag:s20], $0x4000  }
0x25: {  	[sflag:s20] =	ssyncset.done $0x0  }
0x26: {  	[sflag:s20] =	ssyncadd.s32 $0xFFFFC000  }
0x27: {  	[tilespmem:s21], [sflag:$0x2] =	stream.linear.gather [hbm4b:s13+s4], $0x80, $0x38;
	[tilespmem:$0x11FC0] =	vst v63  }
0x28: {  	_ =	swait.ge [sflag:s20], $0x80  }
0x29: {  	[sflag:s20] =	ssyncset.done $0x0  }
0x2a: {  	[sflag:s20] =	ssyncadd.s32 $0xFFFFFF80  }
0x2b: {  	[spmem:s2] =	stream.indirect.scatter [tilespmem:s19], [sflag:$0x2], $0x80, s21, s22, $0xb8;
	[tilespmem:$0x11FC0] =	vst v63  }
0x2c: {  	_ =	swait.ge [sflag:s20], $0x4000  }
0x2d: {  	[sflag:s20] =	ssyncset.done $0x0  }
0x2e: {  	s26 =	simm.s32 @!p0 $0x0;
	s28 =	simm.s32 @!p0 $0x100;
	[sflag:s20] =	ssyncadd.s32 $0xFFFFC000  }
0x2f: {  	[tilespmem:s28], [sflag:$0x2] =	stream.linear.gather @!p0 [hbm4b:s7+s26], $0x80, $0x38;
	[tilespmem:$0x11FC0] =	vst v63  }
0x30: {  	s26 =	simm.s32 @!p0 $0x2  }
0x31: {  	_ =	swait.ge @!p0 [sflag:s26], $0x80  }
0x32: {  	[sflag:s26] =	ssyncset.done @!p0 $0x0  }
0x33: {  	s29 =	simm.s32 @!p0 $0x80;
	s30 =	simm.s32 @!p0 $0x4180;
	[sflag:s26] =	ssyncadd.s32 @!p0 $0xFFFFFF80  }
0x34: {  	[spmem:s2] =	stream.indirect.scatter @!p0 [tilespmem:s30], [sflag:$0x2], $0x80, s28, s29, $0xb8;
	[tilespmem:$0x11FC0] =	vst v63  }
0x35: {  	_ =	swait.ge @!p0 [sflag:s26], $0x4000  }
0x36: {  	[sflag:s26] =	ssyncset.done @!p0 $0x0  }
0x37: {  	[sflag:s26] =	ssyncadd.s32 @!p0 $0xFFFFC000  }
0x38: {  	s31 =	sadd.s32 $0x0, s17;
	[bflag:$0x0] =	sbarrier.arrive $0xFFFF  }
0x39: {  	[tilespmem:s4], [sflag:$0x2] =	stream.linear.gather [hbm4b:s31+s4], $0x80, $0x38;
	[tilespmem:$0x11FC0] =	vst v63  }
0x3a: {  	_ =	swait.ge [sflag:s20], $0x80  }
0x3b: {  	[sflag:s20] =	ssyncset.done $0x0  }
0x3c: {  	[sflag:s20] =	ssyncadd.s32 $0xFFFFFF80  }
0x3d: {  	[tilespmem:s22], [sflag:$0x2] =	stream.linear.gather [hbm4b:s18+s4], $0x80, $0x38;
	[tilespmem:$0x11FC0] =	vst v63  }
0x3e: {  	_ =	swait.ge [sflag:s20], $0x80  }
0x3f: {  	[sflag:s20] =	ssyncset.done $0x0  }
0x40: {  	[sflag:s20] =	ssyncadd.s32 $0xFFFFFF80  }
0x41: {  	[tilespmem:s23], [sflag:$0x1] =	stream.indirect.gather [hbm4b:s1+s22], $0x80, s4, s22, $0xb8;
	[tilespmem:$0x11FC0] =	vst v63  }
0x42: {  	_ =	swait.ge [sflag:s24], $0x4000  }
0x43: {  	[sflag:s24] =	ssyncset.done $0x0  }
0x44: {  	[sflag:s24] =	ssyncadd.s32 $0xFFFFC000  }
0x45: {  	[spmem:s2] =	stream.indirect.scatter.add.f32 [tilespmem:s23], [sflag:$0x2], $0x80, s22, s22, $0xb8;
	[tilespmem:$0x11FC0] =	vst v63  }
0x46: {  	s28 =	simm.s32 $0x100;
	_ =	swait.ge [sflag:s20], $0x4000  }
0x47: {  	s29 =	simm.s32 $0x200;
	s26 =	sadd.s32 $0x200, s18;
	[sflag:s20] =	ssyncset.done $0x0  }
.LBB2_2:
0x48: {  	s30 =	sadd.s32 s28, s17  }
0x49: {  	[sflag:s20] =	ssyncadd.s32 $0xFFFFC000;
	s28 =	smov.u32 s29;
	s31 =	sadd.s32 $0x100, s29  }
0x4a: {  	[tilespmem:s4], [sflag:$0x2] =	stream.linear.gather [hbm4b:s30+s4], $0x80, $0x38;
	[tilespmem:$0x11FC0] =	vst v63  }
0x4b: {  	p2 =	sne.s32 s29, $0x9B00;
	_ =	swait.ge [sflag:s20], $0x80  }
0x4c: {  	[sflag:s20] =	ssyncset.done $0x0  }
0x4d: {  	[sflag:s20] =	ssyncadd.s32 $0xFFFFFF80  }
0x4e: {  	[tilespmem:s22], [sflag:$0x2] =	stream.linear.gather [hbm4b:s26+s4], $0x80, $0x38;
	[tilespmem:$0x11FC0] =	vst v63  }
0x4f: {  	_ =	swait.ge [sflag:s20], $0x80  }
0x50: {  	[sflag:s20] =	ssyncset.done $0x0  }
0x51: {  	[sflag:s20] =	ssyncadd.s32 $0xFFFFFF80  }
0x52: {  	[tilespmem:s23], [sflag:$0x1] =	stream.indirect.gather [hbm4b:s1+s22], $0x80, s4, s22, $0xb8;
	[tilespmem:$0x11FC0] =	vst v63  }
0x53: {  	_ =	swait.ge [sflag:s24], $0x4000  }
.Ltmp0:
0x54: {  	[sflag:s24] =	ssyncset.done $0x0;
	(pc) =	sbr.rel @p2 .LBB2_2-.Ltmp0, $4  }
0x55: {  	[sflag:s24] =	ssyncadd.s32 $0xFFFFC000  }
0x56: {  	[spmem:s2] =	stream.indirect.scatter.add.f32 [tilespmem:s23], [sflag:$0x2], $0x80, s22, s22, $0xb8;
	[tilespmem:$0x11FC0] =	vst v63  }
0x57: {  	_ =	swait.ge [sflag:s20], $0x4000  }
0x58: {  	s29 =	smov.u32 s31;
	s26 =	sadd.s32 $0x200, s26;
	[sflag:s20] =	ssyncset.done $0x0  }
0x59: {  	s28 =	sadd.s32 s28, s17;
	[sflag:s20] =	ssyncadd.s32 $0xFFFFC000  }
0x5a: {  	[tilespmem:s4], [sflag:$0x2] =	stream.linear.gather [hbm4b:s28+s4], $0x80, $0x38;
	[tilespmem:$0x11FC0] =	vst v63  }
0x5b: {  	_ =	swait.ge [sflag:s20], $0x80  }
0x5c: {  	[sflag:s20] =	ssyncset.done $0x0  }
0x5d: {  	[sflag:s20] =	ssyncadd.s32 $0xFFFFFF80  }
0x5e: {  	[tilespmem:s22], [sflag:$0x2] =	stream.linear.gather [hbm4b:s26+s4], $0x80, $0x38;
	[tilespmem:$0x11FC0] =	vst v63  }
0x5f: {  	_ =	swait.ge [sflag:s20], $0x80  }
0x60: {  	[sflag:s20] =	ssyncset.done $0x0  }
0x61: {  	[sflag:s20] =	ssyncadd.s32 $0xFFFFFF80  }
0x62: {  	[tilespmem:s23], [sflag:$0x1] =	stream.indirect.gather [hbm4b:s1+s22], $0x80, s4, s22, $0xb8;
	[tilespmem:$0x11FC0] =	vst v63  }
0x63: {  	_ =	swait.ge [sflag:s24], $0x4000  }
0x64: {  	[sflag:s24] =	ssyncset.done $0x0  }
0x65: {  	[sflag:s24] =	ssyncadd.s32 $0xFFFFC000  }
0x66: {  	[spmem:s2] =	stream.indirect.scatter.add.f32 [tilespmem:s23], [sflag:$0x2], $0x80, s22, s22, $0xb8;
	[tilespmem:$0x11FC0] =	vst v63  }
0x67: {  	_ =	swait.ge [sflag:s20], $0x4000  }
0x68: {  	[sflag:s20] =	ssyncset.done $0x0  }
0x69: {  	s28 =	simm.s32 @!p1 $0x2;
	s26 =	simm.s32 @!p1 $0x0;
	[sflag:s20] =	ssyncadd.s32 $0xFFFFC000  }
0x6a: {  	[tilespmem:s26], [sflag:$0x2] =	stream.linear.gather @!p1 [hbm4b:s8+s26], $0x80, $0x38;
	[tilespmem:$0x11FC0] =	vst v63  }
0x6b: {  	_ =	swait.ge @!p1 [sflag:s28], $0x80  }
0x6c: {  	[sflag:s28] =	ssyncset.done @!p1 $0x0  }
0x6d: {  	s29 =	simm.s32 @!p1 $0x80;
	[sflag:s28] =	ssyncadd.s32 @!p1 $0xFFFFFF80  }
0x6e: {  	[tilespmem:s29], [sflag:$0x2] =	stream.linear.gather @!p1 [hbm4b:s9+s26], $0x80, $0x38;
	[tilespmem:$0x11FC0] =	vst v63  }
0x6f: {  	_ =	swait.ge @!p1 [sflag:s28], $0x80  }
0x70: {  	[sflag:s28] =	ssyncset.done @!p1 $0x0  }
0x71: {  	s30 =	simm.s32 @!p1 $0x180;
	[sflag:s28] =	ssyncadd.s32 @!p1 $0xFFFFFF80  }
0x72: {  	[tilespmem:s30], [sflag:$0x1] =	stream.indirect.gather @!p1 [hbm4b:s1+s29], $0x80, s26, s29, $0xb8;
	[tilespmem:$0x11FC0] =	vst v63  }
0x73: {  	s26 =	simm.s32 @!p1 $0x1  }
0x74: {  	_ =	swait.ge @!p1 [sflag:s26], $0x4000  }
0x75: {  	[sflag:s26] =	ssyncset.done @!p1 $0x0  }
0x76: {  	[sflag:s26] =	ssyncadd.s32 @!p1 $0xFFFFC000  }
0x77: {  	[spmem:s2] =	stream.indirect.scatter.add.f32 @!p1 [tilespmem:s30], [sflag:$0x2], $0x80, s29, s29, $0xb8;
	[tilespmem:$0x11FC0] =	vst v63  }
0x78: {  	_ =	swait.ge @!p1 [sflag:s28], $0x4000  }
0x79: {  	[sflag:s28] =	ssyncset.done @!p1 $0x0  }
0x7a: {  	[sflag:s28] =	ssyncadd.s32 @!p1 $0xFFFFC000  }
0x7b: {  	[bflag:$0x0] =	sbarrier.arrive $0xFFFF  }
0x7c: {  	[tilespmem:s21], [sflag:$0x2] =	stream.linear.gather [hbm4b:s6+s4], $0x80, $0x38;
	[tilespmem:$0x11FC0] =	vst v63  }
0x7d: {  	_ =	swait.ge [sflag:s20], $0x80  }
0x7e: {  	[sflag:s20] =	ssyncset.done $0x0  }
0x7f: {  	[sflag:s20] =	ssyncadd.s32 $0xFFFFFF80  }
0x80: {  	[tilespmem:s23], [sflag:$0x1] =	stream.indirect.gather [spmem:s2], $0x80, s21, s22, $0xb8;
	[tilespmem:$0x11FC0] =	vst v63  }
0x81: {  	_ =	swait.ge [sflag:s24], $0x4000  }
0x82: {  	[sflag:s24] =	ssyncset.done $0x0  }
0x83: {  	[sflag:s24] =	ssyncadd.s32 $0xFFFFC000  }
0x84: {  	[hbm4b:s14+s4] =	stream.linear.scatter [tilespmem:s23], [sflag:$0x2], $0x4000, $0x38;
	[tilespmem:$0x11FC0] =	vst v63  }
0x85: {  	_ =	swait.ge [sflag:s20], $0x4000  }
0x86: {  	[sflag:s20] =	ssyncset.done $0x0  }
0x87: {  	[sflag:s20] =	ssyncadd.s32 $0xFFFFC000  }
0x88: {  	[tilespmem:s21], [sflag:$0x2] =	stream.linear.gather [hbm4b:s15+s4], $0x80, $0x38;
	[tilespmem:$0x11FC0] =	vst v63  }
0x89: {  	_ =	swait.ge [sflag:s20], $0x80  }
0x8a: {  	[sflag:s20] =	ssyncset.done $0x0  }
0x8b: {  	[sflag:s20] =	ssyncadd.s32 $0xFFFFFF80  }
0x8c: {  	[tilespmem:s23], [sflag:$0x1] =	stream.indirect.gather [spmem:s2], $0x80, s21, s22, $0xb8;
	[tilespmem:$0x11FC0] =	vst v63  }
0x8d: {  	_ =	swait.ge [sflag:s24], $0x4000  }
0x8e: {  	[sflag:s24] =	ssyncset.done $0x0  }
0x8f: {  	[sflag:s24] =	ssyncadd.s32 $0xFFFFC000  }
0x90: {  	[hbm4b:s16+s4] =	stream.linear.scatter [tilespmem:s23], [sflag:$0x2], $0x4000, $0x38;
	[tilespmem:$0x11FC0] =	vst v63  }
0x91: {  	_ =	swait.ge [sflag:s20], $0x4000  }
0x92: {  	s26 =	simm.s32 @!p0 $0x0;
	[sflag:s20] =	ssyncset.done $0x0  }
0x93: {  	s29 =	simm.s32 @!p0 $0x2;
	s28 =	simm.s32 @!p0 $0x100;
	[sflag:s20] =	ssyncadd.s32 $0xFFFFC000  }
0x94: {  	[tilespmem:s28], [sflag:$0x2] =	stream.linear.gather @!p0 [hbm4b:s10+s26], $0x80, $0x38;
	[tilespmem:$0x11FC0] =	vst v63  }
0x95: {  	_ =	swait.ge @!p0 [sflag:s29], $0x80  }
0x96: {  	[sflag:s29] =	ssyncset.done @!p0 $0x0  }
0x97: {  	s31 =	simm.s32 @!p0 $0x180;
	s30 =	simm.s32 @!p0 $0x80;
	[sflag:s29] =	ssyncadd.s32 @!p0 $0xFFFFFF80  }
0x98: {  	[tilespmem:s31], [sflag:$0x1] =	stream.indirect.gather @!p0 [spmem:s2], $0x80, s28, s30, $0xb8;
	[tilespmem:$0x11FC0] =	vst v63  }
0x99: {  	s28 =	simm.s32 @!p0 $0x1  }
0x9a: {  	s25 =	sadd.s32 $0x1, s25;
	_ =	swait.ge @!p0 [sflag:s28], $0x4000  }
0x9b: {  	p2 =	sne.s32 s25, s12;
	[sflag:s28] =	ssyncset.done @!p0 $0x0  }
.Ltmp1:
0x9c: {  	[sflag:s28] =	ssyncadd.s32 @!p0 $0xFFFFC000;
	(pc) =	sbr.rel @p2 .LBB2_1-.Ltmp1, $4  }
0x9d: {  	[hbm4b:s11+s26] =	stream.linear.scatter @!p0 [tilespmem:s31], [sflag:$0x2], $0x4000, $0x38;
	[tilespmem:$0x11FC0] =	vst v63  }
0x9e: {  	_ =	swait.ge @!p0 [sflag:s29], $0x4000  }
0x9f: {  	[sflag:s29] =	ssyncset.done @!p0 $0x0  }
0xa0: {  	[sflag:s29] =	ssyncadd.s32 @!p0 $0xFFFFC000  }
0xa1: {  	_ =	sfence.sel $0x180000  }
0xa2: {  	[bflag:$0x0] =	sbarrier.arrive $0xFFFF  }
0xa3: {  	p0 =	sne.s32 s3, $0x0;
	_ =	strace $0x9000004A  }
0xa4: {  	s0 =	sadd.s32 @!p0 $0x100000, s0;
	[bflag:$0x2] =	sbarrier.arrive $0xFFFF  }
0xa5: {  	[sflag:s0] =	ssyncadd.tile.s32 @!p0 $0x1;
	_ =	shalt  }
.Lfunc_end2:
_tile_overlayer_lowered:
.L_overlay_start_2:
0xa6: {  	(tag) =	ssettag $0x2  }
0xa7: {  	s0 =	rddreg [dreg:$0x0];
	s2 =	stileid.u32  }
0xa8: {  	s1 =	rddreg [dreg:$0x1];
	p0 =	sne.s32 s2, $0x0  }
0xa9: {  	s3 =	rddreg [dreg:$0x2];
	[bflag:$0x3] =	sbarrier.arrive $0xFFFF;
	s2 =	simm.s32 @!p0 $0x1C02  }
0xaa: {  	[timem:s3], [sflag:s2] =	dma.local @!p0 [hbm:s0], s1  }
0xab: {  	s0 =	simm.s32 @!p0 $0x2  }
0xac: {  	_ =	swait.ge @!p0 [sflag:s0], s1  }
0xad: {  	s1 =	ssub.s32 @!p0 $0x0, s1;
	[sflag:s0] =	ssyncset.done @!p0 $0x0  }
0xae: {  	[sflag:s0] =	ssyncadd.s32 @!p0 s1  }
0xaf: {  	[bflag:$0x3] =	sbarrier.arrive $0xFFFF  }
0xb0: {  	_ =	shalt  }

// kernel: kernel.16.cloned.1.call-start
scs
__scs_entry_jumppad:
0x0: {  	(pc) =	sbr.rel $0x88, $3  }
0x1: {  	(tag) =	ssettag $0x0;
	lr =	simm.s32 $0x1  }
0x2: {  	[smem:$0x3F8E] =	sst lr;
	_ =	strace $0xD0000000  }
0x3: {  	_ = 	snop  }
0x4: {  	_ = 	snop  }
0x5: {  	_ = 	snop  }
0x6: {  	_ = 	snop  }
0x7: {  	_ = 	snop  }
__scs_overlays_trampoline_lowered:
0x8: {  	[smem:$0x3F9D] =	sst s0  }
0x9: {  	[smem:$0x3F9E] =	sst s1  }
0xa: {  	[smem:$0x3F9F] =	sst s2  }
0xb: {  	[smem:$0x3FA0] =	sst s3  }
0xc: {  	[smem:$0x3FA1] =	sst s4  }
0xd: {  	[smem:$0x3FA2] =	sst s5  }
0xe: {  	[smem:$0x3FA3] =	sst s6  }
0xf: {  	[smem:$0x3FA4] =	sst s7  }
0x10: {  	[smem:$0x3FA5] =	sst s8  }
0x11: {  	[smem:$0x3FA6] =	sst s9;
	s0 =	simm.s32 @!p0 $0x0  }
0x12: {  	s1 =	sld [smem:$0x3F8C];
	s0 =	simm.s32 @p0 $0x1  }
0x13: {  	[smem:$0x3FA7] =	sst s0;
	s0 =	simm.s32 @!p1 $0x0  }
0x14: {  	s2 =	sld [smem:$0x3F8B];
	s0 =	simm.s32 @p1 $0x1  }
0x15: {  	[smem:$0x3FA8] =	sst s0;
	s0 =	simm.s32 @!p2 $0x0  }
0x16: {  	s3 =	sld [smem:$0x3FDB];
	s0 =	simm.s32 @p2 $0x1  }
0x17: {  	s4 =	simm.s32 $0x1BF5;
	[smem:$0x3FAA] =	sst s0  }
0x18: {  	s0 =	sld [smem:$0x3F8D];
	_ =	swait.ge [sflag:s4], $0x0  }
0x19: {  	s7 =	sld [smem:$0x3F8E]  }
0x1a: {  	s8 =	sadd.s32 $0xFFFFE003, lr  }
0x1b: {  	s9 =	sadd.s32 $0xFFFFFEF7, lr;
	s5 =	simm.s32 $0xFFFFFFFF;
	p2 =	slt.u32 s8, $0xFFFFF086  }
0x1c: {  	p1 =	slt.u32 s9, $0xF7A;
	s5 =	simm.s32 @!p2 $0x0  }
0x1d: {  	s5 =	simm.s32 @p1 $0x1;
	p0 =	seq.s32 s7, s2  }
0x1e: {  	s7 =	smul.u32 @!p0 $0xF7A, s2;
	p2 =	seq.s32 @!p0 s5, $0x0  }
0x1f: {  	s9 =	smul.u32 $0xF7A, s1;
	s8 =	simm.s32 @!p0 $0x1BF5;
	p2 =	por !p2, p0  }
0x20: {  	[sflag:s8] =	ssyncset.s32 @!p0 $0xFFFFF086;
	s6 =	sadd.s32 @!p0 s3, s7;
	s7 =	simm.s32 @!p0 $0x108  }
0x21: {  	s3 =	sadd.s32 s3, s9;
	s6 =	sadd.s32 @!p0 $0x88, s6;
	s7 =	simm.s32 @p2 $0x1082  }
0x22: {  	[simem:s7], [sflag:s8] =	dma.local @!p0 [hbm:s6], $0xF7A  }
0x23: {  	s9 =	sor.u32 $0xD0000000, s2;
	s6 =	simm.s32 $0x108;
	_ =	swait.ge @!p0 [sflag:s8], $0x0  }
0x24: {  	s3 =	sadd.s32 $0x88, s3;
	s6 =	simm.s32 @!p1 $0x1082;
	[sflag:s4] =	ssyncset.s32 $0xFFFFF086  }
0x25: {  	[simem:s6], [sflag:s4] =	dma.local [hbm:s3], $0xF7A  }
0x26: {  	[smem:$0x3F8E] =	sst s1;
	(tag) =	ssettag s2;
	_ =	strace s9  }
0x27: {  	s1 =	sld [smem:$0x3F9E]  }
0x28: {  	s2 =	sld [smem:$0x3F9F]  }
0x29: {  	s4 =	sld [smem:$0x3FA1]  }
0x2a: {  	p0 =	seq.s32 s5, $0x0;
	s5 =	sld [smem:$0x3FA2]  }
0x2b: {  	s6 =	sld [smem:$0x3FA3]  }
0x2c: {  	s7 =	sld [smem:$0x3FA4]  }
0x2d: {  	s3 =	simm.s32 $0x108;
	s8 =	sld [smem:$0x3FA5]  }
0x2e: {  	s3 =	simm.s32 @!p0 $0x1082;
	s9 =	sld [smem:$0x3FA6]  }
0x2f: {  	lr =	sadd.s32 s0, s3;
	s0 =	sld [smem:$0x3F9D]  }
0x30: {  	s3 =	sld [smem:$0x3FA0]  }
0x31: {  	[smem:$0x3FA9] =	sst s10  }
0x32: {  	s10 =	sld [smem:$0x3FA7];
	_ =	sdelay $0x3  }
0x33: {  	p0 =	seq.s32 s10, $0x1;
	s10 =	sld [smem:$0x3FA9];
	_ =	sdelay $0x3  }
0x34: {  	[smem:$0x3FA9] =	sst s10  }
0x35: {  	s10 =	sld [smem:$0x3FA8];
	_ =	sdelay $0x3  }
0x36: {  	p1 =	seq.s32 s10, $0x1;
	s10 =	sld [smem:$0x3FA9];
	_ =	sdelay $0x3  }
0x37: {  	[smem:$0x3FA9] =	sst s10  }
0x38: {  	s10 =	sld [smem:$0x3FAA]  }
0x39: {  	_ = 	snop;
	(pc) =	sbr.ind lr, $3  }
0x3a: {  	_ = 	snop  }
0x3b: {  	_ = 	snop  }
0x3c: {  	p2 =	seq.s32 s10, $0x1;
	s10 =	sld [smem:$0x3FA9]  }
0x3d: {  	_ =	shalt  }
0x3e: {  	_ =	shalt  }
0x3f: {  	_ =	shalt  }
0x40: {  	_ =	shalt  }
0x41: {  	_ =	shalt  }
0x42: {  	_ =	shalt  }
0x43: {  	_ =	shalt  }
0x44: {  	_ =	shalt  }
0x45: {  	_ =	shalt  }
0x46: {  	_ =	shalt  }
0x47: {  	_ =	shalt  }
0x48: {  	_ =	shalt  }
0x49: {  	_ =	shalt  }
0x4a: {  	_ =	shalt  }
0x4b: {  	_ =	shalt  }
0x4c: {  	_ =	shalt  }
0x4d: {  	_ =	shalt  }
0x4e: {  	_ =	shalt  }
0x4f: {  	_ =	shalt  }
0x50: {  	_ =	shalt  }
0x51: {  	_ =	shalt  }
0x52: {  	_ =	shalt  }
0x53: {  	_ =	shalt  }
0x54: {  	_ =	shalt  }
0x55: {  	_ =	shalt  }
0x56: {  	_ =	shalt  }
0x57: {  	_ =	shalt  }
0x58: {  	_ =	shalt  }
0x59: {  	_ =	shalt  }
0x5a: {  	_ =	shalt  }
0x5b: {  	_ =	shalt  }
0x5c: {  	_ =	shalt  }
0x5d: {  	_ =	shalt  }
0x5e: {  	_ =	shalt  }
0x5f: {  	_ =	shalt  }
0x60: {  	_ =	shalt  }
0x61: {  	_ =	shalt  }
0x62: {  	_ =	shalt  }
0x63: {  	_ =	shalt  }
0x64: {  	_ =	shalt  }
0x65: {  	_ =	shalt  }
0x66: {  	_ =	shalt  }
0x67: {  	_ =	shalt  }
0x68: {  	_ =	shalt  }
0x69: {  	_ =	shalt  }
0x6a: {  	_ =	shalt  }
0x6b: {  	_ =	shalt  }
0x6c: {  	_ =	shalt  }
0x6d: {  	_ =	shalt  }
0x6e: {  	_ =	shalt  }
0x6f: {  	_ =	shalt  }
0x70: {  	_ =	shalt  }
0x71: {  	_ =	shalt  }
0x72: {  	_ =	shalt  }
0x73: {  	_ =	shalt  }
0x74: {  	_ =	shalt  }
0x75: {  	_ =	shalt  }
0x76: {  	_ =	shalt  }
0x77: {  	_ =	shalt  }
0x78: {  	_ =	shalt  }
0x79: {  	_ =	shalt  }
0x7a: {  	_ =	shalt  }
0x7b: {  	_ =	shalt  }
0x7c: {  	_ =	shalt  }
0x7d: {  	_ =	shalt  }
0x7e: {  	_ =	shalt  }
0x7f: {  	_ =	shalt  }
0x80: {  	_ =	shalt  }
0x81: {  	_ =	shalt  }
0x82: {  	_ =	shalt  }
0x83: {  	_ =	shalt  }
0x84: {  	_ =	shalt  }
0x85: {  	_ =	shalt  }
0x86: {  	_ =	shalt  }
0x87: {  	_ =	shalt  }
.Lfunc_end0:
.L_simem_size_0:
called_computation.2_lowered:
.L_overlay_start_0:
0x88: {  	s2 =	sld [smem:$0x3FD9]  }
0x89: {  	s3 =	sld [smem:$0x3FFE];
	_ =	sdelay $0x1  }
0x8a: {  	s1 =	srdreg.scid  }
0x8b: {  	s0 =	sand.u32 $0x1, s1  }
0x8c: {  	s14 =	sshll.u32 s0, $0xA;
	s2 =	sadd.s32 s3, s2  }
0x8d: {  	s2 =	sadd.s32 s2, s14  }
0x8e: {  	[smem:$0x3FB5] =	sst s2  }
0x8f: {  	_ = 	snop  }
0x90: {  	s2 =	sld [smem:$0x3FD0];
	_ =	sdelay $0x2  }
0x91: {  	s15 =	simm.s32 $0xA;
	s4 =	simm.s32 $0x10  }
0x92: {  	[smem:s4], [sflag:s15] =	dma.local [hbm:s2], $0x1  }
0x93: {  	_ =	swait.eq [sflag:s15], $0x1  }
0x94: {  	s16 =	sld [smem:$0x10]  }
0x95: {  	s17 =	sld [smem:$0x11];
	[sflag:s15] =	ssyncset.done $0x0  }
0x96: {  	s5 =	sld [smem:$0x12];
	[sflag:s15] =	ssyncadd.s32 $0xFFFFFFFF  }
0x97: {  	s18 =	sld [smem:$0x13];
	(tm) =	ssettm $0x1  }
0x98: {  	s6 =	sld [smem:$0x3FFB];
	_ =	sdelay $0x3  }
0x99: {  	_ =	strace s6  }
0x9a: {  	s6 =	sld [smem:$0x3FFC];
	_ =	sdelay $0x3  }
0x9b: {  	_ =	strace s6  }
0x9c: {  	s6 =	sld [smem:$0x3FFD];
	_ =	sdelay $0x3  }
0x9d: {  	_ =	strace s6  }
0x9e: {  	_ =	strace $0x8FFFFFFF  }
0x9f: {  	s19 =	sld [smem:$0x3FDB];
	_ =	sdelay $0x1  }
0xa0: {  	s7 =	simm.s32 $_scs_section_size  }
0xa1: {  	s8 =	simm.s32 $_size__tile_overlayer_lowered;
	s9 =	simm.s32 $_tile_overlayer_lowered  }
0xa2: {  	s22 =	simm.s32 $0x1BFF;
	s21 =	sshll.u32 s9, $0x1;
	s6 =	sadd.s32 s7, s19  }
0xa3: {  	s10 =	simm.s32 $0x0;
	s20 =	sshll.u32 s8, $0x1;
	s8 =	sadd.s32 s21, s6  }
0xa4: {  	[timem:s10], [sflag:s22] =	dma.local [hbm:s8], s20  }
0xa5: {  	_ =	swait.ge [sflag:s22], s20  }
0xa6: {  	s7 =	ssub.s32 $0x0, s20;
	[sflag:s22] =	ssyncset.done $0x0  }
0xa7: {  	[sflag:s22] =	ssyncadd.s32 s7;
	_ =	sdelay $0x1  }
0xa8: {  	s23 =	simm.s32 $0x1B8B  }
0xa9: {  	_ =	swait.ge [sflag:s23], $0x1  }
0xaa: {  	[sflag:s23] =	ssyncset.done $0x0  }
0xab: {  	s25 =	simm.s32 $0x1B8E;
	s24 =	sld [smem:$0x3FFE];
	[sflag:s23] =	ssyncadd.s32 $0xFFFFFFFF  }
0xac: {  	s26 =	simm.s32 $execute0_lowered;
	[smem:$0x3FD2] =	sst s25  }
0xad: {  	s8 =	sshll.u32 s26, $0x1;
	_ =	strace $0x8000004C;
	[dreg:$0x1] =	wrdreg $0xFFFFFFFF  }
0xae: {  	s28 =	simm.s32 $_size_execute0_lowered;
	s6 =	sadd.s32 s6, s8;
	[dreg:$0x0] =	wrdreg $0x0  }
0xaf: {  	s8 =	sshll.u32 s28, $0x1;
	[dreg:$0x2] =	wrdreg s6  }
0xb0: {  	[dreg:$0x3] =	wrdreg s8  }
0xb1: {  	[dreg:$0x4] =	wrdreg $0xC0  }
0xb2: {  	_ =	task [dreg:s10], $0x5FFFF  }
0xb3: {  	[dreg:$0x1] =	wrdreg $0xFFFFFFFF  }
0xb4: {  	[dreg:$0x0] =	wrdreg $0x60  }
0xb5: {  	[dreg:$0x2] =	wrdreg s5  }
0xb6: {  	[dreg:$0x3] =	wrdreg s16  }
0xb7: {  	[dreg:$0x4] =	wrdreg s17  }
0xb8: {  	[dreg:$0x5] =	wrdreg s24  }
0xb9: {  	[dreg:$0x6] =	wrdreg s18  }
0xba: {  	[dreg:$0x7] =	wrdreg $0x81800  }
0xbb: {  	[dreg:$0x8] =	wrdreg $0x9  }
0xbc: {  	_ =	task.clear_ibuf [dreg:s10], $0x9FFFF;
	_ =	strace $0x9000004C  }
0xbd: {  	s29 =	simm.s32 $0x9;
	_ =	strace $0x8000004E  }
0xbe: {  	_ =	swait.ge [sflag:s29], $0x1  }
0xbf: {  	[sflag:s29] =	ssyncadd.s32 $0xFFFFFFFF  }
0xc0: {  	_ =	strace $0x9000004E  }
0xc1: {  	_ =	sfence  }
0xc2: {  	s30 =	sld [smem:$0x0];
	_ =	sdelay $0x2  }
0xc3: {  	s31 =	sshll.u32 s1, $0xD;
	s1 =	sshrl.u32 s1, $0x2  }
0xc4: {  	s3 =	sand.u32 $0x4000, s31;
	s1 =	sadd.s32 s1, s30  }
0xc5: {  	s0 =	sor.u32 s3, s0;
	s1 =	sshll.u32 s1, $0x11  }
0xc6: {  	s0 =	sor.u32 s1, s0  }
0xc7: {  	s0 =	sadd.s32 $0x8F2B, s0  }
0xc8: {  	[sflag:s0] =	ssyncadd.remote.s32 $0x1  }
0xc9: {  	_ =	sfence.sel $0xFFFF  }
0xca: {  	[dreg:$0x0] =	wrdreg $0xFFFFFFFF;
	(pc) =	sbr.abs _section_cstart, $3  }
0xcb: {  	[dreg:$0x1] =	wrdreg $0xFFFFFFFF  }
0xcc: {  	_ =	task.clear_ibuf [dreg:s10], $0x2FFFF;
	_ =	strace $0x9FFFFFFF  }
0xcd: {  	(tm) =	ssettm $0x7FFFFFFF  }
tec
execute0_lowered:
.L_overlay_start_1:
0x0: {  	(tag) =	ssettag $0x1  }
0x1: {  	s1 =	rddreg [dreg:$0x0]  }
0x2: {  	s17 =	rddreg [dreg:$0x1]  }
0x3: {  	s16 =	rddreg [dreg:$0x2]  }
0x4: {  	s5 =	rddreg [dreg:$0x3]  }
0x5: {  	s18 =	rddreg [dreg:$0x4]  }
0x6: {  	s2 =	rddreg [dreg:$0x5]  }
0x7: {  	s0 =	rddreg [dreg:$0x6];
	s4 =	simm.s32 $0x0;
	s6 =	srdreg.scid  }
0x8: {  	s3 =	stileid.u32;
	[smem:$0x7FF] =	sst s4;
	s8 =	sand.u32 $0x1, s6  }
0x9: {  	s13 =	sshll.u32 s3, $0x7;
	s15 =	sadd.s32 $0x5000, s5;
	s5 =	sadd.s32 $0x5600, s5  }
0xa: {  	s19 =	sshll.u32 s3, $0x4;
	s11 =	sor.u32 $0x9C0, s3;
	p0 =	sgt.u32 s3, $0x7  }
0xb: {  	p1 =	sgt.u32 s3, $0x3;
	_ =	strace $0x8000004D;
	s6 =	ssub.s32 $0x2, s8  }
0xc: {  	s9 =	smin.u32 s13, $0x348;
	s20 =	sshll.u32 s8, $0x4;
	s21 =	smul.u32 $0x9E400, s8  }
0xd: {  	s22 =	sshll.u32 s11, $0x5;
	s29 =	sor.u32 $0x800, s13;
	s7 =	sshrl.u32 s6, $0x1  }
0xe: {  	s30 =	sshrl.u32 s9, $0x3;
	s10 =	sadd.s32 s16, s20;
	s14 =	sor.u32 $0x1000, s9  }
0xf: {  	s9 =	sshll.u32 s11, $0x4;
	s12 =	ssub.s32 s6, s7;
	s31 =	sadd.s32 s30, s15  }
0x10: {  	s6 =	sadd.s32 s15, s19;
	s23 =	sshll.u32 s14, $0x7;
	s8 =	sadd.s32 s17, s9  }
0x11: {  	s9 =	sadd.s32 s22, s10;
	s25 =	sshrl.u32 s14, $0x3;
	s22 =	sshll.u32 s3, $0xE  }
0x12: {  	s30 =	sshll.u32 s3, $0x5;
	s17 =	sadd.s32 s19, s17;
	s19 =	simm.s32 $0x4180  }
0x13: {  	s7 =	sadd.s32 $0x200, s31;
	s24 =	sadd.s32 s21, s23;
	s10 =	sadd.s32 s15, s25  }
0x14: {  	s28 =	sadd.s32 s21, s22;
	s12 =	smax.u32 s12, $0x1;
	s13 =	sadd.s32 $0x100, s6  }
0x15: {  	s23 =	sshll.u32 s29, $0x7;
	s22 =	sshrl.u32 s29, $0x3;
	s31 =	sadd.s32 s30, s16  }
0x16: {  	s25 =	simm.s32 $0x0;
	s26 =	sshrl.u32 s24, $0x3;
	s14 =	sshrl.u32 s28, $0x3  }
0x17: {  	s21 =	sadd.s32 s21, s23;
	s15 =	sadd.s32 s15, s22;
	s22 =	simm.s32 $0x80  }
0x18: {  	s23 =	simm.s32 $0x180;
	s24 =	simm.s32 $0x1;
	s21 =	sshrl.u32 s21, $0x3  }
0x19: {  	s11 =	sadd.s32 s18, s26;
	s14 =	sadd.s32 s18, s14;
	s16 =	sadd.s32 s18, s21  }
0x1a: {  	s18 =	sadd.s32 s20, s31;
	s20 =	simm.s32 $0x2;
	s21 =	simm.s32 $0x100  }
.LBB2_1:
0x1b: {  	[tilespmem:s19], [sflag:$0x2] =	stream.linear.gather [hbm4b:s5+s4], $0x4000, $0x38;
	[tilespmem:$0x11FC0] =	vst v63  }
0x1c: {  	_ =	swait.ge [sflag:s20], $0x4000  }
0x1d: {  	[sflag:s20] =	ssyncset.done $0x0  }
0x1e: {  	[sflag:s20] =	ssyncadd.s32 $0xFFFFC000  }
0x1f: {  	[tilespmem:s21], [sflag:$0x2] =	stream.linear.gather [hbm4b:s6+s4], $0x80, $0x38;
	[tilespmem:$0x11FC0] =	vst v63  }
0x20: {  	_ =	swait.ge [sflag:s20], $0x80  }
0x21: {  	[sflag:s20] =	ssyncset.done $0x0  }
0x22: {  	[sflag:s20] =	ssyncadd.s32 $0xFFFFFF80  }
0x23: {  	[spmem:s2] =	stream.indirect.scatter [tilespmem:s19], [sflag:$0x2], $0x80, s21, s22, $0xb8;
	[tilespmem:$0x11FC0] =	vst v63  }
0x24: {  	_ =	swait.ge [sflag:s20], $0x4000  }
0x25: {  	[sflag:s20] =	ssyncset.done $0x0  }
0x26: {  	[sflag:s20] =	ssyncadd.s32 $0xFFFFC000  }
0x27: {  	[tilespmem:s21], [sflag:$0x2] =	stream.linear.gather [hbm4b:s13+s4], $0x80, $0x38;
	[tilespmem:$0x11FC0] =	vst v63  }
0x28: {  	_ =	swait.ge [sflag:s20], $0x80  }
0x29: {  	[sflag:s20] =	ssyncset.done $0x0  }
0x2a: {  	[sflag:s20] =	ssyncadd.s32 $0xFFFFFF80  }
0x2b: {  	[spmem:s2] =	stream.indirect.scatter [tilespmem:s19], [sflag:$0x2], $0x80, s21, s22, $0xb8;
	[tilespmem:$0x11FC0] =	vst v63  }
0x2c: {  	_ =	swait.ge [sflag:s20], $0x4000  }
0x2d: {  	[sflag:s20] =	ssyncset.done $0x0  }
0x2e: {  	s26 =	simm.s32 @!p0 $0x0;
	s28 =	simm.s32 @!p0 $0x100;
	[sflag:s20] =	ssyncadd.s32 $0xFFFFC000  }
0x2f: {  	[tilespmem:s28], [sflag:$0x2] =	stream.linear.gather @!p0 [hbm4b:s7+s26], $0x80, $0x38;
	[tilespmem:$0x11FC0] =	vst v63  }
0x30: {  	s26 =	simm.s32 @!p0 $0x2  }
0x31: {  	_ =	swait.ge @!p0 [sflag:s26], $0x80  }
0x32: {  	[sflag:s26] =	ssyncset.done @!p0 $0x0  }
0x33: {  	s29 =	simm.s32 @!p0 $0x80;
	s30 =	simm.s32 @!p0 $0x4180;
	[sflag:s26] =	ssyncadd.s32 @!p0 $0xFFFFFF80  }
0x34: {  	[spmem:s2] =	stream.indirect.scatter @!p0 [tilespmem:s30], [sflag:$0x2], $0x80, s28, s29, $0xb8;
	[tilespmem:$0x11FC0] =	vst v63  }
0x35: {  	_ =	swait.ge @!p0 [sflag:s26], $0x4000  }
0x36: {  	[sflag:s26] =	ssyncset.done @!p0 $0x0  }
0x37: {  	[sflag:s26] =	ssyncadd.s32 @!p0 $0xFFFFC000  }
0x38: {  	s31 =	sadd.s32 $0x0, s17;
	[bflag:$0x0] =	sbarrier.arrive $0xFFFF  }
0x39: {  	[tilespmem:s4], [sflag:$0x2] =	stream.linear.gather [hbm4b:s31+s4], $0x80, $0x38;
	[tilespmem:$0x11FC0] =	vst v63  }
0x3a: {  	_ =	swait.ge [sflag:s20], $0x80  }
0x3b: {  	[sflag:s20] =	ssyncset.done $0x0  }
0x3c: {  	[sflag:s20] =	ssyncadd.s32 $0xFFFFFF80  }
0x3d: {  	[tilespmem:s22], [sflag:$0x2] =	stream.linear.gather [hbm4b:s18+s4], $0x80, $0x38;
	[tilespmem:$0x11FC0] =	vst v63  }
0x3e: {  	_ =	swait.ge [sflag:s20], $0x80  }
0x3f: {  	[sflag:s20] =	ssyncset.done $0x0  }
0x40: {  	[sflag:s20] =	ssyncadd.s32 $0xFFFFFF80  }
0x41: {  	[tilespmem:s23], [sflag:$0x1] =	stream.indirect.gather [hbm4b:s1+s22], $0x80, s4, s22, $0xb8;
	[tilespmem:$0x11FC0] =	vst v63  }
0x42: {  	_ =	swait.ge [sflag:s24], $0x4000  }
0x43: {  	[sflag:s24] =	ssyncset.done $0x0  }
0x44: {  	[sflag:s24] =	ssyncadd.s32 $0xFFFFC000  }
0x45: {  	[spmem:s2] =	stream.indirect.scatter.add.f32 [tilespmem:s23], [sflag:$0x2], $0x80, s22, s22, $0xb8;
	[tilespmem:$0x11FC0] =	vst v63  }
0x46: {  	s28 =	simm.s32 $0x100;
	_ =	swait.ge [sflag:s20], $0x4000  }
0x47: {  	s29 =	simm.s32 $0x200;
	s26 =	sadd.s32 $0x200, s18;
	[sflag:s20] =	ssyncset.done $0x0  }
.LBB2_2:
0x48: {  	s30 =	sadd.s32 s28, s17  }
0x49: {  	[sflag:s20] =	ssyncadd.s32 $0xFFFFC000;
	s28 =	smov.u32 s29;
	s31 =	sadd.s32 $0x100, s29  }
0x4a: {  	[tilespmem:s4], [sflag:$0x2] =	stream.linear.gather [hbm4b:s30+s4], $0x80, $0x38;
	[tilespmem:$0x11FC0] =	vst v63  }
0x4b: {  	p2 =	sne.s32 s29, $0x9B00;
	_ =	swait.ge [sflag:s20], $0x80  }
0x4c: {  	[sflag:s20] =	ssyncset.done $0x0  }
0x4d: {  	[sflag:s20] =	ssyncadd.s32 $0xFFFFFF80  }
0x4e: {  	[tilespmem:s22], [sflag:$0x2] =	stream.linear.gather [hbm4b:s26+s4], $0x80, $0x38;
	[tilespmem:$0x11FC0] =	vst v63  }
0x4f: {  	_ =	swait.ge [sflag:s20], $0x80  }
0x50: {  	[sflag:s20] =	ssyncset.done $0x0  }
0x51: {  	[sflag:s20] =	ssyncadd.s32 $0xFFFFFF80  }
0x52: {  	[tilespmem:s23], [sflag:$0x1] =	stream.indirect.gather [hbm4b:s1+s22], $0x80, s4, s22, $0xb8;
	[tilespmem:$0x11FC0] =	vst v63  }
0x53: {  	_ =	swait.ge [sflag:s24], $0x4000  }
.Ltmp0:
0x54: {  	[sflag:s24] =	ssyncset.done $0x0;
	(pc) =	sbr.rel @p2 .LBB2_2-.Ltmp0, $4  }
0x55: {  	[sflag:s24] =	ssyncadd.s32 $0xFFFFC000  }
0x56: {  	[spmem:s2] =	stream.indirect.scatter.add.f32 [tilespmem:s23], [sflag:$0x2], $0x80, s22, s22, $0xb8;
	[tilespmem:$0x11FC0] =	vst v63  }
0x57: {  	_ =	swait.ge [sflag:s20], $0x4000  }
0x58: {  	s29 =	smov.u32 s31;
	s26 =	sadd.s32 $0x200, s26;
	[sflag:s20] =	ssyncset.done $0x0  }
0x59: {  	s28 =	sadd.s32 s28, s17;
	[sflag:s20] =	ssyncadd.s32 $0xFFFFC000  }
0x5a: {  	[tilespmem:s4], [sflag:$0x2] =	stream.linear.gather [hbm4b:s28+s4], $0x80, $0x38;
	[tilespmem:$0x11FC0] =	vst v63  }
0x5b: {  	_ =	swait.ge [sflag:s20], $0x80  }
0x5c: {  	[sflag:s20] =	ssyncset.done $0x0  }
0x5d: {  	[sflag:s20] =	ssyncadd.s32 $0xFFFFFF80  }
0x5e: {  	[tilespmem:s22], [sflag:$0x2] =	stream.linear.gather [hbm4b:s26+s4], $0x80, $0x38;
	[tilespmem:$0x11FC0] =	vst v63  }
0x5f: {  	_ =	swait.ge [sflag:s20], $0x80  }
0x60: {  	[sflag:s20] =	ssyncset.done $0x0  }
0x61: {  	[sflag:s20] =	ssyncadd.s32 $0xFFFFFF80  }
0x62: {  	[tilespmem:s23], [sflag:$0x1] =	stream.indirect.gather [hbm4b:s1+s22], $0x80, s4, s22, $0xb8;
	[tilespmem:$0x11FC0] =	vst v63  }
0x63: {  	_ =	swait.ge [sflag:s24], $0x4000  }
0x64: {  	[sflag:s24] =	ssyncset.done $0x0  }
0x65: {  	[sflag:s24] =	ssyncadd.s32 $0xFFFFC000  }
0x66: {  	[spmem:s2] =	stream.indirect.scatter.add.f32 [tilespmem:s23], [sflag:$0x2], $0x80, s22, s22, $0xb8;
	[tilespmem:$0x11FC0] =	vst v63  }
0x67: {  	_ =	swait.ge [sflag:s20], $0x4000  }
0x68: {  	[sflag:s20] =	ssyncset.done $0x0  }
0x69: {  	s28 =	simm.s32 @!p1 $0x2;
	s26 =	simm.s32 @!p1 $0x0;
	[sflag:s20] =	ssyncadd.s32 $0xFFFFC000  }
0x6a: {  	[tilespmem:s26], [sflag:$0x2] =	stream.linear.gather @!p1 [hbm4b:s8+s26], $0x80, $0x38;
	[tilespmem:$0x11FC0] =	vst v63  }
0x6b: {  	_ =	swait.ge @!p1 [sflag:s28], $0x80  }
0x6c: {  	[sflag:s28] =	ssyncset.done @!p1 $0x0  }
0x6d: {  	s29 =	simm.s32 @!p1 $0x80;
	[sflag:s28] =	ssyncadd.s32 @!p1 $0xFFFFFF80  }
0x6e: {  	[tilespmem:s29], [sflag:$0x2] =	stream.linear.gather @!p1 [hbm4b:s9+s26], $0x80, $0x38;
	[tilespmem:$0x11FC0] =	vst v63  }
0x6f: {  	_ =	swait.ge @!p1 [sflag:s28], $0x80  }
0x70: {  	[sflag:s28] =	ssyncset.done @!p1 $0x0  }
0x71: {  	s30 =	simm.s32 @!p1 $0x180;
	[sflag:s28] =	ssyncadd.s32 @!p1 $0xFFFFFF80  }
0x72: {  	[tilespmem:s30], [sflag:$0x1] =	stream.indirect.gather @!p1 [hbm4b:s1+s29], $0x80, s26, s29, $0xb8;
	[tilespmem:$0x11FC0] =	vst v63  }
0x73: {  	s26 =	simm.s32 @!p1 $0x1  }
0x74: {  	_ =	swait.ge @!p1 [sflag:s26], $0x4000  }
0x75: {  	[sflag:s26] =	ssyncset.done @!p1 $0x0  }
0x76: {  	[sflag:s26] =	ssyncadd.s32 @!p1 $0xFFFFC000  }
0x77: {  	[spmem:s2] =	stream.indirect.scatter.add.f32 @!p1 [tilespmem:s30], [sflag:$0x2], $0x80, s29, s29, $0xb8;
	[tilespmem:$0x11FC0] =	vst v63  }
0x78: {  	_ =	swait.ge @!p1 [sflag:s28], $0x4000  }
0x79: {  	[sflag:s28] =	ssyncset.done @!p1 $0x0  }
0x7a: {  	[sflag:s28] =	ssyncadd.s32 @!p1 $0xFFFFC000  }
0x7b: {  	[bflag:$0x0] =	sbarrier.arrive $0xFFFF  }
0x7c: {  	[tilespmem:s21], [sflag:$0x2] =	stream.linear.gather [hbm4b:s6+s4], $0x80, $0x38;
	[tilespmem:$0x11FC0] =	vst v63  }
0x7d: {  	_ =	swait.ge [sflag:s20], $0x80  }
0x7e: {  	[sflag:s20] =	ssyncset.done $0x0  }
0x7f: {  	[sflag:s20] =	ssyncadd.s32 $0xFFFFFF80  }
0x80: {  	[tilespmem:s23], [sflag:$0x1] =	stream.indirect.gather [spmem:s2], $0x80, s21, s22, $0xb8;
	[tilespmem:$0x11FC0] =	vst v63  }
0x81: {  	_ =	swait.ge [sflag:s24], $0x4000  }
0x82: {  	[sflag:s24] =	ssyncset.done $0x0  }
0x83: {  	[sflag:s24] =	ssyncadd.s32 $0xFFFFC000  }
0x84: {  	[hbm4b:s14+s4] =	stream.linear.scatter [tilespmem:s23], [sflag:$0x2], $0x4000, $0x38;
	[tilespmem:$0x11FC0] =	vst v63  }
0x85: {  	_ =	swait.ge [sflag:s20], $0x4000  }
0x86: {  	[sflag:s20] =	ssyncset.done $0x0  }
0x87: {  	[sflag:s20] =	ssyncadd.s32 $0xFFFFC000  }
0x88: {  	[tilespmem:s21], [sflag:$0x2] =	stream.linear.gather [hbm4b:s15+s4], $0x80, $0x38;
	[tilespmem:$0x11FC0] =	vst v63  }
0x89: {  	_ =	swait.ge [sflag:s20], $0x80  }
0x8a: {  	[sflag:s20] =	ssyncset.done $0x0  }
0x8b: {  	[sflag:s20] =	ssyncadd.s32 $0xFFFFFF80  }
0x8c: {  	[tilespmem:s23], [sflag:$0x1] =	stream.indirect.gather [spmem:s2], $0x80, s21, s22, $0xb8;
	[tilespmem:$0x11FC0] =	vst v63  }
0x8d: {  	_ =	swait.ge [sflag:s24], $0x4000  }
0x8e: {  	[sflag:s24] =	ssyncset.done $0x0  }
0x8f: {  	[sflag:s24] =	ssyncadd.s32 $0xFFFFC000  }
0x90: {  	[hbm4b:s16+s4] =	stream.linear.scatter [tilespmem:s23], [sflag:$0x2], $0x4000, $0x38;
	[tilespmem:$0x11FC0] =	vst v63  }
0x91: {  	_ =	swait.ge [sflag:s20], $0x4000  }
0x92: {  	s26 =	simm.s32 @!p0 $0x0;
	[sflag:s20] =	ssyncset.done $0x0  }
0x93: {  	s29 =	simm.s32 @!p0 $0x2;
	s28 =	simm.s32 @!p0 $0x100;
	[sflag:s20] =	ssyncadd.s32 $0xFFFFC000  }
0x94: {  	[tilespmem:s28], [sflag:$0x2] =	stream.linear.gather @!p0 [hbm4b:s10+s26], $0x80, $0x38;
	[tilespmem:$0x11FC0] =	vst v63  }
0x95: {  	_ =	swait.ge @!p0 [sflag:s29], $0x80  }
0x96: {  	[sflag:s29] =	ssyncset.done @!p0 $0x0  }
0x97: {  	s31 =	simm.s32 @!p0 $0x180;
	s30 =	simm.s32 @!p0 $0x80;
	[sflag:s29] =	ssyncadd.s32 @!p0 $0xFFFFFF80  }
0x98: {  	[tilespmem:s31], [sflag:$0x1] =	stream.indirect.gather @!p0 [spmem:s2], $0x80, s28, s30, $0xb8;
	[tilespmem:$0x11FC0] =	vst v63  }
0x99: {  	s28 =	simm.s32 @!p0 $0x1  }
0x9a: {  	s25 =	sadd.s32 $0x1, s25;
	_ =	swait.ge @!p0 [sflag:s28], $0x4000  }
0x9b: {  	p2 =	sne.s32 s25, s12;
	[sflag:s28] =	ssyncset.done @!p0 $0x0  }
.Ltmp1:
0x9c: {  	[sflag:s28] =	ssyncadd.s32 @!p0 $0xFFFFC000;
	(pc) =	sbr.rel @p2 .LBB2_1-.Ltmp1, $4  }
0x9d: {  	[hbm4b:s11+s26] =	stream.linear.scatter @!p0 [tilespmem:s31], [sflag:$0x2], $0x4000, $0x38;
	[tilespmem:$0x11FC0] =	vst v63  }
0x9e: {  	_ =	swait.ge @!p0 [sflag:s29], $0x4000  }
0x9f: {  	[sflag:s29] =	ssyncset.done @!p0 $0x0  }
0xa0: {  	[sflag:s29] =	ssyncadd.s32 @!p0 $0xFFFFC000  }
0xa1: {  	_ =	sfence.sel $0x180000  }
0xa2: {  	[bflag:$0x0] =	sbarrier.arrive $0xFFFF  }
0xa3: {  	p0 =	sne.s32 s3, $0x0;
	_ =	strace $0x9000004D  }
0xa4: {  	s0 =	sadd.s32 @!p0 $0x100000, s0;
	[bflag:$0x2] =	sbarrier.arrive $0xFFFF  }
0xa5: {  	[sflag:s0] =	ssyncadd.tile.s32 @!p0 $0x1;
	_ =	shalt  }
.Lfunc_end2:
_tile_overlayer_lowered:
.L_overlay_start_2:
0xa6: {  	(tag) =	ssettag $0x2  }
0xa7: {  	s0 =	rddreg [dreg:$0x0];
	s2 =	stileid.u32  }
0xa8: {  	s1 =	rddreg [dreg:$0x1];
	p0 =	sne.s32 s2, $0x0  }
0xa9: {  	s3 =	rddreg [dreg:$0x2];
	[bflag:$0x3] =	sbarrier.arrive $0xFFFF;
	s2 =	simm.s32 @!p0 $0x1C02  }
0xaa: {  	[timem:s3], [sflag:s2] =	dma.local @!p0 [hbm:s0], s1  }
0xab: {  	s0 =	simm.s32 @!p0 $0x2  }
0xac: {  	_ =	swait.ge @!p0 [sflag:s0], s1  }
0xad: {  	s1 =	ssub.s32 @!p0 $0x0, s1;
	[sflag:s0] =	ssyncset.done @!p0 $0x0  }
0xae: {  	[sflag:s0] =	ssyncadd.s32 @!p0 s1  }
0xaf: {  	[bflag:$0x3] =	sbarrier.arrive $0xFFFF  }
0xb0: {  	_ =	shalt  }

// kernel: kernel.19.cloned.1.call-start
scs
__scs_entry_jumppad:
0x0: {  	(pc) =	sbr.rel $0x88, $3  }
0x1: {  	(tag) =	ssettag $0x0;
	lr =	simm.s32 $0x1  }
0x2: {  	[smem:$0x3F8E] =	sst lr;
	_ =	strace $0xD0000000  }
0x3: {  	_ = 	snop  }
0x4: {  	_ = 	snop  }
0x5: {  	_ = 	snop  }
0x6: {  	_ = 	snop  }
0x7: {  	_ = 	snop  }
__scs_overlays_trampoline_lowered:
0x8: {  	[smem:$0x3F9D] =	sst s0  }
0x9: {  	[smem:$0x3F9E] =	sst s1  }
0xa: {  	[smem:$0x3F9F] =	sst s2  }
0xb: {  	[smem:$0x3FA0] =	sst s3  }
0xc: {  	[smem:$0x3FA1] =	sst s4  }
0xd: {  	[smem:$0x3FA2] =	sst s5  }
0xe: {  	[smem:$0x3FA3] =	sst s6  }
0xf: {  	[smem:$0x3FA4] =	sst s7  }
0x10: {  	[smem:$0x3FA5] =	sst s8  }
0x11: {  	[smem:$0x3FA6] =	sst s9;
	s0 =	simm.s32 @!p0 $0x0  }
0x12: {  	s1 =	sld [smem:$0x3F8C];
	s0 =	simm.s32 @p0 $0x1  }
0x13: {  	[smem:$0x3FA7] =	sst s0;
	s0 =	simm.s32 @!p1 $0x0  }
0x14: {  	s2 =	sld [smem:$0x3F8B];
	s0 =	simm.s32 @p1 $0x1  }
0x15: {  	[smem:$0x3FA8] =	sst s0;
	s0 =	simm.s32 @!p2 $0x0  }
0x16: {  	s3 =	sld [smem:$0x3FDB];
	s0 =	simm.s32 @p2 $0x1  }
0x17: {  	s4 =	simm.s32 $0x1BF5;
	[smem:$0x3FAA] =	sst s0  }
0x18: {  	s0 =	sld [smem:$0x3F8D];
	_ =	swait.ge [sflag:s4], $0x0  }
0x19: {  	s7 =	sld [smem:$0x3F8E]  }
0x1a: {  	s8 =	sadd.s32 $0xFFFFE003, lr  }
0x1b: {  	s9 =	sadd.s32 $0xFFFFFEF7, lr;
	s5 =	simm.s32 $0xFFFFFFFF;
	p2 =	slt.u32 s8, $0xFFFFF086  }
0x1c: {  	p1 =	slt.u32 s9, $0xF7A;
	s5 =	simm.s32 @!p2 $0x0  }
0x1d: {  	s5 =	simm.s32 @p1 $0x1;
	p0 =	seq.s32 s7, s2  }
0x1e: {  	s7 =	smul.u32 @!p0 $0xF7A, s2;
	p2 =	seq.s32 @!p0 s5, $0x0  }
0x1f: {  	s9 =	smul.u32 $0xF7A, s1;
	s8 =	simm.s32 @!p0 $0x1BF5;
	p2 =	por !p2, p0  }
0x20: {  	[sflag:s8] =	ssyncset.s32 @!p0 $0xFFFFF086;
	s6 =	sadd.s32 @!p0 s3, s7;
	s7 =	simm.s32 @!p0 $0x108  }
0x21: {  	s3 =	sadd.s32 s3, s9;
	s6 =	sadd.s32 @!p0 $0x88, s6;
	s7 =	simm.s32 @p2 $0x1082  }
0x22: {  	[simem:s7], [sflag:s8] =	dma.local @!p0 [hbm:s6], $0xF7A  }
0x23: {  	s9 =	sor.u32 $0xD0000000, s2;
	s6 =	simm.s32 $0x108;
	_ =	swait.ge @!p0 [sflag:s8], $0x0  }
0x24: {  	s3 =	sadd.s32 $0x88, s3;
	s6 =	simm.s32 @!p1 $0x1082;
	[sflag:s4] =	ssyncset.s32 $0xFFFFF086  }
0x25: {  	[simem:s6], [sflag:s4] =	dma.local [hbm:s3], $0xF7A  }
0x26: {  	[smem:$0x3F8E] =	sst s1;
	(tag) =	ssettag s2;
	_ =	strace s9  }
0x27: {  	s1 =	sld [smem:$0x3F9E]  }
0x28: {  	s2 =	sld [smem:$0x3F9F]  }
0x29: {  	s4 =	sld [smem:$0x3FA1]  }
0x2a: {  	p0 =	seq.s32 s5, $0x0;
	s5 =	sld [smem:$0x3FA2]  }
0x2b: {  	s6 =	sld [smem:$0x3FA3]  }
0x2c: {  	s7 =	sld [smem:$0x3FA4]  }
0x2d: {  	s3 =	simm.s32 $0x108;
	s8 =	sld [smem:$0x3FA5]  }
0x2e: {  	s3 =	simm.s32 @!p0 $0x1082;
	s9 =	sld [smem:$0x3FA6]  }
0x2f: {  	lr =	sadd.s32 s0, s3;
	s0 =	sld [smem:$0x3F9D]  }
0x30: {  	s3 =	sld [smem:$0x3FA0]  }
0x31: {  	[smem:$0x3FA9] =	sst s10  }
0x32: {  	s10 =	sld [smem:$0x3FA7];
	_ =	sdelay $0x3  }
0x33: {  	p0 =	seq.s32 s10, $0x1;
	s10 =	sld [smem:$0x3FA9];
	_ =	sdelay $0x3  }
0x34: {  	[smem:$0x3FA9] =	sst s10  }
0x35: {  	s10 =	sld [smem:$0x3FA8];
	_ =	sdelay $0x3  }
0x36: {  	p1 =	seq.s32 s10, $0x1;
	s10 =	sld [smem:$0x3FA9];
	_ =	sdelay $0x3  }
0x37: {  	[smem:$0x3FA9] =	sst s10  }
0x38: {  	s10 =	sld [smem:$0x3FAA]  }
0x39: {  	_ = 	snop;
	(pc) =	sbr.ind lr, $3  }
0x3a: {  	_ = 	snop  }
0x3b: {  	_ = 	snop  }
0x3c: {  	p2 =	seq.s32 s10, $0x1;
	s10 =	sld [smem:$0x3FA9]  }
0x3d: {  	_ =	shalt  }
0x3e: {  	_ =	shalt  }
0x3f: {  	_ =	shalt  }
0x40: {  	_ =	shalt  }
0x41: {  	_ =	shalt  }
0x42: {  	_ =	shalt  }
0x43: {  	_ =	shalt  }
0x44: {  	_ =	shalt  }
0x45: {  	_ =	shalt  }
0x46: {  	_ =	shalt  }
0x47: {  	_ =	shalt  }
0x48: {  	_ =	shalt  }
0x49: {  	_ =	shalt  }
0x4a: {  	_ =	shalt  }
0x4b: {  	_ =	shalt  }
0x4c: {  	_ =	shalt  }
0x4d: {  	_ =	shalt  }
0x4e: {  	_ =	shalt  }
0x4f: {  	_ =	shalt  }
0x50: {  	_ =	shalt  }
0x51: {  	_ =	shalt  }
0x52: {  	_ =	shalt  }
0x53: {  	_ =	shalt  }
0x54: {  	_ =	shalt  }
0x55: {  	_ =	shalt  }
0x56: {  	_ =	shalt  }
0x57: {  	_ =	shalt  }
0x58: {  	_ =	shalt  }
0x59: {  	_ =	shalt  }
0x5a: {  	_ =	shalt  }
0x5b: {  	_ =	shalt  }
0x5c: {  	_ =	shalt  }
0x5d: {  	_ =	shalt  }
0x5e: {  	_ =	shalt  }
0x5f: {  	_ =	shalt  }
0x60: {  	_ =	shalt  }
0x61: {  	_ =	shalt  }
0x62: {  	_ =	shalt  }
0x63: {  	_ =	shalt  }
0x64: {  	_ =	shalt  }
0x65: {  	_ =	shalt  }
0x66: {  	_ =	shalt  }
0x67: {  	_ =	shalt  }
0x68: {  	_ =	shalt  }
0x69: {  	_ =	shalt  }
0x6a: {  	_ =	shalt  }
0x6b: {  	_ =	shalt  }
0x6c: {  	_ =	shalt  }
0x6d: {  	_ =	shalt  }
0x6e: {  	_ =	shalt  }
0x6f: {  	_ =	shalt  }
0x70: {  	_ =	shalt  }
0x71: {  	_ =	shalt  }
0x72: {  	_ =	shalt  }
0x73: {  	_ =	shalt  }
0x74: {  	_ =	shalt  }
0x75: {  	_ =	shalt  }
0x76: {  	_ =	shalt  }
0x77: {  	_ =	shalt  }
0x78: {  	_ =	shalt  }
0x79: {  	_ =	shalt  }
0x7a: {  	_ =	shalt  }
0x7b: {  	_ =	shalt  }
0x7c: {  	_ =	shalt  }
0x7d: {  	_ =	shalt  }
0x7e: {  	_ =	shalt  }
0x7f: {  	_ =	shalt  }
0x80: {  	_ =	shalt  }
0x81: {  	_ =	shalt  }
0x82: {  	_ =	shalt  }
0x83: {  	_ =	shalt  }
0x84: {  	_ =	shalt  }
0x85: {  	_ =	shalt  }
0x86: {  	_ =	shalt  }
0x87: {  	_ =	shalt  }
.Lfunc_end0:
.L_simem_size_0:
called_computation.3_lowered:
.L_overlay_start_0:
0x88: {  	s2 =	sld [smem:$0x3FD9]  }
0x89: {  	s3 =	sld [smem:$0x3FFE];
	_ =	sdelay $0x1  }
0x8a: {  	s1 =	srdreg.scid  }
0x8b: {  	s0 =	sand.u32 $0x1, s1  }
0x8c: {  	s14 =	sshll.u32 s0, $0xA;
	s2 =	sadd.s32 s3, s2  }
0x8d: {  	s2 =	sadd.s32 s2, s14  }
0x8e: {  	[smem:$0x3FB5] =	sst s2  }
0x8f: {  	_ = 	snop  }
0x90: {  	s2 =	sld [smem:$0x3FD0];
	_ =	sdelay $0x2  }
0x91: {  	s15 =	simm.s32 $0xA;
	s4 =	simm.s32 $0x10  }
0x92: {  	[smem:s4], [sflag:s15] =	dma.local [hbm:s2], $0x1  }
0x93: {  	_ =	swait.eq [sflag:s15], $0x1  }
0x94: {  	s16 =	sld [smem:$0x10];
	[sflag:s15] =	ssyncset.done $0x0  }
0x95: {  	s17 =	sld [smem:$0x12];
	[sflag:s15] =	ssyncadd.s32 $0xFFFFFFFF  }
0x96: {  	s18 =	sld [smem:$0x13];
	(tm) =	ssettm $0x1  }
0x97: {  	s5 =	sld [smem:$0x3FFB];
	_ =	sdelay $0x3  }
0x98: {  	_ =	strace s5  }
0x99: {  	s5 =	sld [smem:$0x3FFC];
	_ =	sdelay $0x3  }
0x9a: {  	_ =	strace s5  }
0x9b: {  	s5 =	sld [smem:$0x3FFD];
	_ =	sdelay $0x3  }
0x9c: {  	_ =	strace s5  }
0x9d: {  	_ =	strace $0x8FFFFFFF  }
0x9e: {  	s19 =	sld [smem:$0x3FDB];
	_ =	sdelay $0x1  }
0x9f: {  	s6 =	simm.s32 $_scs_section_size  }
0xa0: {  	s7 =	simm.s32 $_size__tile_overlayer_lowered;
	s8 =	simm.s32 $_tile_overlayer_lowered  }
0xa1: {  	s22 =	simm.s32 $0x1BFF;
	s21 =	sshll.u32 s8, $0x1;
	s5 =	sadd.s32 s6, s19  }
0xa2: {  	s9 =	simm.s32 $0x0;
	s20 =	sshll.u32 s7, $0x1;
	s7 =	sadd.s32 s21, s5  }
0xa3: {  	[timem:s9], [sflag:s22] =	dma.local [hbm:s7], s20  }
0xa4: {  	_ =	swait.ge [sflag:s22], s20  }
0xa5: {  	s6 =	ssub.s32 $0x0, s20;
	[sflag:s22] =	ssyncset.done $0x0  }
0xa6: {  	[sflag:s22] =	ssyncadd.s32 s6;
	_ =	sdelay $0x1  }
0xa7: {  	s23 =	simm.s32 $0x1B8B  }
0xa8: {  	_ =	swait.ge [sflag:s23], $0x1  }
0xa9: {  	[sflag:s23] =	ssyncset.done $0x0  }
0xaa: {  	s25 =	simm.s32 $0x1B8E;
	s24 =	sld [smem:$0x3FFE];
	[sflag:s23] =	ssyncadd.s32 $0xFFFFFFFF  }
0xab: {  	s26 =	simm.s32 $execute0_lowered;
	[smem:$0x3FD2] =	sst s25  }
0xac: {  	s7 =	sshll.u32 s26, $0x1;
	_ =	strace $0x8000004F;
	[dreg:$0x1] =	wrdreg $0xFFFFFFFF  }
0xad: {  	s28 =	simm.s32 $_size_execute0_lowered;
	s5 =	sadd.s32 s5, s7;
	[dreg:$0x0] =	wrdreg $0x0  }
0xae: {  	s7 =	sshll.u32 s28, $0x1;
	[dreg:$0x2] =	wrdreg s5  }
0xaf: {  	[dreg:$0x3] =	wrdreg s7  }
0xb0: {  	[dreg:$0x4] =	wrdreg $0xC0  }
0xb1: {  	_ =	task [dreg:s9], $0x5FFFF  }
0xb2: {  	[dreg:$0x1] =	wrdreg $0xFFFFFFFF  }
0xb3: {  	[dreg:$0x0] =	wrdreg $0x60  }
0xb4: {  	[dreg:$0x2] =	wrdreg s18  }
0xb5: {  	[dreg:$0x3] =	wrdreg s17  }
0xb6: {  	[dreg:$0x4] =	wrdreg s16  }
0xb7: {  	[dreg:$0x5] =	wrdreg s24  }
0xb8: {  	[dreg:$0x6] =	wrdreg $0x9  }
0xb9: {  	_ =	task.clear_ibuf [dreg:s9], $0x7FFFF;
	_ =	strace $0x9000004F  }
0xba: {  	s29 =	simm.s32 $0x9;
	_ =	strace $0x80000051  }
0xbb: {  	_ =	swait.ge [sflag:s29], $0x1  }
0xbc: {  	[sflag:s29] =	ssyncadd.s32 $0xFFFFFFFF  }
0xbd: {  	_ =	strace $0x90000051  }
0xbe: {  	_ =	sfence  }
0xbf: {  	s30 =	sld [smem:$0x0];
	_ =	sdelay $0x2  }
0xc0: {  	s31 =	sshll.u32 s1, $0xD;
	s1 =	sshrl.u32 s1, $0x2  }
0xc1: {  	s3 =	sand.u32 $0x4000, s31;
	s1 =	sadd.s32 s1, s30  }
0xc2: {  	s0 =	sor.u32 s3, s0;
	s1 =	sshll.u32 s1, $0x11  }
0xc3: {  	s0 =	sor.u32 s1, s0  }
0xc4: {  	s0 =	sadd.s32 $0x8F2B, s0  }
0xc5: {  	[sflag:s0] =	ssyncadd.remote.s32 $0x1  }
0xc6: {  	_ =	sfence.sel $0xFFFF  }
0xc7: {  	[dreg:$0x0] =	wrdreg $0xFFFFFFFF;
	(pc) =	sbr.abs _section_cstart, $3  }
0xc8: {  	[dreg:$0x1] =	wrdreg $0xFFFFFFFF  }
0xc9: {  	_ =	task.clear_ibuf [dreg:s9], $0x2FFFF;
	_ =	strace $0x9FFFFFFF  }
0xca: {  	(tm) =	ssettm $0x7FFFFFFF  }
0xcb: {  	_ =	shalt  }
tec
execute0_lowered:
.L_overlay_start_1:
0x0: {  	(tag) =	ssettag $0x1  }
0x1: {  	s1 =	rddreg [dreg:$0x0]  }
0x2: {  	s2 =	rddreg [dreg:$0x1]  }
0x3: {  	s9 =	rddreg [dreg:$0x2]  }
0x4: {  	s5 =	rddreg [dreg:$0x3]  }
0x5: {  	s0 =	rddreg [dreg:$0x4]  }
0x6: {  	s6 =	srdreg.scid;
	s4 =	simm.s32 $0x0;
	s3 =	stileid.u32  }
0x7: {  	s15 =	simm.s32 $0x1;
	s16 =	simm.s32 $0x2;
	s17 =	simm.s32 $0x0  }
0x8: {  	s10 =	sand.u32 $0x1, s6;
	[smem:$0x7FF] =	sst s4;
	s25 =	sshll.u32 s3, $0x8  }
0x9: {  	s11 =	sadd.s32 $0x5000, s5;
	s12 =	sadd.s32 $0x4E7000, s5;
	s30 =	sshll.u32 s3, $0xC  }
0xa: {  	p0 =	sgt.u32 s3, $0x1;
	s7 =	sshll.u32 s10, $0x7;
	s26 =	ssub.s32 $0x2, s10  }
0xb: {  	_ =	strace $0x80000050;
	s8 =	sor.u32 s7, s25;
	s28 =	sshrl.u32 s26, $0x1  }
0xc: {  	s31 =	sshll.u32 s10, $0xB;
	s7 =	sor.u32 $0x4E000, s8;
	s14 =	ssub.s32 s26, s28  }
0xd: {  	s29 =	sshrl.u32 s8, $0x3;
	s13 =	sshrl.u32 s7, $0x3;
	s7 =	sshll.u32 s7, $0x4  }
0xe: {  	s8 =	smax.u32 s14, $0x1;
	s14 =	simm.s32 $0x4080;
	s5 =	sadd.s32 s9, s13  }
0xf: {  	s6 =	sadd.s32 s11, s7;
	s7 =	sadd.s32 s12, s7;
	s9 =	sadd.s32 s29, s9  }
0x10: {  	s11 =	sadd.s32 s30, s11;
	s12 =	sadd.s32 s30, s12;
	s13 =	simm.s32 $0x80  }
0x11: {  	s10 =	sadd.s32 s31, s11;
	s11 =	sadd.s32 s31, s12;
	s12 =	simm.s32 $0x3  }
.LBB2_1:
0x12: {  	[tilespmem:s4], [sflag:$0x3] =	stream.linear.gather [hbm4b:s9+s4], $0x80, $0x38;
	[tilespmem:$0x8080] =	vst v63  }
0x13: {  	_ =	swait.ge [sflag:s12], $0x80  }
0x14: {  	[sflag:s12] =	ssyncset.done $0x0  }
0x15: {  	[sflag:s12] =	ssyncadd.s32 $0xFFFFFF80  }
0x16: {  	[tilespmem:s13], [sflag:$0x1] =	stream.indirect.gather [hbm4b:s1+s13], $0x80, s4, s13, $0xb8;
	[tilespmem:$0x8080] =	vst v63  }
0x17: {  	_ = 	snop  }
0x18: {  	[tilespmem:s14], [sflag:$0x2] =	stream.indirect.gather [hbm4b:s2+s13], $0x80, s4, s13, $0xb8;
	[tilespmem:$0x8080] =	vst v63  }
0x19: {  	_ =	swait.ge [sflag:s15], $0x4000  }
0x1a: {  	[sflag:s15] =	ssyncset.done $0x0  }
0x1b: {  	s18 =	sadd.s32 $0x0, s10;
	[sflag:s15] =	ssyncadd.s32 $0xFFFFC000  }
0x1c: {  	[hbm4b:s18+s4] =	stream.linear.scatter [tilespmem:s13], [sflag:$0x3], $0x4000, $0x38;
	[tilespmem:$0x8080] =	vst v63  }
0x1d: {  	_ =	swait.ge [sflag:s12], $0x4000  }
0x1e: {  	[sflag:s12] =	ssyncset.done $0x0  }
0x1f: {  	[sflag:s12] =	ssyncadd.s32 $0xFFFFC000  }
0x20: {  	_ =	swait.ge [sflag:s16], $0x4000  }
0x21: {  	[sflag:s16] =	ssyncset.done $0x0  }
0x22: {  	s31 =	sadd.s32 $0x0, s11;
	[sflag:s16] =	ssyncadd.s32 $0xFFFFC000  }
0x23: {  	[hbm4b:s31+s4] =	stream.linear.scatter [tilespmem:s14], [sflag:$0x3], $0x4000, $0x38;
	[tilespmem:$0x8080] =	vst v63  }
0x24: {  	_ =	swait.ge [sflag:s12], $0x4000  }
0x25: {  	s19 =	smov.u32 s9;
	s18 =	simm.s32 $0x10000;
	[sflag:s12] =	ssyncset.done $0x0  }
.LBB2_2:
0x26: {  	p1 =	sne.s32 s18, $0x4D0000;
	[sflag:s12] =	ssyncadd.s32 $0xFFFFC000;
	s19 =	sadd.s32 $0x200, s19  }
0x27: {  	[tilespmem:s4], [sflag:$0x3] =	stream.linear.gather [hbm4b:s19+s4], $0x80, $0x38;
	[tilespmem:$0x8080] =	vst v63  }
0x28: {  	s20 =	smov.u32 s18;
	s18 =	sadd.s32 $0x10000, s18;
	_ =	swait.ge [sflag:s12], $0x80  }
0x29: {  	[sflag:s12] =	ssyncset.done $0x0  }
0x2a: {  	[sflag:s12] =	ssyncadd.s32 $0xFFFFFF80  }
0x2b: {  	[tilespmem:s13], [sflag:$0x1] =	stream.indirect.gather [hbm4b:s1+s13], $0x80, s4, s13, $0xb8;
	[tilespmem:$0x8080] =	vst v63  }
0x2c: {  	_ = 	snop  }
0x2d: {  	[tilespmem:s14], [sflag:$0x2] =	stream.indirect.gather [hbm4b:s2+s13], $0x80, s4, s13, $0xb8;
	[tilespmem:$0x8080] =	vst v63  }
0x2e: {  	_ =	swait.ge [sflag:s15], $0x4000  }
0x2f: {  	[sflag:s15] =	ssyncset.done $0x0  }
0x30: {  	s21 =	sadd.s32 s20, s10;
	[sflag:s15] =	ssyncadd.s32 $0xFFFFC000  }
0x31: {  	[hbm4b:s21+s4] =	stream.linear.scatter [tilespmem:s13], [sflag:$0x3], $0x4000, $0x38;
	[tilespmem:$0x8080] =	vst v63  }
0x32: {  	_ =	swait.ge [sflag:s12], $0x4000  }
0x33: {  	[sflag:s12] =	ssyncset.done $0x0  }
0x34: {  	[sflag:s12] =	ssyncadd.s32 $0xFFFFC000  }
0x35: {  	_ =	swait.ge [sflag:s16], $0x4000  }
.Ltmp0:
0x36: {  	[sflag:s16] =	ssyncset.done $0x0;
	(pc) =	sbr.rel @p1 .LBB2_2-.Ltmp0, $4  }
0x37: {  	s20 =	sadd.s32 s20, s11;
	[sflag:s16] =	ssyncadd.s32 $0xFFFFC000  }
0x38: {  	[hbm4b:s20+s4] =	stream.linear.scatter [tilespmem:s14], [sflag:$0x3], $0x4000, $0x38;
	[tilespmem:$0x8080] =	vst v63  }
0x39: {  	_ =	swait.ge [sflag:s12], $0x4000  }
0x3a: {  	[sflag:s12] =	ssyncset.done $0x0  }
0x3b: {  	[sflag:s12] =	ssyncadd.s32 $0xFFFFC000;
	s18 =	simm.s32 @!p0 $0x0;
	s19 =	simm.s32 @!p0 $0x3  }
0x3c: {  	[tilespmem:s18], [sflag:$0x3] =	stream.linear.gather @!p0 [hbm4b:s5+s18], $0x80, $0x38;
	[tilespmem:$0x8080] =	vst v63  }
0x3d: {  	_ =	swait.ge @!p0 [sflag:s19], $0x80  }
0x3e: {  	[sflag:s19] =	ssyncset.done @!p0 $0x0  }
0x3f: {  	s20 =	simm.s32 @!p0 $0x80;
	[sflag:s19] =	ssyncadd.s32 @!p0 $0xFFFFFF80  }
0x40: {  	[tilespmem:s20], [sflag:$0x1] =	stream.indirect.gather @!p0 [hbm4b:s1+s20], $0x80, s18, s20, $0xb8;
	[tilespmem:$0x8080] =	vst v63  }
0x41: {  	s21 =	simm.s32 @!p0 $0x4080;
	s22 =	simm.s32 @!p0 $0x1  }
0x42: {  	[tilespmem:s21], [sflag:$0x2] =	stream.indirect.gather @!p0 [hbm4b:s2+s20], $0x80, s18, s20, $0xb8;
	[tilespmem:$0x8080] =	vst v63  }
0x43: {  	_ =	swait.ge @!p0 [sflag:s22], $0x4000  }
0x44: {  	[sflag:s22] =	ssyncset.done @!p0 $0x0  }
0x45: {  	[sflag:s22] =	ssyncadd.s32 @!p0 $0xFFFFC000  }
0x46: {  	[hbm4b:s6+s18] =	stream.linear.scatter @!p0 [tilespmem:s20], [sflag:$0x3], $0x4000, $0x38;
	[tilespmem:$0x8080] =	vst v63  }
0x47: {  	_ =	swait.ge @!p0 [sflag:s19], $0x4000  }
0x48: {  	[sflag:s19] =	ssyncset.done @!p0 $0x0  }
0x49: {  	s20 =	simm.s32 @!p0 $0x2;
	[sflag:s19] =	ssyncadd.s32 @!p0 $0xFFFFC000  }
0x4a: {  	s17 =	sadd.s32 $0x1, s17;
	_ =	swait.ge @!p0 [sflag:s20], $0x4000  }
0x4b: {  	p1 =	sne.s32 s17, s8;
	[sflag:s20] =	ssyncset.done @!p0 $0x0  }
.Ltmp1:
0x4c: {  	[sflag:s20] =	ssyncadd.s32 @!p0 $0xFFFFC000;
	(pc) =	sbr.rel @p1 .LBB2_1-.Ltmp1, $4  }
0x4d: {  	[hbm4b:s7+s18] =	stream.linear.scatter @!p0 [tilespmem:s21], [sflag:$0x3], $0x4000, $0x38;
	[tilespmem:$0x8080] =	vst v63  }
0x4e: {  	_ =	swait.ge @!p0 [sflag:s19], $0x4000  }
0x4f: {  	[sflag:s19] =	ssyncset.done @!p0 $0x0  }
0x50: {  	[sflag:s19] =	ssyncadd.s32 @!p0 $0xFFFFC000  }
0x51: {  	_ =	sfence.sel $0x180000  }
0x52: {  	[bflag:$0x0] =	sbarrier.arrive $0xFFFF  }
0x53: {  	p0 =	sne.s32 s3, $0x0;
	_ =	strace $0x90000050  }
0x54: {  	s0 =	sadd.s32 @!p0 $0x100000, s0;
	[bflag:$0x2] =	sbarrier.arrive $0xFFFF  }
0x55: {  	[sflag:s0] =	ssyncadd.tile.s32 @!p0 $0x1;
	_ =	shalt  }
.Lfunc_end2:
_tile_overlayer_lowered:
.L_overlay_start_2:
0x56: {  	(tag) =	ssettag $0x2  }
0x57: {  	s0 =	rddreg [dreg:$0x0];
	s2 =	stileid.u32  }
0x58: {  	s1 =	rddreg [dreg:$0x1];
	p0 =	sne.s32 s2, $0x0  }
0x59: {  	s3 =	rddreg [dreg:$0x2];
	[bflag:$0x3] =	sbarrier.arrive $0xFFFF;
	s2 =	simm.s32 @!p0 $0x1C03  }
0x5a: {  	[timem:s3], [sflag:s2] =	dma.local @!p0 [hbm:s0], s1  }
0x5b: {  	s0 =	simm.s32 @!p0 $0x3  }
0x5c: {  	_ =	swait.ge @!p0 [sflag:s0], s1  }
0x5d: {  	s1 =	ssub.s32 @!p0 $0x0, s1;
	[sflag:s0] =	ssyncset.done @!p0 $0x0  }
0x5e: {  	[sflag:s0] =	ssyncadd.s32 @!p0 s1  }
0x5f: {  	[bflag:$0x3] =	sbarrier.arrive $0xFFFF  }
0x60: {  	_ =	shalt  }

</sc_bundles>
